<compile_context>
chip_gen: v7x
topology: tpu7x:2x2x1
jax: 0.10.2.dev20260603
libtpu: 0.0.44.dev20260713+nightly
codegen_flags: <defaults>
</compile_context>

<pallas_src>
import functools

import jax
import jax.numpy as jnp
from jax import lax
from jax.experimental import pallas as pl
from jax.experimental.pallas import tpu as pltpu
from jax.experimental.pallas import tpu_sc as plsc

N = 524288
C = 19
B = 1024
TWO_B = 2 * B
NC = 2
NS = 16
NW = NC * NS
RT = N // NW
P = 1024
NCHK = RT // P
TBL = C * TWO_B
L = 16


def _sc_hist_body(xt_hbm, t_hbm, out_hbm,
                  hist, xb0, xb1, tb0, tb1, sx0, sx1, st0, st1):
    w = lax.axis_index("s") * NC + lax.axis_index("c")
    zero16 = jnp.zeros((L,), jnp.float32)
    ones16 = jnp.ones((L,), jnp.float32)

    def _zero(i, carry):
        for u in range(8):
            hist[pl.ds(i * (8 * L) + u * L, L)] = zero16
        return carry

    lax.fori_loop(0, TBL // (8 * L), _zero, 0)

    p_base = w * RT
    bufs = ((xb0, tb0, sx0, st0), (xb1, tb1, sx1, st1))

    def issue(ch, buf):
        xb, tb, sx, st = buf
        p0 = p_base + ch * P
        hx = pltpu.async_copy(xt_hbm.at[:, pl.ds(p0, P)], xb, sx)
        ht = pltpu.async_copy(t_hbm.at[pl.ds(p0, P)], tb, st)
        return hx, ht

    def wait(ch, buf):
        xb, tb, sx, st = buf
        p0 = p_base + ch * P
        pltpu.make_async_copy(xt_hbm.at[:, pl.ds(p0, P)], xb, sx).wait()
        pltpu.make_async_copy(t_hbm.at[pl.ds(p0, P)], tb, st).wait()

    def process(buf):
        xb, tb = buf[0], buf[1]

        def group_body(g, carry):
            gb = g * L
            t16 = tb[pl.ds(gb, L)]
            es = [jnp.exp(xb[c, pl.ds(gb, L)]) for c in range(C)]
            vals = list(es)
            while len(vals) > 1:
                nxt = [vals[i] + vals[i + 1] for i in range(0, len(vals) - 1, 2)]
                if len(vals) % 2:
                    nxt.append(vals[-1])
                vals = nxt
            inv_b = jnp.float32(B) / vals[0]
            for c in range(C):
                s = es[c] * inv_b
                bk = jnp.minimum(s.astype(jnp.int32), B - 1)
                idx = jnp.where(t16 == c,
                                (bk ^ (B - 1)) + (c * TWO_B + B),
                                bk + c * TWO_B)
                plsc.addupdate_scatter(hist, [idx], ones16)
            return carry

        lax.fori_loop(0, P // L, group_body, 0, unroll=2)

    issue(0, bufs[0])
    issue(1, bufs[1])

    def pair_body(k, carry):
        ch0 = 2 * k
        wait(ch0, bufs[0])
        process(bufs[0])

        @pl.when(ch0 + 2 < NCHK)
        def _():
            issue(ch0 + 2, bufs[0])

        wait(ch0 + 1, bufs[1])
        process(bufs[1])

        @pl.when(ch0 + 3 < NCHK)
        def _():
            issue(ch0 + 3, bufs[1])

        return carry

    lax.fori_loop(0, NCHK // 2, pair_body, 0)
    pltpu.sync_copy(hist, out_hbm.at[pl.ds(w * TBL, TBL)])


def _sc_hist(xt, t_flat):
    mesh = plsc.VectorSubcoreMesh(
        core_axis_name="c", subcore_axis_name="s",
        num_cores=NC, num_subcores=NS)
    kern = functools.partial(
        pl.kernel,
        out_type=jax.ShapeDtypeStruct((NW * TBL,), jnp.float32),
        mesh=mesh,
        scratch_types=[
            pltpu.VMEM((TBL,), jnp.float32),
            pltpu.VMEM((C, P), jnp.float32),
            pltpu.VMEM((C, P), jnp.float32),
            pltpu.VMEM((P,), jnp.int32),
            pltpu.VMEM((P,), jnp.int32),
            pltpu.SemaphoreType.DMA,
            pltpu.SemaphoreType.DMA,
            pltpu.SemaphoreType.DMA,
            pltpu.SemaphoreType.DMA,
        ],
        compiler_params=pltpu.CompilerParams(needs_layout_passes=False),
    )(_sc_hist_body)
    return kern(xt, t_flat)


def _fin_body(h_ref, o_ref):
    s = h_ref[pl.ds(0, TBL)]
    for wk in range(1, NW):
        s = s + h_ref[pl.ds(wk * TBL, TBL)]
    cnt_n = jnp.stack([s[c * TWO_B:c * TWO_B + B] for c in range(C)])
    cnt_p = jnp.stack([s[c * TWO_B + B:(c + 1) * TWO_B] for c in range(C)])
    cnt_a = cnt_n + cnt_p
    row = lax.broadcasted_iota(jnp.int32, (B, B), 0)
    col = lax.broadcasted_iota(jnp.int32, (B, B), 1)
    m = (row > col).astype(jnp.float32)
    dn = (((1,), (0,)), ((), ()))
    above_a = lax.dot_general(cnt_a, m, dn,
                              precision=lax.Precision.HIGHEST,
                              preferred_element_type=jnp.float32)
    above_p = lax.dot_general(cnt_p, m, dn,
                              precision=lax.Precision.HIGHEST,
                              preferred_element_type=jnp.float32)
    tot_a = jnp.sum(cnt_a, axis=-1, keepdims=True)
    tot_p = jnp.sum(cnt_p, axis=-1, keepdims=True)
    r_mid = above_a + 0.5 * cnt_a
    k_mid = above_p + 0.5 * cnt_p
    denom = tot_p + r_mid - k_mid
    j = 1.0 - (tot_p - k_mid) / denom
    j = jnp.where((above_a + cnt_a) > 0.0, j, 0.0)
    o_ref[0, 0] = jnp.sum(j) * (1.0 / (B * C))


def _finish(hist):
    return pl.pallas_call(
        _fin_body,
        out_shape=jax.ShapeDtypeStruct((1, 1), jnp.float32),
        out_specs=pl.BlockSpec(memory_space=pltpu.SMEM),
    )(hist)


def kernel(inputs, targets):
    xt = inputs.T
    t = targets.astype(jnp.int32)
    hist = _sc_hist(xt, t)
    out = _finish(hist)
    return out[0, 0]

# --- scband reference (transcript-rebuilt; emitter-appended) ---
"""Pipeline reference for scband-lovasz-softmax-83640193122776 (READ-ONLY COPY).

The authoritative reference and input builder live on the scoring server;
editing this copy changes nothing except your own understanding.
"""

import jax, jax.numpy as jnp
import numpy as np

N = 524288
C = 19

def lovasz_grad(gt_sorted):
    gts = gt_sorted.sum()
    intersection = gts - jnp.cumsum(gt_sorted, 0)
    union = gts + jnp.cumsum(1.0 - gt_sorted, 0)
    jaccard = 1.0 - intersection / union
    jaccard = jnp.concatenate([jaccard[:1], jaccard[1:] - jaccard[:-1]], axis=0)
    return jaccard

def setup_inputs(seed: int = 0) -> dict:
    key = jax.random.key(seed)
    k1, k2 = jax.random.split(key)
    inputs = jax.random.normal(k1, (N, C), dtype=jnp.float32)
    targets = jax.random.randint(k2, (N,), 0, C, dtype=jnp.int64)
    return {"inputs": inputs, "targets": targets}

def reference(inputs, targets):
    prob = jax.nn.softmax(inputs, axis=1)
    n_classes = inputs.shape[1]
    losses = []
    for c in range(n_classes):
        target_c = (targets == c).astype(jnp.float32)
        input_c = prob[:, c]
        loss_c = jnp.abs(target_c - input_c)
        order = jnp.argsort(-loss_c)
        loss_c_sorted = loss_c[order]
        target_c_sorted = target_c[order]
        grad = lovasz_grad(target_c_sorted)
        losses.append(jnp.dot(loss_c_sorted, grad))
    losses = jnp.stack(losses)
    return jnp.mean(losses)

if __name__ == "__main__":
    import jax
    _d = setup_inputs()
    print(jax.jit(kernel)(*tuple(_d.values())))

</pallas_src>

<mosaic_0001>
#map = affine_map<(d0, d1) -> (0, 0)>
#map1 = affine_map<(d0, d1) -> (0)>
module attributes {stable_mosaic.version = 14 : i64} {
  func.func @_sc_hist_body(%arg0: i32, %arg1: i32, %arg2: memref<19x524288xf32, #tpu.memory_space<hbm>>, %arg3: memref<524288xi32, #tpu.memory_space<hbm>>, %arg4: memref<1245184xf32, #tpu.memory_space<hbm>>, %arg5: memref<38912xf32, #tpu.memory_space<vmem>>, %arg6: memref<19x1024xf32, #tpu.memory_space<vmem>>, %arg7: memref<19x1024xf32, #tpu.memory_space<vmem>>, %arg8: memref<1024xi32, #tpu.memory_space<vmem>>, %arg9: memref<1024xi32, #tpu.memory_space<vmem>>, %arg10: memref<!tpu.dma_semaphore, #tpu.memory_space<semaphore_mem>>, %arg11: memref<!tpu.dma_semaphore, #tpu.memory_space<semaphore_mem>>, %arg12: memref<!tpu.dma_semaphore, #tpu.memory_space<semaphore_mem>>, %arg13: memref<!tpu.dma_semaphore, #tpu.memory_space<semaphore_mem>>) attributes {dimension_semantics = [#tpu.dimension_semantics<core_parallel>, #tpu.dimension_semantics<subcore_parallel>], iteration_bounds = array<i64: 2, 16>, scalar_prefetch = 0 : i64, scratch_operands = 9 : i64, tpu.core_type = #tpu.core_type<sc_vector_subcore>, window_params = [{transform_indices = #map}, {transform_indices = #map1}, {transform_indices = #map1}]} {
    %mul3A = arith.constant 2 : i32
    %mul3A_0 = arith.muli %arg1, %mul3A : i32
    %add3A = arith.addi %mul3A_0, %arg0 : i32
    %broadcast_in_dim3A = arith.constant 0.000000e+00 : f32
    %broadcast_in_dim3A_1 = vector.broadcast %broadcast_in_dim3A : f32 to vector<16xf32>
    %broadcast_in_dim3A_2 = arith.constant 1.000000e+00 : f32
    %broadcast_in_dim3A_3 = vector.broadcast %broadcast_in_dim3A_2 : f32 to vector<16xf32>
    %scan3A = arith.constant 0 : i32
    %scan3A_4 = arith.constant 0 : i32
    %scan3A_5 = arith.constant 304 : i32
    %scan3A_6 = arith.addi %scan3A_4, %scan3A_5 : i32
    %scan3A_7 = arith.constant 1 : i32
    scf.for %scan3A_34 = %scan3A_4 to %scan3A_6 step %scan3A_7  : i32 {
      %mul3A_35 = arith.constant 128 : i32
      %mul3A_36 = arith.muli %scan3A_34, %mul3A_35 : i32
      %add3A_37 = arith.constant 0 : i32
      %add3A_38 = arith.addi %mul3A_36, %add3A_37 : i32
      %swap3A = arith.index_cast %add3A_38 : i32 to index
      %swap3A_39 = tpu.vector_load %arg5[%swap3A] {strides = array<i32>} : memref<38912xf32, #tpu.memory_space<vmem>>, vector<16xf32>,
      tpu.vector_store %arg5[%swap3A], %broadcast_in_dim3A_1 {strides = array<i32>} : memref<38912xf32, #tpu.memory_space<vmem>>, vector<16xf32>,
      %mul3A_40 = arith.constant 128 : i32
      %mul3A_41 = arith.muli %scan3A_34, %mul3A_40 : i32
      %add3A_42 = arith.constant 16 : i32
      %add3A_43 = arith.addi %mul3A_41, %add3A_42 : i32
      %swap3A_44 = arith.index_cast %add3A_43 : i32 to index
      %swap3A_45 = tpu.vector_load %arg5[%swap3A_44] {strides = array<i32>} : memref<38912xf32, #tpu.memory_space<vmem>>, vector<16xf32>,
      tpu.vector_store %arg5[%swap3A_44], %broadcast_in_dim3A_1 {strides = array<i32>} : memref<38912xf32, #tpu.memory_space<vmem>>, vector<16xf32>,
      %mul3A_46 = arith.constant 128 : i32
      %mul3A_47 = arith.muli %scan3A_34, %mul3A_46 : i32
      %add3A_48 = arith.constant 32 : i32
      %add3A_49 = arith.addi %mul3A_47, %add3A_48 : i32
      %swap3A_50 = arith.index_cast %add3A_49 : i32 to index
      %swap3A_51 = tpu.vector_load %arg5[%swap3A_50] {strides = array<i32>} : memref<38912xf32, #tpu.memory_space<vmem>>, vector<16xf32>,
      tpu.vector_store %arg5[%swap3A_50], %broadcast_in_dim3A_1 {strides = array<i32>} : memref<38912xf32, #tpu.memory_space<vmem>>, vector<16xf32>,
      %mul3A_52 = arith.constant 128 : i32
      %mul3A_53 = arith.muli %scan3A_34, %mul3A_52 : i32
      %add3A_54 = arith.constant 48 : i32
      %add3A_55 = arith.addi %mul3A_53, %add3A_54 : i32
      %swap3A_56 = arith.index_cast %add3A_55 : i32 to index
      %swap3A_57 = tpu.vector_load %arg5[%swap3A_56] {strides = array<i32>} : memref<38912xf32, #tpu.memory_space<vmem>>, vector<16xf32>,
      tpu.vector_store %arg5[%swap3A_56], %broadcast_in_dim3A_1 {strides = array<i32>} : memref<38912xf32, #tpu.memory_space<vmem>>, vector<16xf32>,
      %mul3A_58 = arith.constant 128 : i32
      %mul3A_59 = arith.muli %scan3A_34, %mul3A_58 : i32
      %add3A_60 = arith.constant 64 : i32
      %add3A_61 = arith.addi %mul3A_59, %add3A_60 : i32
      %swap3A_62 = arith.index_cast %add3A_61 : i32 to index
      %swap3A_63 = tpu.vector_load %arg5[%swap3A_62] {strides = array<i32>} : memref<38912xf32, #tpu.memory_space<vmem>>, vector<16xf32>,
      tpu.vector_store %arg5[%swap3A_62], %broadcast_in_dim3A_1 {strides = array<i32>} : memref<38912xf32, #tpu.memory_space<vmem>>, vector<16xf32>,
      %mul3A_64 = arith.constant 128 : i32
      %mul3A_65 = arith.muli %scan3A_34, %mul3A_64 : i32
      %add3A_66 = arith.constant 80 : i32
      %add3A_67 = arith.addi %mul3A_65, %add3A_66 : i32
      %swap3A_68 = arith.index_cast %add3A_67 : i32 to index
      %swap3A_69 = tpu.vector_load %arg5[%swap3A_68] {strides = array<i32>} : memref<38912xf32, #tpu.memory_space<vmem>>, vector<16xf32>,
      tpu.vector_store %arg5[%swap3A_68], %broadcast_in_dim3A_1 {strides = array<i32>} : memref<38912xf32, #tpu.memory_space<vmem>>, vector<16xf32>,
      %mul3A_70 = arith.constant 128 : i32
      %mul3A_71 = arith.muli %scan3A_34, %mul3A_70 : i32
      %add3A_72 = arith.constant 96 : i32
      %add3A_73 = arith.addi %mul3A_71, %add3A_72 : i32
      %swap3A_74 = arith.index_cast %add3A_73 : i32 to index
      %swap3A_75 = tpu.vector_load %arg5[%swap3A_74] {strides = array<i32>} : memref<38912xf32, #tpu.memory_space<vmem>>, vector<16xf32>,
      tpu.vector_store %arg5[%swap3A_74], %broadcast_in_dim3A_1 {strides = array<i32>} : memref<38912xf32, #tpu.memory_space<vmem>>, vector<16xf32>,
      %mul3A_76 = arith.constant 128 : i32
      %mul3A_77 = arith.muli %scan3A_34, %mul3A_76 : i32
      %add3A_78 = arith.constant 112 : i32
      %add3A_79 = arith.addi %mul3A_77, %add3A_78 : i32
      %swap3A_80 = arith.index_cast %add3A_79 : i32 to index
      %swap3A_81 = tpu.vector_load %arg5[%swap3A_80] {strides = array<i32>} : memref<38912xf32, #tpu.memory_space<vmem>>, vector<16xf32>,
      tpu.vector_store %arg5[%swap3A_80], %broadcast_in_dim3A_1 {strides = array<i32>} : memref<38912xf32, #tpu.memory_space<vmem>>, vector<16xf32>,
    }
    %scan3A_8 = arith.constant 304 : i32
    %mul3A_9 = arith.constant 16384 : i32
    %mul3A_10 = arith.muli %add3A, %mul3A_9 : i32
    %add3A_11 = arith.constant 0 : i32
    %add3A_12 = arith.addi %mul3A_10, %add3A_11 : i32
    %dma_start3A = arith.constant 0 : i32
    %dma_start3A_13 = tpu.memref_slice %arg2[%dma_start3A, %add3A_12] : memref<19x524288xf32, #tpu.memory_space<hbm>> -> memref<19x1024xf32, #tpu.memory_space<hbm>>
    %dma_start3A_14 = arith.constant 0 : i32
    %dma_start3A_15 = tpu.memref_slice %arg2[%dma_start3A_14, %add3A_12] : memref<19x524288xf32, #tpu.memory_space<hbm>> -> memref<19x1024xf32, #tpu.memory_space<hbm>>
    tpu.enqueue_dma source(%dma_start3A_15 : memref<19x1024xf32, #tpu.memory_space<hbm>>) target(%arg6 : memref<19x1024xf32, #tpu.memory_space<vmem>>) target_semaphore(%arg10 : memref<!tpu.dma_semaphore, #tpu.memory_space<semaphore_mem>>)
    %dma_start3A_16 = tpu.memref_slice %arg3[%add3A_12] : memref<524288xi32, #tpu.memory_space<hbm>> -> memref<1024xi32, #tpu.memory_space<hbm>>
    %dma_start3A_17 = tpu.memref_slice %arg3[%add3A_12] : memref<524288xi32, #tpu.memory_space<hbm>> -> memref<1024xi32, #tpu.memory_space<hbm>>
    tpu.enqueue_dma source(%dma_start3A_17 : memref<1024xi32, #tpu.memory_space<hbm>>) target(%arg8 : memref<1024xi32, #tpu.memory_space<vmem>>) target_semaphore(%arg12 : memref<!tpu.dma_semaphore, #tpu.memory_space<semaphore_mem>>)
    %add3A_18 = arith.constant 1024 : i32
    %add3A_19 = arith.addi %mul3A_10, %add3A_18 : i32
    %dma_start3A_20 = arith.constant 0 : i32
    %dma_start3A_21 = tpu.memref_slice %arg2[%dma_start3A_20, %add3A_19] : memref<19x524288xf32, #tpu.memory_space<hbm>> -> memref<19x1024xf32, #tpu.memory_space<hbm>>
    %dma_start3A_22 = arith.constant 0 : i32
    %dma_start3A_23 = tpu.memref_slice %arg2[%dma_start3A_22, %add3A_19] : memref<19x524288xf32, #tpu.memory_space<hbm>> -> memref<19x1024xf32, #tpu.memory_space<hbm>>
    tpu.enqueue_dma source(%dma_start3A_23 : memref<19x1024xf32, #tpu.memory_space<hbm>>) target(%arg7 : memref<19x1024xf32, #tpu.memory_space<vmem>>) target_semaphore(%arg11 : memref<!tpu.dma_semaphore, #tpu.memory_space<semaphore_mem>>)
    %dma_start3A_24 = tpu.memref_slice %arg3[%add3A_19] : memref<524288xi32, #tpu.memory_space<hbm>> -> memref<1024xi32, #tpu.memory_space<hbm>>
    %dma_start3A_25 = tpu.memref_slice %arg3[%add3A_19] : memref<524288xi32, #tpu.memory_space<hbm>> -> memref<1024xi32, #tpu.memory_space<hbm>>
    tpu.enqueue_dma source(%dma_start3A_25 : memref<1024xi32, #tpu.memory_space<hbm>>) target(%arg9 : memref<1024xi32, #tpu.memory_space<vmem>>) target_semaphore(%arg13 : memref<!tpu.dma_semaphore, #tpu.memory_space<semaphore_mem>>)
    %scan3A_26 = arith.constant 0 : i32
    %scan3A_27 = arith.constant 0 : i32
    %scan3A_28 = arith.constant 8 : i32
    %scan3A_29 = arith.addi %scan3A_27, %scan3A_28 : i32
    %scan3A_30 = arith.constant 1 : i32
    scf.for %scan3A_34 = %scan3A_27 to %scan3A_29 step %scan3A_30  : i32 {
      %mul3A_35 = arith.constant 2 : i32
      %mul3A_36 = arith.muli %mul3A_35, %scan3A_34 : i32
      %mul3A_37 = arith.constant 1024 : i32
      %mul3A_38 = arith.muli %mul3A_36, %mul3A_37 : i32
      %add3A_39 = arith.addi %mul3A_10, %mul3A_38 : i32
      %dma_wait3A = arith.constant 0 : i32
      %dma_wait3A_40 = tpu.memref_slice %arg2[%dma_wait3A, %add3A_39] : memref<19x524288xf32, #tpu.memory_space<hbm>> -> memref<19x1024xf32, #tpu.memory_space<hbm>>
      %dma_wait3A_41 = arith.constant 0 : i32
      %dma_wait3A_42 = tpu.memref_slice %arg2[%dma_wait3A_41, %add3A_39] : memref<19x524288xf32, #tpu.memory_space<hbm>> -> memref<19x1024xf32, #tpu.memory_space<hbm>>
      tpu.wait_dma2 semaphore(%arg10 : memref<!tpu.dma_semaphore, #tpu.memory_space<semaphore_mem>>) src(%dma_wait3A_42 : memref<19x1024xf32, #tpu.memory_space<hbm>>) dst(%arg6 : memref<19x1024xf32, #tpu.memory_space<vmem>>)
      %dma_wait3A_43 = tpu.memref_slice %arg3[%add3A_39] : memref<524288xi32, #tpu.memory_space<hbm>> -> memref<1024xi32, #tpu.memory_space<hbm>>
      %dma_wait3A_44 = tpu.memref_slice %arg3[%add3A_39] : memref<524288xi32, #tpu.memory_space<hbm>> -> memref<1024xi32, #tpu.memory_space<hbm>>
      tpu.wait_dma2 semaphore(%arg12 : memref<!tpu.dma_semaphore, #tpu.memory_space<semaphore_mem>>) src(%dma_wait3A_44 : memref<1024xi32, #tpu.memory_space<hbm>>) dst(%arg8 : memref<1024xi32, #tpu.memory_space<vmem>>)
      %scan3A_45 = arith.constant 0 : i32
      %scan3A_46 = arith.constant 0 : i32
      %scan3A_47 = arith.constant 64 : i32
      %scan3A_48 = arith.addi %scan3A_46, %scan3A_47 : i32
      %scan3A_49 = arith.constant 2 : i32
      scf.for %scan3A_79 = %scan3A_46 to %scan3A_48 step %scan3A_49  : i32 {
        %mul3A_80 = arith.constant 16 : i32
        %mul3A_81 = arith.muli %scan3A_79, %mul3A_80 : i32
        %get3A = arith.index_cast %mul3A_81 : i32 to index
        %get3A_82 = tpu.vector_load %arg8[%get3A] {strides = array<i32>} : memref<1024xi32, #tpu.memory_space<vmem>>, vector<16xi32>,
        %get3A_83 = arith.constant 0 : i32
        %get3A_84 = arith.index_cast %get3A_83 : i32 to index
        %get3A_85 = arith.index_cast %mul3A_81 : i32 to index
        %get3A_86 = tpu.vector_load %arg6[%get3A_84, %get3A_85] {strides = array<i32>} : memref<19x1024xf32, #tpu.memory_space<vmem>>, vector<16xf32>,
        %exp3A = math.exp %get3A_86 : vector<16xf32>
        %get3A_87 = arith.constant 1 : i32
        %get3A_88 = arith.index_cast %get3A_87 : i32 to index
        %get3A_89 = arith.index_cast %mul3A_81 : i32 to index
        %get3A_90 = tpu.vector_load %arg6[%get3A_88, %get3A_89] {strides = array<i32>} : memref<19x1024xf32, #tpu.memory_space<vmem>>, vector<16xf32>,
        %exp3A_91 = math.exp %get3A_90 : vector<16xf32>
        %get3A_92 = arith.constant 2 : i32
        %get3A_93 = arith.index_cast %get3A_92 : i32 to index
        %get3A_94 = arith.index_cast %mul3A_81 : i32 to index
        %get3A_95 = tpu.vector_load %arg6[%get3A_93, %get3A_94] {strides = array<i32>} : memref<19x1024xf32, #tpu.memory_space<vmem>>, vector<16xf32>,
        %exp3A_96 = math.exp %get3A_95 : vector<16xf32>
        %get3A_97 = arith.constant 3 : i32
        %get3A_98 = arith.index_cast %get3A_97 : i32 to index
        %get3A_99 = arith.index_cast %mul3A_81 : i32 to index
        %get3A_100 = tpu.vector_load %arg6[%get3A_98, %get3A_99] {strides = array<i32>} : memref<19x1024xf32, #tpu.memory_space<vmem>>, vector<16xf32>,
        %exp3A_101 = math.exp %get3A_100 : vector<16xf32>
        %get3A_102 = arith.constant 4 : i32
        %get3A_103 = arith.index_cast %get3A_102 : i32 to index
        %get3A_104 = arith.index_cast %mul3A_81 : i32 to index
        %get3A_105 = tpu.vector_load %arg6[%get3A_103, %get3A_104] {strides = array<i32>} : memref<19x1024xf32, #tpu.memory_space<vmem>>, vector<16xf32>,
        %exp3A_106 = math.exp %get3A_105 : vector<16xf32>
        %get3A_107 = arith.constant 5 : i32
        %get3A_108 = arith.index_cast %get3A_107 : i32 to index
        %get3A_109 = arith.index_cast %mul3A_81 : i32 to index
        %get3A_110 = tpu.vector_load %arg6[%get3A_108, %get3A_109] {strides = array<i32>} : memref<19x1024xf32, #tpu.memory_space<vmem>>, vector<16xf32>,
        %exp3A_111 = math.exp %get3A_110 : vector<16xf32>
        %get3A_112 = arith.constant 6 : i32
        %get3A_113 = arith.index_cast %get3A_112 : i32 to index
        %get3A_114 = arith.index_cast %mul3A_81 : i32 to index
        %get3A_115 = tpu.vector_load %arg6[%get3A_113, %get3A_114] {strides = array<i32>} : memref<19x1024xf32, #tpu.memory_space<vmem>>, vector<16xf32>,
        %exp3A_116 = math.exp %get3A_115 : vector<16xf32>
        %get3A_117 = arith.constant 7 : i32
        %get3A_118 = arith.index_cast %get3A_117 : i32 to index
        %get3A_119 = arith.index_cast %mul3A_81 : i32 to index
        %get3A_120 = tpu.vector_load %arg6[%get3A_118, %get3A_119] {strides = array<i32>} : memref<19x1024xf32, #tpu.memory_space<vmem>>, vector<16xf32>,
        %exp3A_121 = math.exp %get3A_120 : vector<16xf32>
        %get3A_122 = arith.constant 8 : i32
        %get3A_123 = arith.index_cast %get3A_122 : i32 to index
        %get3A_124 = arith.index_cast %mul3A_81 : i32 to index
        %get3A_125 = tpu.vector_load %arg6[%get3A_123, %get3A_124] {strides = array<i32>} : memref<19x1024xf32, #tpu.memory_space<vmem>>, vector<16xf32>,
        %exp3A_126 = math.exp %get3A_125 : vector<16xf32>
        %get3A_127 = arith.constant 9 : i32
        %get3A_128 = arith.index_cast %get3A_127 : i32 to index
        %get3A_129 = arith.index_cast %mul3A_81 : i32 to index
        %get3A_130 = tpu.vector_load %arg6[%get3A_128, %get3A_129] {strides = array<i32>} : memref<19x1024xf32, #tpu.memory_space<vmem>>, vector<16xf32>,
        %exp3A_131 = math.exp %get3A_130 : vector<16xf32>
        %get3A_132 = arith.constant 10 : i32
        %get3A_133 = arith.index_cast %get3A_132 : i32 to index
        %get3A_134 = arith.index_cast %mul3A_81 : i32 to index
        %get3A_135 = tpu.vector_load %arg6[%get3A_133, %get3A_134] {strides = array<i32>} : memref<19x1024xf32, #tpu.memory_space<vmem>>, vector<16xf32>,
        %exp3A_136 = math.exp %get3A_135 : vector<16xf32>
        %get3A_137 = arith.constant 11 : i32
        %get3A_138 = arith.index_cast %get3A_137 : i32 to index
        %get3A_139 = arith.index_cast %mul3A_81 : i32 to index
        %get3A_140 = tpu.vector_load %arg6[%get3A_138, %get3A_139] {strides = array<i32>} : memref<19x1024xf32, #tpu.memory_space<vmem>>, vector<16xf32>,
        %exp3A_141 = math.exp %get3A_140 : vector<16xf32>
        %get3A_142 = arith.constant 12 : i32
        %get3A_143 = arith.index_cast %get3A_142 : i32 to index
        %get3A_144 = arith.index_cast %mul3A_81 : i32 to index
        %get3A_145 = tpu.vector_load %arg6[%get3A_143, %get3A_144] {strides = array<i32>} : memref<19x1024xf32, #tpu.memory_space<vmem>>, vector<16xf32>,
        %exp3A_146 = math.exp %get3A_145 : vector<16xf32>
        %get3A_147 = arith.constant 13 : i32
        %get3A_148 = arith.index_cast %get3A_147 : i32 to index
        %get3A_149 = arith.index_cast %mul3A_81 : i32 to index
        %get3A_150 = tpu.vector_load %arg6[%get3A_148, %get3A_149] {strides = array<i32>} : memref<19x1024xf32, #tpu.memory_space<vmem>>, vector<16xf32>,
        %exp3A_151 = math.exp %get3A_150 : vector<16xf32>
        %get3A_152 = arith.constant 14 : i32
        %get3A_153 = arith.index_cast %get3A_152 : i32 to index
        %get3A_154 = arith.index_cast %mul3A_81 : i32 to index
        %get3A_155 = tpu.vector_load %arg6[%get3A_153, %get3A_154] {strides = array<i32>} : memref<19x1024xf32, #tpu.memory_space<vmem>>, vector<16xf32>,
        %exp3A_156 = math.exp %get3A_155 : vector<16xf32>
        %get3A_157 = arith.constant 15 : i32
        %get3A_158 = arith.index_cast %get3A_157 : i32 to index
        %get3A_159 = arith.index_cast %mul3A_81 : i32 to index
        %get3A_160 = tpu.vector_load %arg6[%get3A_158, %get3A_159] {strides = array<i32>} : memref<19x1024xf32, #tpu.memory_space<vmem>>, vector<16xf32>,
        %exp3A_161 = math.exp %get3A_160 : vector<16xf32>
        %get3A_162 = arith.constant 16 : i32
        %get3A_163 = arith.index_cast %get3A_162 : i32 to index
        %get3A_164 = arith.index_cast %mul3A_81 : i32 to index
        %get3A_165 = tpu.vector_load %arg6[%get3A_163, %get3A_164] {strides = array<i32>} : memref<19x1024xf32, #tpu.memory_space<vmem>>, vector<16xf32>,
        %exp3A_166 = math.exp %get3A_165 : vector<16xf32>
        %get3A_167 = arith.constant 17 : i32
        %get3A_168 = arith.index_cast %get3A_167 : i32 to index
        %get3A_169 = arith.index_cast %mul3A_81 : i32 to index
        %get3A_170 = tpu.vector_load %arg6[%get3A_168, %get3A_169] {strides = array<i32>} : memref<19x1024xf32, #tpu.memory_space<vmem>>, vector<16xf32>,
        %exp3A_171 = math.exp %get3A_170 : vector<16xf32>
        %get3A_172 = arith.constant 18 : i32
        %get3A_173 = arith.index_cast %get3A_172 : i32 to index
        %get3A_174 = arith.index_cast %mul3A_81 : i32 to index
        %get3A_175 = tpu.vector_load %arg6[%get3A_173, %get3A_174] {strides = array<i32>} : memref<19x1024xf32, #tpu.memory_space<vmem>>, vector<16xf32>,
        %exp3A_176 = math.exp %get3A_175 : vector<16xf32>
        %add3A_177 = arith.addf %exp3A, %exp3A_91 : vector<16xf32>
        %add3A_178 = arith.addf %exp3A_96, %exp3A_101 : vector<16xf32>
        %add3A_179 = arith.addf %exp3A_106, %exp3A_111 : vector<16xf32>
        %add3A_180 = arith.addf %exp3A_116, %exp3A_121 : vector<16xf32>
        %add3A_181 = arith.addf %exp3A_126, %exp3A_131 : vector<16xf32>
        %add3A_182 = arith.addf %exp3A_136, %exp3A_141 : vector<16xf32>
        %add3A_183 = arith.addf %exp3A_146, %exp3A_151 : vector<16xf32>
        %add3A_184 = arith.addf %exp3A_156, %exp3A_161 : vector<16xf32>
        %add3A_185 = arith.addf %exp3A_166, %exp3A_171 : vector<16xf32>
        %add3A_186 = arith.addf %add3A_177, %add3A_178 : vector<16xf32>
        %add3A_187 = arith.addf %add3A_179, %add3A_180 : vector<16xf32>
        %add3A_188 = arith.addf %add3A_181, %add3A_182 : vector<16xf32>
        %add3A_189 = arith.addf %add3A_183, %add3A_184 : vector<16xf32>
        %add3A_190 = arith.addf %add3A_185, %exp3A_176 : vector<16xf32>
        %add3A_191 = arith.addf %add3A_186, %add3A_187 : vector<16xf32>
        %add3A_192 = arith.addf %add3A_188, %add3A_189 : vector<16xf32>
        %add3A_193 = arith.addf %add3A_191, %add3A_192 : vector<16xf32>
        %add3A_194 = arith.addf %add3A_193, %add3A_190 : vector<16xf32>
        %div3A = arith.constant 1.024000e+03 : f32
        %div3A_195 = vector.broadcast %div3A : f32 to vector<16xf32>
        %div3A_196 = arith.divf %div3A_195, %add3A_194 : vector<16xf32>
        %mul3A_197 = arith.mulf %exp3A, %div3A_196 : vector<16xf32>
        %convert_element_type3A_198 = arith.fptosi %mul3A_197 : vector<16xf32> to vector<16xi32>
        %min3A = arith.constant 1023 : i32
        %min3A_199 = vector.broadcast %min3A : i32 to vector<16xi32>
        %min3A_200 = arith.minsi %convert_element_type3A_198, %min3A_199 : vector<16xi32>
        %eq3A = arith.constant 0 : i32
        %eq3A_201 = vector.broadcast %eq3A : i32 to vector<16xi32>
        %eq3A_202 = arith.cmpi eq, %get3A_82, %eq3A_201 : vector<16xi32>
        %xor3A = arith.constant 1023 : i32
        %xor3A_203 = vector.broadcast %xor3A : i32 to vector<16xi32>
        %xor3A_204 = arith.xori %min3A_200, %xor3A_203 : vector<16xi32>
        %add3A_205 = arith.constant 1024 : i32
        %add3A_206 = vector.broadcast %add3A_205 : i32 to vector<16xi32>
        %add3A_207 = arith.addi %xor3A_204, %add3A_206 : vector<16xi32>
        %add3A_208 = arith.constant 0 : i32
        %add3A_209 = vector.broadcast %add3A_208 : i32 to vector<16xi32>
        %add3A_210 = arith.addi %min3A_200, %add3A_209 : vector<16xi32>
        %select_n3A = arith.select %eq3A_202, %add3A_207, %add3A_210 : vector<16xi1>, vector<16xi32>
        tpu.vector_store_idx %arg5[%select_n3A], %broadcast_in_dim3A_3 {add = true} : memref<38912xf32, #tpu.memory_space<vmem>>[vector<16xi32>], vector<16xf32>,
        %mul3A_211 = arith.mulf %exp3A_91, %div3A_196 : vector<16xf32>
        %convert_element_type3A_212 = arith.fptosi %mul3A_211 : vector<16xf32> to vector<16xi32>
        %min3A_213 = arith.constant 1023 : i32
        %min3A_214 = vector.broadcast %min3A_213 : i32 to vector<16xi32>
        %min3A_215 = arith.minsi %convert_element_type3A_212, %min3A_214 : vector<16xi32>
        %eq3A_216 = arith.constant 1 : i32
        %eq3A_217 = vector.broadcast %eq3A_216 : i32 to vector<16xi32>
        %eq3A_218 = arith.cmpi eq, %get3A_82, %eq3A_217 : vector<16xi32>
        %xor3A_219 = arith.constant 1023 : i32
        %xor3A_220 = vector.broadcast %xor3A_219 : i32 to vector<16xi32>
        %xor3A_221 = arith.xori %min3A_215, %xor3A_220 : vector<16xi32>
        %add3A_222 = arith.constant 3072 : i32
        %add3A_223 = vector.broadcast %add3A_222 : i32 to vector<16xi32>
        %add3A_224 = arith.addi %xor3A_221, %add3A_223 : vector<16xi32>
        %add3A_225 = arith.constant 2048 : i32
        %add3A_226 = vector.broadcast %add3A_225 : i32 to vector<16xi32>
        %add3A_227 = arith.addi %min3A_215, %add3A_226 : vector<16xi32>
        %select_n3A_228 = arith.select %eq3A_218, %add3A_224, %add3A_227 : vector<16xi1>, vector<16xi32>
        tpu.vector_store_idx %arg5[%select_n3A_228], %broadcast_in_dim3A_3 {add = true} : memref<38912xf32, #tpu.memory_space<vmem>>[vector<16xi32>], vector<16xf32>,
        %mul3A_229 = arith.mulf %exp3A_96, %div3A_196 : vector<16xf32>
        %convert_element_type3A_230 = arith.fptosi %mul3A_229 : vector<16xf32> to vector<16xi32>
        %min3A_231 = arith.constant 1023 : i32
        %min3A_232 = vector.broadcast %min3A_231 : i32 to vector<16xi32>
        %min3A_233 = arith.minsi %convert_element_type3A_230, %min3A_232 : vector<16xi32>
        %eq3A_234 = arith.constant 2 : i32
        %eq3A_235 = vector.broadcast %eq3A_234 : i32 to vector<16xi32>
        %eq3A_236 = arith.cmpi eq, %get3A_82, %eq3A_235 : vector<16xi32>
        %xor3A_237 = arith.constant 1023 : i32
        %xor3A_238 = vector.broadcast %xor3A_237 : i32 to vector<16xi32>
        %xor3A_239 = arith.xori %min3A_233, %xor3A_238 : vector<16xi32>
        %add3A_240 = arith.constant 5120 : i32
        %add3A_241 = vector.broadcast %add3A_240 : i32 to vector<16xi32>
        %add3A_242 = arith.addi %xor3A_239, %add3A_241 : vector<16xi32>
        %add3A_243 = arith.constant 4096 : i32
        %add3A_244 = vector.broadcast %add3A_243 : i32 to vector<16xi32>
        %add3A_245 = arith.addi %min3A_233, %add3A_244 : vector<16xi32>
        %select_n3A_246 = arith.select %eq3A_236, %add3A_242, %add3A_245 : vector<16xi1>, vector<16xi32>
        tpu.vector_store_idx %arg5[%select_n3A_246], %broadcast_in_dim3A_3 {add = true} : memref<38912xf32, #tpu.memory_space<vmem>>[vector<16xi32>], vector<16xf32>,
        %mul3A_247 = arith.mulf %exp3A_101, %div3A_196 : vector<16xf32>
        %convert_element_type3A_248 = arith.fptosi %mul3A_247 : vector<16xf32> to vector<16xi32>
        %min3A_249 = arith.constant 1023 : i32
        %min3A_250 = vector.broadcast %min3A_249 : i32 to vector<16xi32>
        %min3A_251 = arith.minsi %convert_element_type3A_248, %min3A_250 : vector<16xi32>
        %eq3A_252 = arith.constant 3 : i32
        %eq3A_253 = vector.broadcast %eq3A_252 : i32 to vector<16xi32>
        %eq3A_254 = arith.cmpi eq, %get3A_82, %eq3A_253 : vector<16xi32>
        %xor3A_255 = arith.constant 1023 : i32
        %xor3A_256 = vector.broadcast %xor3A_255 : i32 to vector<16xi32>
        %xor3A_257 = arith.xori %min3A_251, %xor3A_256 : vector<16xi32>
        %add3A_258 = arith.constant 7168 : i32
        %add3A_259 = vector.broadcast %add3A_258 : i32 to vector<16xi32>
        %add3A_260 = arith.addi %xor3A_257, %add3A_259 : vector<16xi32>
        %add3A_261 = arith.constant 6144 : i32
        %add3A_262 = vector.broadcast %add3A_261 : i32 to vector<16xi32>
        %add3A_263 = arith.addi %min3A_251, %add3A_262 : vector<16xi32>
        %select_n3A_264 = arith.select %eq3A_254, %add3A_260, %add3A_263 : vector<16xi1>, vector<16xi32>
        tpu.vector_store_idx %arg5[%select_n3A_264], %broadcast_in_dim3A_3 {add = true} : memref<38912xf32, #tpu.memory_space<vmem>>[vector<16xi32>], vector<16xf32>,
        %mul3A_265 = arith.mulf %exp3A_106, %div3A_196 : vector<16xf32>
        %convert_element_type3A_266 = arith.fptosi %mul3A_265 : vector<16xf32> to vector<16xi32>
        %min3A_267 = arith.constant 1023 : i32
        %min3A_268 = vector.broadcast %min3A_267 : i32 to vector<16xi32>
        %min3A_269 = arith.minsi %convert_element_type3A_266, %min3A_268 : vector<16xi32>
        %eq3A_270 = arith.constant 4 : i32
        %eq3A_271 = vector.broadcast %eq3A_270 : i32 to vector<16xi32>
        %eq3A_272 = arith.cmpi eq, %get3A_82, %eq3A_271 : vector<16xi32>
        %xor3A_273 = arith.constant 1023 : i32
        %xor3A_274 = vector.broadcast %xor3A_273 : i32 to vector<16xi32>
        %xor3A_275 = arith.xori %min3A_269, %xor3A_274 : vector<16xi32>
        %add3A_276 = arith.constant 9216 : i32
        %add3A_277 = vector.broadcast %add3A_276 : i32 to vector<16xi32>
        %add3A_278 = arith.addi %xor3A_275, %add3A_277 : vector<16xi32>
        %add3A_279 = arith.constant 8192 : i32
        %add3A_280 = vector.broadcast %add3A_279 : i32 to vector<16xi32>
        %add3A_281 = arith.addi %min3A_269, %add3A_280 : vector<16xi32>
        %select_n3A_282 = arith.select %eq3A_272, %add3A_278, %add3A_281 : vector<16xi1>, vector<16xi32>
        tpu.vector_store_idx %arg5[%select_n3A_282], %broadcast_in_dim3A_3 {add = true} : memref<38912xf32, #tpu.memory_space<vmem>>[vector<16xi32>], vector<16xf32>,
        %mul3A_283 = arith.mulf %exp3A_111, %div3A_196 : vector<16xf32>
        %convert_element_type3A_284 = arith.fptosi %mul3A_283 : vector<16xf32> to vector<16xi32>
        %min3A_285 = arith.constant 1023 : i32
        %min3A_286 = vector.broadcast %min3A_285 : i32 to vector<16xi32>
        %min3A_287 = arith.minsi %convert_element_type3A_284, %min3A_286 : vector<16xi32>
        %eq3A_288 = arith.constant 5 : i32
        %eq3A_289 = vector.broadcast %eq3A_288 : i32 to vector<16xi32>
        %eq3A_290 = arith.cmpi eq, %get3A_82, %eq3A_289 : vector<16xi32>
        %xor3A_291 = arith.constant 1023 : i32
        %xor3A_292 = vector.broadcast %xor3A_291 : i32 to vector<16xi32>
        %xor3A_293 = arith.xori %min3A_287, %xor3A_292 : vector<16xi32>
        %add3A_294 = arith.constant 11264 : i32
        %add3A_295 = vector.broadcast %add3A_294 : i32 to vector<16xi32>
        %add3A_296 = arith.addi %xor3A_293, %add3A_295 : vector<16xi32>
        %add3A_297 = arith.constant 10240 : i32
        %add3A_298 = vector.broadcast %add3A_297 : i32 to vector<16xi32>
        %add3A_299 = arith.addi %min3A_287, %add3A_298 : vector<16xi32>
        %select_n3A_300 = arith.select %eq3A_290, %add3A_296, %add3A_299 : vector<16xi1>, vector<16xi32>
        tpu.vector_store_idx %arg5[%select_n3A_300], %broadcast_in_dim3A_3 {add = true} : memref<38912xf32, #tpu.memory_space<vmem>>[vector<16xi32>], vector<16xf32>,
        %mul3A_301 = arith.mulf %exp3A_116, %div3A_196 : vector<16xf32>
        %convert_element_type3A_302 = arith.fptosi %mul3A_301 : vector<16xf32> to vector<16xi32>
        %min3A_303 = arith.constant 1023 : i32
        %min3A_304 = vector.broadcast %min3A_303 : i32 to vector<16xi32>
        %min3A_305 = arith.minsi %convert_element_type3A_302, %min3A_304 : vector<16xi32>
        %eq3A_306 = arith.constant 6 : i32
        %eq3A_307 = vector.broadcast %eq3A_306 : i32 to vector<16xi32>
        %eq3A_308 = arith.cmpi eq, %get3A_82, %eq3A_307 : vector<16xi32>
        %xor3A_309 = arith.constant 1023 : i32
        %xor3A_310 = vector.broadcast %xor3A_309 : i32 to vector<16xi32>
        %xor3A_311 = arith.xori %min3A_305, %xor3A_310 : vector<16xi32>
        %add3A_312 = arith.constant 13312 : i32
        %add3A_313 = vector.broadcast %add3A_312 : i32 to vector<16xi32>
        %add3A_314 = arith.addi %xor3A_311, %add3A_313 : vector<16xi32>
        %add3A_315 = arith.constant 12288 : i32
        %add3A_316 = vector.broadcast %add3A_315 : i32 to vector<16xi32>
        %add3A_317 = arith.addi %min3A_305, %add3A_316 : vector<16xi32>
        %select_n3A_318 = arith.select %eq3A_308, %add3A_314, %add3A_317 : vector<16xi1>, vector<16xi32>
        tpu.vector_store_idx %arg5[%select_n3A_318], %broadcast_in_dim3A_3 {add = true} : memref<38912xf32, #tpu.memory_space<vmem>>[vector<16xi32>], vector<16xf32>,
        %mul3A_319 = arith.mulf %exp3A_121, %div3A_196 : vector<16xf32>
        %convert_element_type3A_320 = arith.fptosi %mul3A_319 : vector<16xf32> to vector<16xi32>
        %min3A_321 = arith.constant 1023 : i32
        %min3A_322 = vector.broadcast %min3A_321 : i32 to vector<16xi32>
        %min3A_323 = arith.minsi %convert_element_type3A_320, %min3A_322 : vector<16xi32>
        %eq3A_324 = arith.constant 7 : i32
        %eq3A_325 = vector.broadcast %eq3A_324 : i32 to vector<16xi32>
        %eq3A_326 = arith.cmpi eq, %get3A_82, %eq3A_325 : vector<16xi32>
        %xor3A_327 = arith.constant 1023 : i32
        %xor3A_328 = vector.broadcast %xor3A_327 : i32 to vector<16xi32>
        %xor3A_329 = arith.xori %min3A_323, %xor3A_328 : vector<16xi32>
        %add3A_330 = arith.constant 15360 : i32
        %add3A_331 = vector.broadcast %add3A_330 : i32 to vector<16xi32>
        %add3A_332 = arith.addi %xor3A_329, %add3A_331 : vector<16xi32>
        %add3A_333 = arith.constant 14336 : i32
        %add3A_334 = vector.broadcast %add3A_333 : i32 to vector<16xi32>
        %add3A_335 = arith.addi %min3A_323, %add3A_334 : vector<16xi32>
        %select_n3A_336 = arith.select %eq3A_326, %add3A_332, %add3A_335 : vector<16xi1>, vector<16xi32>
        tpu.vector_store_idx %arg5[%select_n3A_336], %broadcast_in_dim3A_3 {add = true} : memref<38912xf32, #tpu.memory_space<vmem>>[vector<16xi32>], vector<16xf32>,
        %mul3A_337 = arith.mulf %exp3A_126, %div3A_196 : vector<16xf32>
        %convert_element_type3A_338 = arith.fptosi %mul3A_337 : vector<16xf32> to vector<16xi32>
        %min3A_339 = arith.constant 1023 : i32
        %min3A_340 = vector.broadcast %min3A_339 : i32 to vector<16xi32>
        %min3A_341 = arith.minsi %convert_element_type3A_338, %min3A_340 : vector<16xi32>
        %eq3A_342 = arith.constant 8 : i32
        %eq3A_343 = vector.broadcast %eq3A_342 : i32 to vector<16xi32>
        %eq3A_344 = arith.cmpi eq, %get3A_82, %eq3A_343 : vector<16xi32>
        %xor3A_345 = arith.constant 1023 : i32
        %xor3A_346 = vector.broadcast %xor3A_345 : i32 to vector<16xi32>
        %xor3A_347 = arith.xori %min3A_341, %xor3A_346 : vector<16xi32>
        %add3A_348 = arith.constant 17408 : i32
        %add3A_349 = vector.broadcast %add3A_348 : i32 to vector<16xi32>
        %add3A_350 = arith.addi %xor3A_347, %add3A_349 : vector<16xi32>
        %add3A_351 = arith.constant 16384 : i32
        %add3A_352 = vector.broadcast %add3A_351 : i32 to vector<16xi32>
        %add3A_353 = arith.addi %min3A_341, %add3A_352 : vector<16xi32>
        %select_n3A_354 = arith.select %eq3A_344, %add3A_350, %add3A_353 : vector<16xi1>, vector<16xi32>
        tpu.vector_store_idx %arg5[%select_n3A_354], %broadcast_in_dim3A_3 {add = true} : memref<38912xf32, #tpu.memory_space<vmem>>[vector<16xi32>], vector<16xf32>,
        %mul3A_355 = arith.mulf %exp3A_131, %div3A_196 : vector<16xf32>
        %convert_element_type3A_356 = arith.fptosi %mul3A_355 : vector<16xf32> to vector<16xi32>
        %min3A_357 = arith.constant 1023 : i32
        %min3A_358 = vector.broadcast %min3A_357 : i32 to vector<16xi32>
        %min3A_359 = arith.minsi %convert_element_type3A_356, %min3A_358 : vector<16xi32>
        %eq3A_360 = arith.constant 9 : i32
        %eq3A_361 = vector.broadcast %eq3A_360 : i32 to vector<16xi32>
        %eq3A_362 = arith.cmpi eq, %get3A_82, %eq3A_361 : vector<16xi32>
        %xor3A_363 = arith.constant 1023 : i32
        %xor3A_364 = vector.broadcast %xor3A_363 : i32 to vector<16xi32>
        %xor3A_365 = arith.xori %min3A_359, %xor3A_364 : vector<16xi32>
        %add3A_366 = arith.constant 19456 : i32
        %add3A_367 = vector.broadcast %add3A_366 : i32 to vector<16xi32>
        %add3A_368 = arith.addi %xor3A_365, %add3A_367 : vector<16xi32>
        %add3A_369 = arith.constant 18432 : i32
        %add3A_370 = vector.broadcast %add3A_369 : i32 to vector<16xi32>
        %add3A_371 = arith.addi %min3A_359, %add3A_370 : vector<16xi32>
        %select_n3A_372 = arith.select %eq3A_362, %add3A_368, %add3A_371 : vector<16xi1>, vector<16xi32>
        tpu.vector_store_idx %arg5[%select_n3A_372], %broadcast_in_dim3A_3 {add = true} : memref<38912xf32, #tpu.memory_space<vmem>>[vector<16xi32>], vector<16xf32>,
        %mul3A_373 = arith.mulf %exp3A_136, %div3A_196 : vector<16xf32>
        %convert_element_type3A_374 = arith.fptosi %mul3A_373 : vector<16xf32> to vector<16xi32>
        %min3A_375 = arith.constant 1023 : i32
        %min3A_376 = vector.broadcast %min3A_375 : i32 to vector<16xi32>
        %min3A_377 = arith.minsi %convert_element_type3A_374, %min3A_376 : vector<16xi32>
        %eq3A_378 = arith.constant 10 : i32
        %eq3A_379 = vector.broadcast %eq3A_378 : i32 to vector<16xi32>
        %eq3A_380 = arith.cmpi eq, %get3A_82, %eq3A_379 : vector<16xi32>
        %xor3A_381 = arith.constant 1023 : i32
        %xor3A_382 = vector.broadcast %xor3A_381 : i32 to vector<16xi32>
        %xor3A_383 = arith.xori %min3A_377, %xor3A_382 : vector<16xi32>
        %add3A_384 = arith.constant 21504 : i32
        %add3A_385 = vector.broadcast %add3A_384 : i32 to vector<16xi32>
        %add3A_386 = arith.addi %xor3A_383, %add3A_385 : vector<16xi32>
        %add3A_387 = arith.constant 20480 : i32
        %add3A_388 = vector.broadcast %add3A_387 : i32 to vector<16xi32>
        %add3A_389 = arith.addi %min3A_377, %add3A_388 : vector<16xi32>
        %select_n3A_390 = arith.select %eq3A_380, %add3A_386, %add3A_389 : vector<16xi1>, vector<16xi32>
        tpu.vector_store_idx %arg5[%select_n3A_390], %broadcast_in_dim3A_3 {add = true} : memref<38912xf32, #tpu.memory_space<vmem>>[vector<16xi32>], vector<16xf32>,
        %mul3A_391 = arith.mulf %exp3A_141, %div3A_196 : vector<16xf32>
        %convert_element_type3A_392 = arith.fptosi %mul3A_391 : vector<16xf32> to vector<16xi32>
        %min3A_393 = arith.constant 1023 : i32
        %min3A_394 = vector.broadcast %min3A_393 : i32 to vector<16xi32>
        %min3A_395 = arith.minsi %convert_element_type3A_392, %min3A_394 : vector<16xi32>
        %eq3A_396 = arith.constant 11 : i32
        %eq3A_397 = vector.broadcast %eq3A_396 : i32 to vector<16xi32>
        %eq3A_398 = arith.cmpi eq, %get3A_82, %eq3A_397 : vector<16xi32>
        %xor3A_399 = arith.constant 1023 : i32
        %xor3A_400 = vector.broadcast %xor3A_399 : i32 to vector<16xi32>
        %xor3A_401 = arith.xori %min3A_395, %xor3A_400 : vector<16xi32>
        %add3A_402 = arith.constant 23552 : i32
        %add3A_403 = vector.broadcast %add3A_402 : i32 to vector<16xi32>
        %add3A_404 = arith.addi %xor3A_401, %add3A_403 : vector<16xi32>
        %add3A_405 = arith.constant 22528 : i32
        %add3A_406 = vector.broadcast %add3A_405 : i32 to vector<16xi32>
        %add3A_407 = arith.addi %min3A_395, %add3A_406 : vector<16xi32>
        %select_n3A_408 = arith.select %eq3A_398, %add3A_404, %add3A_407 : vector<16xi1>, vector<16xi32>
        tpu.vector_store_idx %arg5[%select_n3A_408], %broadcast_in_dim3A_3 {add = true} : memref<38912xf32, #tpu.memory_space<vmem>>[vector<16xi32>], vector<16xf32>,
        %mul3A_409 = arith.mulf %exp3A_146, %div3A_196 : vector<16xf32>
        %convert_element_type3A_410 = arith.fptosi %mul3A_409 : vector<16xf32> to vector<16xi32>
        %min3A_411 = arith.constant 1023 : i32
        %min3A_412 = vector.broadcast %min3A_411 : i32 to vector<16xi32>
        %min3A_413 = arith.minsi %convert_element_type3A_410, %min3A_412 : vector<16xi32>
        %eq3A_414 = arith.constant 12 : i32
        %eq3A_415 = vector.broadcast %eq3A_414 : i32 to vector<16xi32>
        %eq3A_416 = arith.cmpi eq, %get3A_82, %eq3A_415 : vector<16xi32>
        %xor3A_417 = arith.constant 1023 : i32
        %xor3A_418 = vector.broadcast %xor3A_417 : i32 to vector<16xi32>
        %xor3A_419 = arith.xori %min3A_413, %xor3A_418 : vector<16xi32>
        %add3A_420 = arith.constant 25600 : i32
        %add3A_421 = vector.broadcast %add3A_420 : i32 to vector<16xi32>
        %add3A_422 = arith.addi %xor3A_419, %add3A_421 : vector<16xi32>
        %add3A_423 = arith.constant 24576 : i32
        %add3A_424 = vector.broadcast %add3A_423 : i32 to vector<16xi32>
        %add3A_425 = arith.addi %min3A_413, %add3A_424 : vector<16xi32>
        %select_n3A_426 = arith.select %eq3A_416, %add3A_422, %add3A_425 : vector<16xi1>, vector<16xi32>
        tpu.vector_store_idx %arg5[%select_n3A_426], %broadcast_in_dim3A_3 {add = true} : memref<38912xf32, #tpu.memory_space<vmem>>[vector<16xi32>], vector<16xf32>,
        %mul3A_427 = arith.mulf %exp3A_151, %div3A_196 : vector<16xf32>
        %convert_element_type3A_428 = arith.fptosi %mul3A_427 : vector<16xf32> to vector<16xi32>
        %min3A_429 = arith.constant 1023 : i32
        %min3A_430 = vector.broadcast %min3A_429 : i32 to vector<16xi32>
        %min3A_431 = arith.minsi %convert_element_type3A_428, %min3A_430 : vector<16xi32>
        %eq3A_432 = arith.constant 13 : i32
        %eq3A_433 = vector.broadcast %eq3A_432 : i32 to vector<16xi32>
        %eq3A_434 = arith.cmpi eq, %get3A_82, %eq3A_433 : vector<16xi32>
        %xor3A_435 = arith.constant 1023 : i32
        %xor3A_436 = vector.broadcast %xor3A_435 : i32 to vector<16xi32>
        %xor3A_437 = arith.xori %min3A_431, %xor3A_436 : vector<16xi32>
        %add3A_438 = arith.constant 27648 : i32
        %add3A_439 = vector.broadcast %add3A_438 : i32 to vector<16xi32>
        %add3A_440 = arith.addi %xor3A_437, %add3A_439 : vector<16xi32>
        %add3A_441 = arith.constant 26624 : i32
        %add3A_442 = vector.broadcast %add3A_441 : i32 to vector<16xi32>
        %add3A_443 = arith.addi %min3A_431, %add3A_442 : vector<16xi32>
        %select_n3A_444 = arith.select %eq3A_434, %add3A_440, %add3A_443 : vector<16xi1>, vector<16xi32>
        tpu.vector_store_idx %arg5[%select_n3A_444], %broadcast_in_dim3A_3 {add = true} : memref<38912xf32, #tpu.memory_space<vmem>>[vector<16xi32>], vector<16xf32>,
        %mul3A_445 = arith.mulf %exp3A_156, %div3A_196 : vector<16xf32>
        %convert_element_type3A_446 = arith.fptosi %mul3A_445 : vector<16xf32> to vector<16xi32>
        %min3A_447 = arith.constant 1023 : i32
        %min3A_448 = vector.broadcast %min3A_447 : i32 to vector<16xi32>
        %min3A_449 = arith.minsi %convert_element_type3A_446, %min3A_448 : vector<16xi32>
        %eq3A_450 = arith.constant 14 : i32
        %eq3A_451 = vector.broadcast %eq3A_450 : i32 to vector<16xi32>
        %eq3A_452 = arith.cmpi eq, %get3A_82, %eq3A_451 : vector<16xi32>
        %xor3A_453 = arith.constant 1023 : i32
        %xor3A_454 = vector.broadcast %xor3A_453 : i32 to vector<16xi32>
        %xor3A_455 = arith.xori %min3A_449, %xor3A_454 : vector<16xi32>
        %add3A_456 = arith.constant 29696 : i32
        %add3A_457 = vector.broadcast %add3A_456 : i32 to vector<16xi32>
        %add3A_458 = arith.addi %xor3A_455, %add3A_457 : vector<16xi32>
        %add3A_459 = arith.constant 28672 : i32
        %add3A_460 = vector.broadcast %add3A_459 : i32 to vector<16xi32>
        %add3A_461 = arith.addi %min3A_449, %add3A_460 : vector<16xi32>
        %select_n3A_462 = arith.select %eq3A_452, %add3A_458, %add3A_461 : vector<16xi1>, vector<16xi32>
        tpu.vector_store_idx %arg5[%select_n3A_462], %broadcast_in_dim3A_3 {add = true} : memref<38912xf32, #tpu.memory_space<vmem>>[vector<16xi32>], vector<16xf32>,
        %mul3A_463 = arith.mulf %exp3A_161, %div3A_196 : vector<16xf32>
        %convert_element_type3A_464 = arith.fptosi %mul3A_463 : vector<16xf32> to vector<16xi32>
        %min3A_465 = arith.constant 1023 : i32
        %min3A_466 = vector.broadcast %min3A_465 : i32 to vector<16xi32>
        %min3A_467 = arith.minsi %convert_element_type3A_464, %min3A_466 : vector<16xi32>
        %eq3A_468 = arith.constant 15 : i32
        %eq3A_469 = vector.broadcast %eq3A_468 : i32 to vector<16xi32>
        %eq3A_470 = arith.cmpi eq, %get3A_82, %eq3A_469 : vector<16xi32>
        %xor3A_471 = arith.constant 1023 : i32
        %xor3A_472 = vector.broadcast %xor3A_471 : i32 to vector<16xi32>
        %xor3A_473 = arith.xori %min3A_467, %xor3A_472 : vector<16xi32>
        %add3A_474 = arith.constant 31744 : i32
        %add3A_475 = vector.broadcast %add3A_474 : i32 to vector<16xi32>
        %add3A_476 = arith.addi %xor3A_473, %add3A_475 : vector<16xi32>
        %add3A_477 = arith.constant 30720 : i32
        %add3A_478 = vector.broadcast %add3A_477 : i32 to vector<16xi32>
        %add3A_479 = arith.addi %min3A_467, %add3A_478 : vector<16xi32>
        %select_n3A_480 = arith.select %eq3A_470, %add3A_476, %add3A_479 : vector<16xi1>, vector<16xi32>
        tpu.vector_store_idx %arg5[%select_n3A_480], %broadcast_in_dim3A_3 {add = true} : memref<38912xf32, #tpu.memory_space<vmem>>[vector<16xi32>], vector<16xf32>,
        %mul3A_481 = arith.mulf %exp3A_166, %div3A_196 : vector<16xf32>
        %convert_element_type3A_482 = arith.fptosi %mul3A_481 : vector<16xf32> to vector<16xi32>
        %min3A_483 = arith.constant 1023 : i32
        %min3A_484 = vector.broadcast %min3A_483 : i32 to vector<16xi32>
        %min3A_485 = arith.minsi %convert_element_type3A_482, %min3A_484 : vector<16xi32>
        %eq3A_486 = arith.constant 16 : i32
        %eq3A_487 = vector.broadcast %eq3A_486 : i32 to vector<16xi32>
        %eq3A_488 = arith.cmpi eq, %get3A_82, %eq3A_487 : vector<16xi32>
        %xor3A_489 = arith.constant 1023 : i32
        %xor3A_490 = vector.broadcast %xor3A_489 : i32 to vector<16xi32>
        %xor3A_491 = arith.xori %min3A_485, %xor3A_490 : vector<16xi32>
        %add3A_492 = arith.constant 33792 : i32
        %add3A_493 = vector.broadcast %add3A_492 : i32 to vector<16xi32>
        %add3A_494 = arith.addi %xor3A_491, %add3A_493 : vector<16xi32>
        %add3A_495 = arith.constant 32768 : i32
        %add3A_496 = vector.broadcast %add3A_495 : i32 to vector<16xi32>
        %add3A_497 = arith.addi %min3A_485, %add3A_496 : vector<16xi32>
        %select_n3A_498 = arith.select %eq3A_488, %add3A_494, %add3A_497 : vector<16xi1>, vector<16xi32>
        tpu.vector_store_idx %arg5[%select_n3A_498], %broadcast_in_dim3A_3 {add = true} : memref<38912xf32, #tpu.memory_space<vmem>>[vector<16xi32>], vector<16xf32>,
        %mul3A_499 = arith.mulf %exp3A_171, %div3A_196 : vector<16xf32>
        %convert_element_type3A_500 = arith.fptosi %mul3A_499 : vector<16xf32> to vector<16xi32>
        %min3A_501 = arith.constant 1023 : i32
        %min3A_502 = vector.broadcast %min3A_501 : i32 to vector<16xi32>
        %min3A_503 = arith.minsi %convert_element_type3A_500, %min3A_502 : vector<16xi32>
        %eq3A_504 = arith.constant 17 : i32
        %eq3A_505 = vector.broadcast %eq3A_504 : i32 to vector<16xi32>
        %eq3A_506 = arith.cmpi eq, %get3A_82, %eq3A_505 : vector<16xi32>
        %xor3A_507 = arith.constant 1023 : i32
        %xor3A_508 = vector.broadcast %xor3A_507 : i32 to vector<16xi32>
        %xor3A_509 = arith.xori %min3A_503, %xor3A_508 : vector<16xi32>
        %add3A_510 = arith.constant 35840 : i32
        %add3A_511 = vector.broadcast %add3A_510 : i32 to vector<16xi32>
        %add3A_512 = arith.addi %xor3A_509, %add3A_511 : vector<16xi32>
        %add3A_513 = arith.constant 34816 : i32
        %add3A_514 = vector.broadcast %add3A_513 : i32 to vector<16xi32>
        %add3A_515 = arith.addi %min3A_503, %add3A_514 : vector<16xi32>
        %select_n3A_516 = arith.select %eq3A_506, %add3A_512, %add3A_515 : vector<16xi1>, vector<16xi32>
        tpu.vector_store_idx %arg5[%select_n3A_516], %broadcast_in_dim3A_3 {add = true} : memref<38912xf32, #tpu.memory_space<vmem>>[vector<16xi32>], vector<16xf32>,
        %mul3A_517 = arith.mulf %exp3A_176, %div3A_196 : vector<16xf32>
        %convert_element_type3A_518 = arith.fptosi %mul3A_517 : vector<16xf32> to vector<16xi32>
        %min3A_519 = arith.constant 1023 : i32
        %min3A_520 = vector.broadcast %min3A_519 : i32 to vector<16xi32>
        %min3A_521 = arith.minsi %convert_element_type3A_518, %min3A_520 : vector<16xi32>
        %eq3A_522 = arith.constant 18 : i32
        %eq3A_523 = vector.broadcast %eq3A_522 : i32 to vector<16xi32>
        %eq3A_524 = arith.cmpi eq, %get3A_82, %eq3A_523 : vector<16xi32>
        %xor3A_525 = arith.constant 1023 : i32
        %xor3A_526 = vector.broadcast %xor3A_525 : i32 to vector<16xi32>
        %xor3A_527 = arith.xori %min3A_521, %xor3A_526 : vector<16xi32>
        %add3A_528 = arith.constant 37888 : i32
        %add3A_529 = vector.broadcast %add3A_528 : i32 to vector<16xi32>
        %add3A_530 = arith.addi %xor3A_527, %add3A_529 : vector<16xi32>
        %add3A_531 = arith.constant 36864 : i32
        %add3A_532 = vector.broadcast %add3A_531 : i32 to vector<16xi32>
        %add3A_533 = arith.addi %min3A_521, %add3A_532 : vector<16xi32>
        %select_n3A_534 = arith.select %eq3A_524, %add3A_530, %add3A_533 : vector<16xi1>, vector<16xi32>
        tpu.vector_store_idx %arg5[%select_n3A_534], %broadcast_in_dim3A_3 {add = true} : memref<38912xf32, #tpu.memory_space<vmem>>[vector<16xi32>], vector<16xf32>,
        %scan3A_535 = arith.constant 1 : i32
        %scan3A_536 = arith.addi %scan3A_79, %scan3A_535 : i32
        %mul3A_537 = arith.constant 16 : i32
        %mul3A_538 = arith.muli %scan3A_536, %mul3A_537 : i32
        %get3A_539 = arith.index_cast %mul3A_538 : i32 to index
        %get3A_540 = tpu.vector_load %arg8[%get3A_539] {strides = array<i32>} : memref<1024xi32, #tpu.memory_space<vmem>>, vector<16xi32>,
        %get3A_541 = arith.constant 0 : i32
        %get3A_542 = arith.index_cast %get3A_541 : i32 to index
        %get3A_543 = arith.index_cast %mul3A_538 : i32 to index
        %get3A_544 = tpu.vector_load %arg6[%get3A_542, %get3A_543] {strides = array<i32>} : memref<19x1024xf32, #tpu.memory_space<vmem>>, vector<16xf32>,
        %exp3A_545 = math.exp %get3A_544 : vector<16xf32>
        %get3A_546 = arith.constant 1 : i32
        %get3A_547 = arith.index_cast %get3A_546 : i32 to index
        %get3A_548 = arith.index_cast %mul3A_538 : i32 to index
        %get3A_549 = tpu.vector_load %arg6[%get3A_547, %get3A_548] {strides = array<i32>} : memref<19x1024xf32, #tpu.memory_space<vmem>>, vector<16xf32>,
        %exp3A_550 = math.exp %get3A_549 : vector<16xf32>
        %get3A_551 = arith.constant 2 : i32
        %get3A_552 = arith.index_cast %get3A_551 : i32 to index
        %get3A_553 = arith.index_cast %mul3A_538 : i32 to index
        %get3A_554 = tpu.vector_load %arg6[%get3A_552, %get3A_553] {strides = array<i32>} : memref<19x1024xf32, #tpu.memory_space<vmem>>, vector<16xf32>,
        %exp3A_555 = math.exp %get3A_554 : vector<16xf32>
        %get3A_556 = arith.constant 3 : i32
        %get3A_557 = arith.index_cast %get3A_556 : i32 to index
        %get3A_558 = arith.index_cast %mul3A_538 : i32 to index
        %get3A_559 = tpu.vector_load %arg6[%get3A_557, %get3A_558] {strides = array<i32>} : memref<19x1024xf32, #tpu.memory_space<vmem>>, vector<16xf32>,
        %exp3A_560 = math.exp %get3A_559 : vector<16xf32>
        %get3A_561 = arith.constant 4 : i32
        %get3A_562 = arith.index_cast %get3A_561 : i32 to index
        %get3A_563 = arith.index_cast %mul3A_538 : i32 to index
        %get3A_564 = tpu.vector_load %arg6[%get3A_562, %get3A_563] {strides = array<i32>} : memref<19x1024xf32, #tpu.memory_space<vmem>>, vector<16xf32>,
        %exp3A_565 = math.exp %get3A_564 : vector<16xf32>
        %get3A_566 = arith.constant 5 : i32
        %get3A_567 = arith.index_cast %get3A_566 : i32 to index
        %get3A_568 = arith.index_cast %mul3A_538 : i32 to index
        %get3A_569 = tpu.vector_load %arg6[%get3A_567, %get3A_568] {strides = array<i32>} : memref<19x1024xf32, #tpu.memory_space<vmem>>, vector<16xf32>,
        %exp3A_570 = math.exp %get3A_569 : vector<16xf32>
        %get3A_571 = arith.constant 6 : i32
        %get3A_572 = arith.index_cast %get3A_571 : i32 to index
        %get3A_573 = arith.index_cast %mul3A_538 : i32 to index
        %get3A_574 = tpu.vector_load %arg6[%get3A_572, %get3A_573] {strides = array<i32>} : memref<19x1024xf32, #tpu.memory_space<vmem>>, vector<16xf32>,
        %exp3A_575 = math.exp %get3A_574 : vector<16xf32>
        %get3A_576 = arith.constant 7 : i32
        %get3A_577 = arith.index_cast %get3A_576 : i32 to index
        %get3A_578 = arith.index_cast %mul3A_538 : i32 to index
        %get3A_579 = tpu.vector_load %arg6[%get3A_577, %get3A_578] {strides = array<i32>} : memref<19x1024xf32, #tpu.memory_space<vmem>>, vector<16xf32>,
        %exp3A_580 = math.exp %get3A_579 : vector<16xf32>
        %get3A_581 = arith.constant 8 : i32
        %get3A_582 = arith.index_cast %get3A_581 : i32 to index
        %get3A_583 = arith.index_cast %mul3A_538 : i32 to index
        %get3A_584 = tpu.vector_load %arg6[%get3A_582, %get3A_583] {strides = array<i32>} : memref<19x1024xf32, #tpu.memory_space<vmem>>, vector<16xf32>,
        %exp3A_585 = math.exp %get3A_584 : vector<16xf32>
        %get3A_586 = arith.constant 9 : i32
        %get3A_587 = arith.index_cast %get3A_586 : i32 to index
        %get3A_588 = arith.index_cast %mul3A_538 : i32 to index
        %get3A_589 = tpu.vector_load %arg6[%get3A_587, %get3A_588] {strides = array<i32>} : memref<19x1024xf32, #tpu.memory_space<vmem>>, vector<16xf32>,
        %exp3A_590 = math.exp %get3A_589 : vector<16xf32>
        %get3A_591 = arith.constant 10 : i32
        %get3A_592 = arith.index_cast %get3A_591 : i32 to index
        %get3A_593 = arith.index_cast %mul3A_538 : i32 to index
        %get3A_594 = tpu.vector_load %arg6[%get3A_592, %get3A_593] {strides = array<i32>} : memref<19x1024xf32, #tpu.memory_space<vmem>>, vector<16xf32>,
        %exp3A_595 = math.exp %get3A_594 : vector<16xf32>
        %get3A_596 = arith.constant 11 : i32
        %get3A_597 = arith.index_cast %get3A_596 : i32 to index
        %get3A_598 = arith.index_cast %mul3A_538 : i32 to index
        %get3A_599 = tpu.vector_load %arg6[%get3A_597, %get3A_598] {strides = array<i32>} : memref<19x1024xf32, #tpu.memory_space<vmem>>, vector<16xf32>,
        %exp3A_600 = math.exp %get3A_599 : vector<16xf32>
        %get3A_601 = arith.constant 12 : i32
        %get3A_602 = arith.index_cast %get3A_601 : i32 to index
        %get3A_603 = arith.index_cast %mul3A_538 : i32 to index
        %get3A_604 = tpu.vector_load %arg6[%get3A_602, %get3A_603] {strides = array<i32>} : memref<19x1024xf32, #tpu.memory_space<vmem>>, vector<16xf32>,
        %exp3A_605 = math.exp %get3A_604 : vector<16xf32>
        %get3A_606 = arith.constant 13 : i32
        %get3A_607 = arith.index_cast %get3A_606 : i32 to index
        %get3A_608 = arith.index_cast %mul3A_538 : i32 to index
        %get3A_609 = tpu.vector_load %arg6[%get3A_607, %get3A_608] {strides = array<i32>} : memref<19x1024xf32, #tpu.memory_space<vmem>>, vector<16xf32>,
        %exp3A_610 = math.exp %get3A_609 : vector<16xf32>
        %get3A_611 = arith.constant 14 : i32
        %get3A_612 = arith.index_cast %get3A_611 : i32 to index
        %get3A_613 = arith.index_cast %mul3A_538 : i32 to index
        %get3A_614 = tpu.vector_load %arg6[%get3A_612, %get3A_613] {strides = array<i32>} : memref<19x1024xf32, #tpu.memory_space<vmem>>, vector<16xf32>,
        %exp3A_615 = math.exp %get3A_614 : vector<16xf32>
        %get3A_616 = arith.constant 15 : i32
        %get3A_617 = arith.index_cast %get3A_616 : i32 to index
        %get3A_618 = arith.index_cast %mul3A_538 : i32 to index
        %get3A_619 = tpu.vector_load %arg6[%get3A_617, %get3A_618] {strides = array<i32>} : memref<19x1024xf32, #tpu.memory_space<vmem>>, vector<16xf32>,
        %exp3A_620 = math.exp %get3A_619 : vector<16xf32>
        %get3A_621 = arith.constant 16 : i32
        %get3A_622 = arith.index_cast %get3A_621 : i32 to index
        %get3A_623 = arith.index_cast %mul3A_538 : i32 to index
        %get3A_624 = tpu.vector_load %arg6[%get3A_622, %get3A_623] {strides = array<i32>} : memref<19x1024xf32, #tpu.memory_space<vmem>>, vector<16xf32>,
        %exp3A_625 = math.exp %get3A_624 : vector<16xf32>
        %get3A_626 = arith.constant 17 : i32
        %get3A_627 = arith.index_cast %get3A_626 : i32 to index
        %get3A_628 = arith.index_cast %mul3A_538 : i32 to index
        %get3A_629 = tpu.vector_load %arg6[%get3A_627, %get3A_628] {strides = array<i32>} : memref<19x1024xf32, #tpu.memory_space<vmem>>, vector<16xf32>,
        %exp3A_630 = math.exp %get3A_629 : vector<16xf32>
        %get3A_631 = arith.constant 18 : i32
        %get3A_632 = arith.index_cast %get3A_631 : i32 to index
        %get3A_633 = arith.index_cast %mul3A_538 : i32 to index
        %get3A_634 = tpu.vector_load %arg6[%get3A_632, %get3A_633] {strides = array<i32>} : memref<19x1024xf32, #tpu.memory_space<vmem>>, vector<16xf32>,
        %exp3A_635 = math.exp %get3A_634 : vector<16xf32>
        %add3A_636 = arith.addf %exp3A_545, %exp3A_550 : vector<16xf32>
        %add3A_637 = arith.addf %exp3A_555, %exp3A_560 : vector<16xf32>
        %add3A_638 = arith.addf %exp3A_565, %exp3A_570 : vector<16xf32>
        %add3A_639 = arith.addf %exp3A_575, %exp3A_580 : vector<16xf32>
        %add3A_640 = arith.addf %exp3A_585, %exp3A_590 : vector<16xf32>
        %add3A_641 = arith.addf %exp3A_595, %exp3A_600 : vector<16xf32>
        %add3A_642 = arith.addf %exp3A_605, %exp3A_610 : vector<16xf32>
        %add3A_643 = arith.addf %exp3A_615, %exp3A_620 : vector<16xf32>
        %add3A_644 = arith.addf %exp3A_625, %exp3A_630 : vector<16xf32>
        %add3A_645 = arith.addf %add3A_636, %add3A_637 : vector<16xf32>
        %add3A_646 = arith.addf %add3A_638, %add3A_639 : vector<16xf32>
        %add3A_647 = arith.addf %add3A_640, %add3A_641 : vector<16xf32>
        %add3A_648 = arith.addf %add3A_642, %add3A_643 : vector<16xf32>
        %add3A_649 = arith.addf %add3A_644, %exp3A_635 : vector<16xf32>
        %add3A_650 = arith.addf %add3A_645, %add3A_646 : vector<16xf32>
        %add3A_651 = arith.addf %add3A_647, %add3A_648 : vector<16xf32>
        %add3A_652 = arith.addf %add3A_650, %add3A_651 : vector<16xf32>
        %add3A_653 = arith.addf %add3A_652, %add3A_649 : vector<16xf32>
        %div3A_654 = arith.constant 1.024000e+03 : f32
        %div3A_655 = vector.broadcast %div3A_654 : f32 to vector<16xf32>
        %div3A_656 = arith.divf %div3A_655, %add3A_653 : vector<16xf32>
        %mul3A_657 = arith.mulf %exp3A_545, %div3A_656 : vector<16xf32>
        %convert_element_type3A_658 = arith.fptosi %mul3A_657 : vector<16xf32> to vector<16xi32>
        %min3A_659 = arith.constant 1023 : i32
        %min3A_660 = vector.broadcast %min3A_659 : i32 to vector<16xi32>
        %min3A_661 = arith.minsi %convert_element_type3A_658, %min3A_660 : vector<16xi32>
        %eq3A_662 = arith.constant 0 : i32
        %eq3A_663 = vector.broadcast %eq3A_662 : i32 to vector<16xi32>
        %eq3A_664 = arith.cmpi eq, %get3A_540, %eq3A_663 : vector<16xi32>
        %xor3A_665 = arith.constant 1023 : i32
        %xor3A_666 = vector.broadcast %xor3A_665 : i32 to vector<16xi32>
        %xor3A_667 = arith.xori %min3A_661, %xor3A_666 : vector<16xi32>
        %add3A_668 = arith.constant 1024 : i32
        %add3A_669 = vector.broadcast %add3A_668 : i32 to vector<16xi32>
        %add3A_670 = arith.addi %xor3A_667, %add3A_669 : vector<16xi32>
        %add3A_671 = arith.constant 0 : i32
        %add3A_672 = vector.broadcast %add3A_671 : i32 to vector<16xi32>
        %add3A_673 = arith.addi %min3A_661, %add3A_672 : vector<16xi32>
        %select_n3A_674 = arith.select %eq3A_664, %add3A_670, %add3A_673 : vector<16xi1>, vector<16xi32>
        tpu.vector_store_idx %arg5[%select_n3A_674], %broadcast_in_dim3A_3 {add = true} : memref<38912xf32, #tpu.memory_space<vmem>>[vector<16xi32>], vector<16xf32>,
        %mul3A_675 = arith.mulf %exp3A_550, %div3A_656 : vector<16xf32>
        %convert_element_type3A_676 = arith.fptosi %mul3A_675 : vector<16xf32> to vector<16xi32>
        %min3A_677 = arith.constant 1023 : i32
        %min3A_678 = vector.broadcast %min3A_677 : i32 to vector<16xi32>
        %min3A_679 = arith.minsi %convert_element_type3A_676, %min3A_678 : vector<16xi32>
        %eq3A_680 = arith.constant 1 : i32
        %eq3A_681 = vector.broadcast %eq3A_680 : i32 to vector<16xi32>
        %eq3A_682 = arith.cmpi eq, %get3A_540, %eq3A_681 : vector<16xi32>
        %xor3A_683 = arith.constant 1023 : i32
        %xor3A_684 = vector.broadcast %xor3A_683 : i32 to vector<16xi32>
        %xor3A_685 = arith.xori %min3A_679, %xor3A_684 : vector<16xi32>
        %add3A_686 = arith.constant 3072 : i32
        %add3A_687 = vector.broadcast %add3A_686 : i32 to vector<16xi32>
        %add3A_688 = arith.addi %xor3A_685, %add3A_687 : vector<16xi32>
        %add3A_689 = arith.constant 2048 : i32
        %add3A_690 = vector.broadcast %add3A_689 : i32 to vector<16xi32>
        %add3A_691 = arith.addi %min3A_679, %add3A_690 : vector<16xi32>
        %select_n3A_692 = arith.select %eq3A_682, %add3A_688, %add3A_691 : vector<16xi1>, vector<16xi32>
        tpu.vector_store_idx %arg5[%select_n3A_692], %broadcast_in_dim3A_3 {add = true} : memref<38912xf32, #tpu.memory_space<vmem>>[vector<16xi32>], vector<16xf32>,
        %mul3A_693 = arith.mulf %exp3A_555, %div3A_656 : vector<16xf32>
        %convert_element_type3A_694 = arith.fptosi %mul3A_693 : vector<16xf32> to vector<16xi32>
        %min3A_695 = arith.constant 1023 : i32
        %min3A_696 = vector.broadcast %min3A_695 : i32 to vector<16xi32>
        %min3A_697 = arith.minsi %convert_element_type3A_694, %min3A_696 : vector<16xi32>
        %eq3A_698 = arith.constant 2 : i32
        %eq3A_699 = vector.broadcast %eq3A_698 : i32 to vector<16xi32>
        %eq3A_700 = arith.cmpi eq, %get3A_540, %eq3A_699 : vector<16xi32>
        %xor3A_701 = arith.constant 1023 : i32
        %xor3A_702 = vector.broadcast %xor3A_701 : i32 to vector<16xi32>
        %xor3A_703 = arith.xori %min3A_697, %xor3A_702 : vector<16xi32>
        %add3A_704 = arith.constant 5120 : i32
        %add3A_705 = vector.broadcast %add3A_704 : i32 to vector<16xi32>
        %add3A_706 = arith.addi %xor3A_703, %add3A_705 : vector<16xi32>
        %add3A_707 = arith.constant 4096 : i32
        %add3A_708 = vector.broadcast %add3A_707 : i32 to vector<16xi32>
        %add3A_709 = arith.addi %min3A_697, %add3A_708 : vector<16xi32>
        %select_n3A_710 = arith.select %eq3A_700, %add3A_706, %add3A_709 : vector<16xi1>, vector<16xi32>
        tpu.vector_store_idx %arg5[%select_n3A_710], %broadcast_in_dim3A_3 {add = true} : memref<38912xf32, #tpu.memory_space<vmem>>[vector<16xi32>], vector<16xf32>,
        %mul3A_711 = arith.mulf %exp3A_560, %div3A_656 : vector<16xf32>
        %convert_element_type3A_712 = arith.fptosi %mul3A_711 : vector<16xf32> to vector<16xi32>
        %min3A_713 = arith.constant 1023 : i32
        %min3A_714 = vector.broadcast %min3A_713 : i32 to vector<16xi32>
        %min3A_715 = arith.minsi %convert_element_type3A_712, %min3A_714 : vector<16xi32>
        %eq3A_716 = arith.constant 3 : i32
        %eq3A_717 = vector.broadcast %eq3A_716 : i32 to vector<16xi32>
        %eq3A_718 = arith.cmpi eq, %get3A_540, %eq3A_717 : vector<16xi32>
        %xor3A_719 = arith.constant 1023 : i32
        %xor3A_720 = vector.broadcast %xor3A_719 : i32 to vector<16xi32>
        %xor3A_721 = arith.xori %min3A_715, %xor3A_720 : vector<16xi32>
        %add3A_722 = arith.constant 7168 : i32
        %add3A_723 = vector.broadcast %add3A_722 : i32 to vector<16xi32>
        %add3A_724 = arith.addi %xor3A_721, %add3A_723 : vector<16xi32>
        %add3A_725 = arith.constant 6144 : i32
        %add3A_726 = vector.broadcast %add3A_725 : i32 to vector<16xi32>
        %add3A_727 = arith.addi %min3A_715, %add3A_726 : vector<16xi32>
        %select_n3A_728 = arith.select %eq3A_718, %add3A_724, %add3A_727 : vector<16xi1>, vector<16xi32>
        tpu.vector_store_idx %arg5[%select_n3A_728], %broadcast_in_dim3A_3 {add = true} : memref<38912xf32, #tpu.memory_space<vmem>>[vector<16xi32>], vector<16xf32>,
        %mul3A_729 = arith.mulf %exp3A_565, %div3A_656 : vector<16xf32>
        %convert_element_type3A_730 = arith.fptosi %mul3A_729 : vector<16xf32> to vector<16xi32>
        %min3A_731 = arith.constant 1023 : i32
        %min3A_732 = vector.broadcast %min3A_731 : i32 to vector<16xi32>
        %min3A_733 = arith.minsi %convert_element_type3A_730, %min3A_732 : vector<16xi32>
        %eq3A_734 = arith.constant 4 : i32
        %eq3A_735 = vector.broadcast %eq3A_734 : i32 to vector<16xi32>
        %eq3A_736 = arith.cmpi eq, %get3A_540, %eq3A_735 : vector<16xi32>
        %xor3A_737 = arith.constant 1023 : i32
        %xor3A_738 = vector.broadcast %xor3A_737 : i32 to vector<16xi32>
        %xor3A_739 = arith.xori %min3A_733, %xor3A_738 : vector<16xi32>
        %add3A_740 = arith.constant 9216 : i32
        %add3A_741 = vector.broadcast %add3A_740 : i32 to vector<16xi32>
        %add3A_742 = arith.addi %xor3A_739, %add3A_741 : vector<16xi32>
        %add3A_743 = arith.constant 8192 : i32
        %add3A_744 = vector.broadcast %add3A_743 : i32 to vector<16xi32>
        %add3A_745 = arith.addi %min3A_733, %add3A_744 : vector<16xi32>
        %select_n3A_746 = arith.select %eq3A_736, %add3A_742, %add3A_745 : vector<16xi1>, vector<16xi32>
        tpu.vector_store_idx %arg5[%select_n3A_746], %broadcast_in_dim3A_3 {add = true} : memref<38912xf32, #tpu.memory_space<vmem>>[vector<16xi32>], vector<16xf32>,
        %mul3A_747 = arith.mulf %exp3A_570, %div3A_656 : vector<16xf32>
        %convert_element_type3A_748 = arith.fptosi %mul3A_747 : vector<16xf32> to vector<16xi32>
        %min3A_749 = arith.constant 1023 : i32
        %min3A_750 = vector.broadcast %min3A_749 : i32 to vector<16xi32>
        %min3A_751 = arith.minsi %convert_element_type3A_748, %min3A_750 : vector<16xi32>
        %eq3A_752 = arith.constant 5 : i32
        %eq3A_753 = vector.broadcast %eq3A_752 : i32 to vector<16xi32>
        %eq3A_754 = arith.cmpi eq, %get3A_540, %eq3A_753 : vector<16xi32>
        %xor3A_755 = arith.constant 1023 : i32
        %xor3A_756 = vector.broadcast %xor3A_755 : i32 to vector<16xi32>
        %xor3A_757 = arith.xori %min3A_751, %xor3A_756 : vector<16xi32>
        %add3A_758 = arith.constant 11264 : i32
        %add3A_759 = vector.broadcast %add3A_758 : i32 to vector<16xi32>
        %add3A_760 = arith.addi %xor3A_757, %add3A_759 : vector<16xi32>
        %add3A_761 = arith.constant 10240 : i32
        %add3A_762 = vector.broadcast %add3A_761 : i32 to vector<16xi32>
        %add3A_763 = arith.addi %min3A_751, %add3A_762 : vector<16xi32>
        %select_n3A_764 = arith.select %eq3A_754, %add3A_760, %add3A_763 : vector<16xi1>, vector<16xi32>
        tpu.vector_store_idx %arg5[%select_n3A_764], %broadcast_in_dim3A_3 {add = true} : memref<38912xf32, #tpu.memory_space<vmem>>[vector<16xi32>], vector<16xf32>,
        %mul3A_765 = arith.mulf %exp3A_575, %div3A_656 : vector<16xf32>
        %convert_element_type3A_766 = arith.fptosi %mul3A_765 : vector<16xf32> to vector<16xi32>
        %min3A_767 = arith.constant 1023 : i32
        %min3A_768 = vector.broadcast %min3A_767 : i32 to vector<16xi32>
        %min3A_769 = arith.minsi %convert_element_type3A_766, %min3A_768 : vector<16xi32>
        %eq3A_770 = arith.constant 6 : i32
        %eq3A_771 = vector.broadcast %eq3A_770 : i32 to vector<16xi32>
        %eq3A_772 = arith.cmpi eq, %get3A_540, %eq3A_771 : vector<16xi32>
        %xor3A_773 = arith.constant 1023 : i32
        %xor3A_774 = vector.broadcast %xor3A_773 : i32 to vector<16xi32>
        %xor3A_775 = arith.xori %min3A_769, %xor3A_774 : vector<16xi32>
        %add3A_776 = arith.constant 13312 : i32
        %add3A_777 = vector.broadcast %add3A_776 : i32 to vector<16xi32>
        %add3A_778 = arith.addi %xor3A_775, %add3A_777 : vector<16xi32>
        %add3A_779 = arith.constant 12288 : i32
        %add3A_780 = vector.broadcast %add3A_779 : i32 to vector<16xi32>
        %add3A_781 = arith.addi %min3A_769, %add3A_780 : vector<16xi32>
        %select_n3A_782 = arith.select %eq3A_772, %add3A_778, %add3A_781 : vector<16xi1>, vector<16xi32>
        tpu.vector_store_idx %arg5[%select_n3A_782], %broadcast_in_dim3A_3 {add = true} : memref<38912xf32, #tpu.memory_space<vmem>>[vector<16xi32>], vector<16xf32>,
        %mul3A_783 = arith.mulf %exp3A_580, %div3A_656 : vector<16xf32>
        %convert_element_type3A_784 = arith.fptosi %mul3A_783 : vector<16xf32> to vector<16xi32>
        %min3A_785 = arith.constant 1023 : i32
        %min3A_786 = vector.broadcast %min3A_785 : i32 to vector<16xi32>
        %min3A_787 = arith.minsi %convert_element_type3A_784, %min3A_786 : vector<16xi32>
        %eq3A_788 = arith.constant 7 : i32
        %eq3A_789 = vector.broadcast %eq3A_788 : i32 to vector<16xi32>
        %eq3A_790 = arith.cmpi eq, %get3A_540, %eq3A_789 : vector<16xi32>
        %xor3A_791 = arith.constant 1023 : i32
        %xor3A_792 = vector.broadcast %xor3A_791 : i32 to vector<16xi32>
        %xor3A_793 = arith.xori %min3A_787, %xor3A_792 : vector<16xi32>
        %add3A_794 = arith.constant 15360 : i32
        %add3A_795 = vector.broadcast %add3A_794 : i32 to vector<16xi32>
        %add3A_796 = arith.addi %xor3A_793, %add3A_795 : vector<16xi32>
        %add3A_797 = arith.constant 14336 : i32
        %add3A_798 = vector.broadcast %add3A_797 : i32 to vector<16xi32>
        %add3A_799 = arith.addi %min3A_787, %add3A_798 : vector<16xi32>
        %select_n3A_800 = arith.select %eq3A_790, %add3A_796, %add3A_799 : vector<16xi1>, vector<16xi32>
        tpu.vector_store_idx %arg5[%select_n3A_800], %broadcast_in_dim3A_3 {add = true} : memref<38912xf32, #tpu.memory_space<vmem>>[vector<16xi32>], vector<16xf32>,
        %mul3A_801 = arith.mulf %exp3A_585, %div3A_656 : vector<16xf32>
        %convert_element_type3A_802 = arith.fptosi %mul3A_801 : vector<16xf32> to vector<16xi32>
        %min3A_803 = arith.constant 1023 : i32
        %min3A_804 = vector.broadcast %min3A_803 : i32 to vector<16xi32>
        %min3A_805 = arith.minsi %convert_element_type3A_802, %min3A_804 : vector<16xi32>
        %eq3A_806 = arith.constant 8 : i32
        %eq3A_807 = vector.broadcast %eq3A_806 : i32 to vector<16xi32>
        %eq3A_808 = arith.cmpi eq, %get3A_540, %eq3A_807 : vector<16xi32>
        %xor3A_809 = arith.constant 1023 : i32
        %xor3A_810 = vector.broadcast %xor3A_809 : i32 to vector<16xi32>
        %xor3A_811 = arith.xori %min3A_805, %xor3A_810 : vector<16xi32>
        %add3A_812 = arith.constant 17408 : i32
        %add3A_813 = vector.broadcast %add3A_812 : i32 to vector<16xi32>
        %add3A_814 = arith.addi %xor3A_811, %add3A_813 : vector<16xi32>
        %add3A_815 = arith.constant 16384 : i32
        %add3A_816 = vector.broadcast %add3A_815 : i32 to vector<16xi32>
        %add3A_817 = arith.addi %min3A_805, %add3A_816 : vector<16xi32>
        %select_n3A_818 = arith.select %eq3A_808, %add3A_814, %add3A_817 : vector<16xi1>, vector<16xi32>
        tpu.vector_store_idx %arg5[%select_n3A_818], %broadcast_in_dim3A_3 {add = true} : memref<38912xf32, #tpu.memory_space<vmem>>[vector<16xi32>], vector<16xf32>,
        %mul3A_819 = arith.mulf %exp3A_590, %div3A_656 : vector<16xf32>
        %convert_element_type3A_820 = arith.fptosi %mul3A_819 : vector<16xf32> to vector<16xi32>
        %min3A_821 = arith.constant 1023 : i32
        %min3A_822 = vector.broadcast %min3A_821 : i32 to vector<16xi32>
        %min3A_823 = arith.minsi %convert_element_type3A_820, %min3A_822 : vector<16xi32>
        %eq3A_824 = arith.constant 9 : i32
        %eq3A_825 = vector.broadcast %eq3A_824 : i32 to vector<16xi32>
        %eq3A_826 = arith.cmpi eq, %get3A_540, %eq3A_825 : vector<16xi32>
        %xor3A_827 = arith.constant 1023 : i32
        %xor3A_828 = vector.broadcast %xor3A_827 : i32 to vector<16xi32>
        %xor3A_829 = arith.xori %min3A_823, %xor3A_828 : vector<16xi32>
        %add3A_830 = arith.constant 19456 : i32
        %add3A_831 = vector.broadcast %add3A_830 : i32 to vector<16xi32>
        %add3A_832 = arith.addi %xor3A_829, %add3A_831 : vector<16xi32>
        %add3A_833 = arith.constant 18432 : i32
        %add3A_834 = vector.broadcast %add3A_833 : i32 to vector<16xi32>
        %add3A_835 = arith.addi %min3A_823, %add3A_834 : vector<16xi32>
        %select_n3A_836 = arith.select %eq3A_826, %add3A_832, %add3A_835 : vector<16xi1>, vector<16xi32>
        tpu.vector_store_idx %arg5[%select_n3A_836], %broadcast_in_dim3A_3 {add = true} : memref<38912xf32, #tpu.memory_space<vmem>>[vector<16xi32>], vector<16xf32>,
        %mul3A_837 = arith.mulf %exp3A_595, %div3A_656 : vector<16xf32>
        %convert_element_type3A_838 = arith.fptosi %mul3A_837 : vector<16xf32> to vector<16xi32>
        %min3A_839 = arith.constant 1023 : i32
        %min3A_840 = vector.broadcast %min3A_839 : i32 to vector<16xi32>
        %min3A_841 = arith.minsi %convert_element_type3A_838, %min3A_840 : vector<16xi32>
        %eq3A_842 = arith.constant 10 : i32
        %eq3A_843 = vector.broadcast %eq3A_842 : i32 to vector<16xi32>
        %eq3A_844 = arith.cmpi eq, %get3A_540, %eq3A_843 : vector<16xi32>
        %xor3A_845 = arith.constant 1023 : i32
        %xor3A_846 = vector.broadcast %xor3A_845 : i32 to vector<16xi32>
        %xor3A_847 = arith.xori %min3A_841, %xor3A_846 : vector<16xi32>
        %add3A_848 = arith.constant 21504 : i32
        %add3A_849 = vector.broadcast %add3A_848 : i32 to vector<16xi32>
        %add3A_850 = arith.addi %xor3A_847, %add3A_849 : vector<16xi32>
        %add3A_851 = arith.constant 20480 : i32
        %add3A_852 = vector.broadcast %add3A_851 : i32 to vector<16xi32>
        %add3A_853 = arith.addi %min3A_841, %add3A_852 : vector<16xi32>
        %select_n3A_854 = arith.select %eq3A_844, %add3A_850, %add3A_853 : vector<16xi1>, vector<16xi32>
        tpu.vector_store_idx %arg5[%select_n3A_854], %broadcast_in_dim3A_3 {add = true} : memref<38912xf32, #tpu.memory_space<vmem>>[vector<16xi32>], vector<16xf32>,
        %mul3A_855 = arith.mulf %exp3A_600, %div3A_656 : vector<16xf32>
        %convert_element_type3A_856 = arith.fptosi %mul3A_855 : vector<16xf32> to vector<16xi32>
        %min3A_857 = arith.constant 1023 : i32
        %min3A_858 = vector.broadcast %min3A_857 : i32 to vector<16xi32>
        %min3A_859 = arith.minsi %convert_element_type3A_856, %min3A_858 : vector<16xi32>
        %eq3A_860 = arith.constant 11 : i32
        %eq3A_861 = vector.broadcast %eq3A_860 : i32 to vector<16xi32>
        %eq3A_862 = arith.cmpi eq, %get3A_540, %eq3A_861 : vector<16xi32>
        %xor3A_863 = arith.constant 1023 : i32
        %xor3A_864 = vector.broadcast %xor3A_863 : i32 to vector<16xi32>
        %xor3A_865 = arith.xori %min3A_859, %xor3A_864 : vector<16xi32>
        %add3A_866 = arith.constant 23552 : i32
        %add3A_867 = vector.broadcast %add3A_866 : i32 to vector<16xi32>
        %add3A_868 = arith.addi %xor3A_865, %add3A_867 : vector<16xi32>
        %add3A_869 = arith.constant 22528 : i32
        %add3A_870 = vector.broadcast %add3A_869 : i32 to vector<16xi32>
        %add3A_871 = arith.addi %min3A_859, %add3A_870 : vector<16xi32>
        %select_n3A_872 = arith.select %eq3A_862, %add3A_868, %add3A_871 : vector<16xi1>, vector<16xi32>
        tpu.vector_store_idx %arg5[%select_n3A_872], %broadcast_in_dim3A_3 {add = true} : memref<38912xf32, #tpu.memory_space<vmem>>[vector<16xi32>], vector<16xf32>,
        %mul3A_873 = arith.mulf %exp3A_605, %div3A_656 : vector<16xf32>
        %convert_element_type3A_874 = arith.fptosi %mul3A_873 : vector<16xf32> to vector<16xi32>
        %min3A_875 = arith.constant 1023 : i32
        %min3A_876 = vector.broadcast %min3A_875 : i32 to vector<16xi32>
        %min3A_877 = arith.minsi %convert_element_type3A_874, %min3A_876 : vector<16xi32>
        %eq3A_878 = arith.constant 12 : i32
        %eq3A_879 = vector.broadcast %eq3A_878 : i32 to vector<16xi32>
        %eq3A_880 = arith.cmpi eq, %get3A_540, %eq3A_879 : vector<16xi32>
        %xor3A_881 = arith.constant 1023 : i32
        %xor3A_882 = vector.broadcast %xor3A_881 : i32 to vector<16xi32>
        %xor3A_883 = arith.xori %min3A_877, %xor3A_882 : vector<16xi32>
        %add3A_884 = arith.constant 25600 : i32
        %add3A_885 = vector.broadcast %add3A_884 : i32 to vector<16xi32>
        %add3A_886 = arith.addi %xor3A_883, %add3A_885 : vector<16xi32>
        %add3A_887 = arith.constant 24576 : i32
        %add3A_888 = vector.broadcast %add3A_887 : i32 to vector<16xi32>
        %add3A_889 = arith.addi %min3A_877, %add3A_888 : vector<16xi32>
        %select_n3A_890 = arith.select %eq3A_880, %add3A_886, %add3A_889 : vector<16xi1>, vector<16xi32>
        tpu.vector_store_idx %arg5[%select_n3A_890], %broadcast_in_dim3A_3 {add = true} : memref<38912xf32, #tpu.memory_space<vmem>>[vector<16xi32>], vector<16xf32>,
        %mul3A_891 = arith.mulf %exp3A_610, %div3A_656 : vector<16xf32>
        %convert_element_type3A_892 = arith.fptosi %mul3A_891 : vector<16xf32> to vector<16xi32>
        %min3A_893 = arith.constant 1023 : i32
        %min3A_894 = vector.broadcast %min3A_893 : i32 to vector<16xi32>
        %min3A_895 = arith.minsi %convert_element_type3A_892, %min3A_894 : vector<16xi32>
        %eq3A_896 = arith.constant 13 : i32
        %eq3A_897 = vector.broadcast %eq3A_896 : i32 to vector<16xi32>
        %eq3A_898 = arith.cmpi eq, %get3A_540, %eq3A_897 : vector<16xi32>
        %xor3A_899 = arith.constant 1023 : i32
        %xor3A_900 = vector.broadcast %xor3A_899 : i32 to vector<16xi32>
        %xor3A_901 = arith.xori %min3A_895, %xor3A_900 : vector<16xi32>
        %add3A_902 = arith.constant 27648 : i32
        %add3A_903 = vector.broadcast %add3A_902 : i32 to vector<16xi32>
        %add3A_904 = arith.addi %xor3A_901, %add3A_903 : vector<16xi32>
        %add3A_905 = arith.constant 26624 : i32
        %add3A_906 = vector.broadcast %add3A_905 : i32 to vector<16xi32>
        %add3A_907 = arith.addi %min3A_895, %add3A_906 : vector<16xi32>
        %select_n3A_908 = arith.select %eq3A_898, %add3A_904, %add3A_907 : vector<16xi1>, vector<16xi32>
        tpu.vector_store_idx %arg5[%select_n3A_908], %broadcast_in_dim3A_3 {add = true} : memref<38912xf32, #tpu.memory_space<vmem>>[vector<16xi32>], vector<16xf32>,
        %mul3A_909 = arith.mulf %exp3A_615, %div3A_656 : vector<16xf32>
        %convert_element_type3A_910 = arith.fptosi %mul3A_909 : vector<16xf32> to vector<16xi32>
        %min3A_911 = arith.constant 1023 : i32
        %min3A_912 = vector.broadcast %min3A_911 : i32 to vector<16xi32>
        %min3A_913 = arith.minsi %convert_element_type3A_910, %min3A_912 : vector<16xi32>
        %eq3A_914 = arith.constant 14 : i32
        %eq3A_915 = vector.broadcast %eq3A_914 : i32 to vector<16xi32>
        %eq3A_916 = arith.cmpi eq, %get3A_540, %eq3A_915 : vector<16xi32>
        %xor3A_917 = arith.constant 1023 : i32
        %xor3A_918 = vector.broadcast %xor3A_917 : i32 to vector<16xi32>
        %xor3A_919 = arith.xori %min3A_913, %xor3A_918 : vector<16xi32>
        %add3A_920 = arith.constant 29696 : i32
        %add3A_921 = vector.broadcast %add3A_920 : i32 to vector<16xi32>
        %add3A_922 = arith.addi %xor3A_919, %add3A_921 : vector<16xi32>
        %add3A_923 = arith.constant 28672 : i32
        %add3A_924 = vector.broadcast %add3A_923 : i32 to vector<16xi32>
        %add3A_925 = arith.addi %min3A_913, %add3A_924 : vector<16xi32>
        %select_n3A_926 = arith.select %eq3A_916, %add3A_922, %add3A_925 : vector<16xi1>, vector<16xi32>
        tpu.vector_store_idx %arg5[%select_n3A_926], %broadcast_in_dim3A_3 {add = true} : memref<38912xf32, #tpu.memory_space<vmem>>[vector<16xi32>], vector<16xf32>,
        %mul3A_927 = arith.mulf %exp3A_620, %div3A_656 : vector<16xf32>
        %convert_element_type3A_928 = arith.fptosi %mul3A_927 : vector<16xf32> to vector<16xi32>
        %min3A_929 = arith.constant 1023 : i32
        %min3A_930 = vector.broadcast %min3A_929 : i32 to vector<16xi32>
        %min3A_931 = arith.minsi %convert_element_type3A_928, %min3A_930 : vector<16xi32>
        %eq3A_932 = arith.constant 15 : i32
        %eq3A_933 = vector.broadcast %eq3A_932 : i32 to vector<16xi32>
        %eq3A_934 = arith.cmpi eq, %get3A_540, %eq3A_933 : vector<16xi32>
        %xor3A_935 = arith.constant 1023 : i32
        %xor3A_936 = vector.broadcast %xor3A_935 : i32 to vector<16xi32>
        %xor3A_937 = arith.xori %min3A_931, %xor3A_936 : vector<16xi32>
        %add3A_938 = arith.constant 31744 : i32
        %add3A_939 = vector.broadcast %add3A_938 : i32 to vector<16xi32>
        %add3A_940 = arith.addi %xor3A_937, %add3A_939 : vector<16xi32>
        %add3A_941 = arith.constant 30720 : i32
        %add3A_942 = vector.broadcast %add3A_941 : i32 to vector<16xi32>
        %add3A_943 = arith.addi %min3A_931, %add3A_942 : vector<16xi32>
        %select_n3A_944 = arith.select %eq3A_934, %add3A_940, %add3A_943 : vector<16xi1>, vector<16xi32>
        tpu.vector_store_idx %arg5[%select_n3A_944], %broadcast_in_dim3A_3 {add = true} : memref<38912xf32, #tpu.memory_space<vmem>>[vector<16xi32>], vector<16xf32>,
        %mul3A_945 = arith.mulf %exp3A_625, %div3A_656 : vector<16xf32>
        %convert_element_type3A_946 = arith.fptosi %mul3A_945 : vector<16xf32> to vector<16xi32>
        %min3A_947 = arith.constant 1023 : i32
        %min3A_948 = vector.broadcast %min3A_947 : i32 to vector<16xi32>
        %min3A_949 = arith.minsi %convert_element_type3A_946, %min3A_948 : vector<16xi32>
        %eq3A_950 = arith.constant 16 : i32
        %eq3A_951 = vector.broadcast %eq3A_950 : i32 to vector<16xi32>
        %eq3A_952 = arith.cmpi eq, %get3A_540, %eq3A_951 : vector<16xi32>
        %xor3A_953 = arith.constant 1023 : i32
        %xor3A_954 = vector.broadcast %xor3A_953 : i32 to vector<16xi32>
        %xor3A_955 = arith.xori %min3A_949, %xor3A_954 : vector<16xi32>
        %add3A_956 = arith.constant 33792 : i32
        %add3A_957 = vector.broadcast %add3A_956 : i32 to vector<16xi32>
        %add3A_958 = arith.addi %xor3A_955, %add3A_957 : vector<16xi32>
        %add3A_959 = arith.constant 32768 : i32
        %add3A_960 = vector.broadcast %add3A_959 : i32 to vector<16xi32>
        %add3A_961 = arith.addi %min3A_949, %add3A_960 : vector<16xi32>
        %select_n3A_962 = arith.select %eq3A_952, %add3A_958, %add3A_961 : vector<16xi1>, vector<16xi32>
        tpu.vector_store_idx %arg5[%select_n3A_962], %broadcast_in_dim3A_3 {add = true} : memref<38912xf32, #tpu.memory_space<vmem>>[vector<16xi32>], vector<16xf32>,
        %mul3A_963 = arith.mulf %exp3A_630, %div3A_656 : vector<16xf32>
        %convert_element_type3A_964 = arith.fptosi %mul3A_963 : vector<16xf32> to vector<16xi32>
        %min3A_965 = arith.constant 1023 : i32
        %min3A_966 = vector.broadcast %min3A_965 : i32 to vector<16xi32>
        %min3A_967 = arith.minsi %convert_element_type3A_964, %min3A_966 : vector<16xi32>
        %eq3A_968 = arith.constant 17 : i32
        %eq3A_969 = vector.broadcast %eq3A_968 : i32 to vector<16xi32>
        %eq3A_970 = arith.cmpi eq, %get3A_540, %eq3A_969 : vector<16xi32>
        %xor3A_971 = arith.constant 1023 : i32
        %xor3A_972 = vector.broadcast %xor3A_971 : i32 to vector<16xi32>
        %xor3A_973 = arith.xori %min3A_967, %xor3A_972 : vector<16xi32>
        %add3A_974 = arith.constant 35840 : i32
        %add3A_975 = vector.broadcast %add3A_974 : i32 to vector<16xi32>
        %add3A_976 = arith.addi %xor3A_973, %add3A_975 : vector<16xi32>
        %add3A_977 = arith.constant 34816 : i32
        %add3A_978 = vector.broadcast %add3A_977 : i32 to vector<16xi32>
        %add3A_979 = arith.addi %min3A_967, %add3A_978 : vector<16xi32>
        %select_n3A_980 = arith.select %eq3A_970, %add3A_976, %add3A_979 : vector<16xi1>, vector<16xi32>
        tpu.vector_store_idx %arg5[%select_n3A_980], %broadcast_in_dim3A_3 {add = true} : memref<38912xf32, #tpu.memory_space<vmem>>[vector<16xi32>], vector<16xf32>,
        %mul3A_981 = arith.mulf %exp3A_635, %div3A_656 : vector<16xf32>
        %convert_element_type3A_982 = arith.fptosi %mul3A_981 : vector<16xf32> to vector<16xi32>
        %min3A_983 = arith.constant 1023 : i32
        %min3A_984 = vector.broadcast %min3A_983 : i32 to vector<16xi32>
        %min3A_985 = arith.minsi %convert_element_type3A_982, %min3A_984 : vector<16xi32>
        %eq3A_986 = arith.constant 18 : i32
        %eq3A_987 = vector.broadcast %eq3A_986 : i32 to vector<16xi32>
        %eq3A_988 = arith.cmpi eq, %get3A_540, %eq3A_987 : vector<16xi32>
        %xor3A_989 = arith.constant 1023 : i32
        %xor3A_990 = vector.broadcast %xor3A_989 : i32 to vector<16xi32>
        %xor3A_991 = arith.xori %min3A_985, %xor3A_990 : vector<16xi32>
        %add3A_992 = arith.constant 37888 : i32
        %add3A_993 = vector.broadcast %add3A_992 : i32 to vector<16xi32>
        %add3A_994 = arith.addi %xor3A_991, %add3A_993 : vector<16xi32>
        %add3A_995 = arith.constant 36864 : i32
        %add3A_996 = vector.broadcast %add3A_995 : i32 to vector<16xi32>
        %add3A_997 = arith.addi %min3A_985, %add3A_996 : vector<16xi32>
        %select_n3A_998 = arith.select %eq3A_988, %add3A_994, %add3A_997 : vector<16xi1>, vector<16xi32>
        tpu.vector_store_idx %arg5[%select_n3A_998], %broadcast_in_dim3A_3 {add = true} : memref<38912xf32, #tpu.memory_space<vmem>>[vector<16xi32>], vector<16xf32>,
      }
      %scan3A_50 = arith.constant 64 : i32
      %add3A_51 = arith.constant 2 : i32
      %add3A_52 = arith.addi %mul3A_36, %add3A_51 : i32
      %lt3A = arith.constant 16 : i32
      %lt3A_53 = arith.cmpi slt, %add3A_52, %lt3A : i32
      %convert_element_type3A = arith.extui %lt3A_53 : i1 to i32
      %cond3A = arith.constant 0 : i32
      %cond3A_54 = arith.cmpi ne, %convert_element_type3A, %cond3A : i32
      scf.if %cond3A_54 {
        %add3A_79 = arith.constant 2 : i32
        %add3A_80 = arith.addi %mul3A_36, %add3A_79 : i32
        %mul3A_81 = arith.constant 1024 : i32
        %mul3A_82 = arith.muli %add3A_80, %mul3A_81 : i32
        %add3A_83 = arith.addi %mul3A_10, %mul3A_82 : i32
        %dma_start3A_84 = arith.constant 0 : i32
        %dma_start3A_85 = tpu.memref_slice %arg2[%dma_start3A_84, %add3A_83] : memref<19x524288xf32, #tpu.memory_space<hbm>> -> memref<19x1024xf32, #tpu.memory_space<hbm>>
        %dma_start3A_86 = arith.constant 0 : i32
        %dma_start3A_87 = tpu.memref_slice %arg2[%dma_start3A_86, %add3A_83] : memref<19x524288xf32, #tpu.memory_space<hbm>> -> memref<19x1024xf32, #tpu.memory_space<hbm>>
        tpu.enqueue_dma source(%dma_start3A_87 : memref<19x1024xf32, #tpu.memory_space<hbm>>) target(%arg6 : memref<19x1024xf32, #tpu.memory_space<vmem>>) target_semaphore(%arg10 : memref<!tpu.dma_semaphore, #tpu.memory_space<semaphore_mem>>)
        %dma_start3A_88 = tpu.memref_slice %arg3[%add3A_83] : memref<524288xi32, #tpu.memory_space<hbm>> -> memref<1024xi32, #tpu.memory_space<hbm>>
        %dma_start3A_89 = tpu.memref_slice %arg3[%add3A_83] : memref<524288xi32, #tpu.memory_space<hbm>> -> memref<1024xi32, #tpu.memory_space<hbm>>
        tpu.enqueue_dma source(%dma_start3A_89 : memref<1024xi32, #tpu.memory_space<hbm>>) target(%arg8 : memref<1024xi32, #tpu.memory_space<vmem>>) target_semaphore(%arg12 : memref<!tpu.dma_semaphore, #tpu.memory_space<semaphore_mem>>)
      } else {
      }
      %add3A_55 = arith.constant 1 : i32
      %add3A_56 = arith.addi %mul3A_36, %add3A_55 : i32
      %mul3A_57 = arith.constant 1024 : i32
      %mul3A_58 = arith.muli %add3A_56, %mul3A_57 : i32
      %add3A_59 = arith.addi %mul3A_10, %mul3A_58 : i32
      %dma_wait3A_60 = arith.constant 0 : i32
      %dma_wait3A_61 = tpu.memref_slice %arg2[%dma_wait3A_60, %add3A_59] : memref<19x524288xf32, #tpu.memory_space<hbm>> -> memref<19x1024xf32, #tpu.memory_space<hbm>>
      %dma_wait3A_62 = arith.constant 0 : i32
      %dma_wait3A_63 = tpu.memref_slice %arg2[%dma_wait3A_62, %add3A_59] : memref<19x524288xf32, #tpu.memory_space<hbm>> -> memref<19x1024xf32, #tpu.memory_space<hbm>>
      tpu.wait_dma2 semaphore(%arg11 : memref<!tpu.dma_semaphore, #tpu.memory_space<semaphore_mem>>) src(%dma_wait3A_63 : memref<19x1024xf32, #tpu.memory_space<hbm>>) dst(%arg7 : memref<19x1024xf32, #tpu.memory_space<vmem>>)
      %dma_wait3A_64 = tpu.memref_slice %arg3[%add3A_59] : memref<524288xi32, #tpu.memory_space<hbm>> -> memref<1024xi32, #tpu.memory_space<hbm>>
      %dma_wait3A_65 = tpu.memref_slice %arg3[%add3A_59] : memref<524288xi32, #tpu.memory_space<hbm>> -> memref<1024xi32, #tpu.memory_space<hbm>>
      tpu.wait_dma2 semaphore(%arg13 : memref<!tpu.dma_semaphore, #tpu.memory_space<semaphore_mem>>) src(%dma_wait3A_65 : memref<1024xi32, #tpu.memory_space<hbm>>) dst(%arg9 : memref<1024xi32, #tpu.memory_space<vmem>>)
      %scan3A_66 = arith.constant 0 : i32
      %scan3A_67 = arith.constant 0 : i32
      %scan3A_68 = arith.constant 64 : i32
      %scan3A_69 = arith.addi %scan3A_67, %scan3A_68 : i32
      %scan3A_70 = arith.constant 2 : i32
      scf.for %scan3A_79 = %scan3A_67 to %scan3A_69 step %scan3A_70  : i32 {
        %mul3A_80 = arith.constant 16 : i32
        %mul3A_81 = arith.muli %scan3A_79, %mul3A_80 : i32
        %get3A = arith.index_cast %mul3A_81 : i32 to index
        %get3A_82 = tpu.vector_load %arg9[%get3A] {strides = array<i32>} : memref<1024xi32, #tpu.memory_space<vmem>>, vector<16xi32>,
        %get3A_83 = arith.constant 0 : i32
        %get3A_84 = arith.index_cast %get3A_83 : i32 to index
        %get3A_85 = arith.index_cast %mul3A_81 : i32 to index
        %get3A_86 = tpu.vector_load %arg7[%get3A_84, %get3A_85] {strides = array<i32>} : memref<19x1024xf32, #tpu.memory_space<vmem>>, vector<16xf32>,
        %exp3A = math.exp %get3A_86 : vector<16xf32>
        %get3A_87 = arith.constant 1 : i32
        %get3A_88 = arith.index_cast %get3A_87 : i32 to index
        %get3A_89 = arith.index_cast %mul3A_81 : i32 to index
        %get3A_90 = tpu.vector_load %arg7[%get3A_88, %get3A_89] {strides = array<i32>} : memref<19x1024xf32, #tpu.memory_space<vmem>>, vector<16xf32>,
        %exp3A_91 = math.exp %get3A_90 : vector<16xf32>
        %get3A_92 = arith.constant 2 : i32
        %get3A_93 = arith.index_cast %get3A_92 : i32 to index
        %get3A_94 = arith.index_cast %mul3A_81 : i32 to index
        %get3A_95 = tpu.vector_load %arg7[%get3A_93, %get3A_94] {strides = array<i32>} : memref<19x1024xf32, #tpu.memory_space<vmem>>, vector<16xf32>,
        %exp3A_96 = math.exp %get3A_95 : vector<16xf32>
        %get3A_97 = arith.constant 3 : i32
        %get3A_98 = arith.index_cast %get3A_97 : i32 to index
        %get3A_99 = arith.index_cast %mul3A_81 : i32 to index
        %get3A_100 = tpu.vector_load %arg7[%get3A_98, %get3A_99] {strides = array<i32>} : memref<19x1024xf32, #tpu.memory_space<vmem>>, vector<16xf32>,
        %exp3A_101 = math.exp %get3A_100 : vector<16xf32>
        %get3A_102 = arith.constant 4 : i32
        %get3A_103 = arith.index_cast %get3A_102 : i32 to index
        %get3A_104 = arith.index_cast %mul3A_81 : i32 to index
        %get3A_105 = tpu.vector_load %arg7[%get3A_103, %get3A_104] {strides = array<i32>} : memref<19x1024xf32, #tpu.memory_space<vmem>>, vector<16xf32>,
        %exp3A_106 = math.exp %get3A_105 : vector<16xf32>
        %get3A_107 = arith.constant 5 : i32
        %get3A_108 = arith.index_cast %get3A_107 : i32 to index
        %get3A_109 = arith.index_cast %mul3A_81 : i32 to index
        %get3A_110 = tpu.vector_load %arg7[%get3A_108, %get3A_109] {strides = array<i32>} : memref<19x1024xf32, #tpu.memory_space<vmem>>, vector<16xf32>,
        %exp3A_111 = math.exp %get3A_110 : vector<16xf32>
        %get3A_112 = arith.constant 6 : i32
        %get3A_113 = arith.index_cast %get3A_112 : i32 to index
        %get3A_114 = arith.index_cast %mul3A_81 : i32 to index
        %get3A_115 = tpu.vector_load %arg7[%get3A_113, %get3A_114] {strides = array<i32>} : memref<19x1024xf32, #tpu.memory_space<vmem>>, vector<16xf32>,
        %exp3A_116 = math.exp %get3A_115 : vector<16xf32>
        %get3A_117 = arith.constant 7 : i32
        %get3A_118 = arith.index_cast %get3A_117 : i32 to index
        %get3A_119 = arith.index_cast %mul3A_81 : i32 to index
        %get3A_120 = tpu.vector_load %arg7[%get3A_118, %get3A_119] {strides = array<i32>} : memref<19x1024xf32, #tpu.memory_space<vmem>>, vector<16xf32>,
        %exp3A_121 = math.exp %get3A_120 : vector<16xf32>
        %get3A_122 = arith.constant 8 : i32
        %get3A_123 = arith.index_cast %get3A_122 : i32 to index
        %get3A_124 = arith.index_cast %mul3A_81 : i32 to index
        %get3A_125 = tpu.vector_load %arg7[%get3A_123, %get3A_124] {strides = array<i32>} : memref<19x1024xf32, #tpu.memory_space<vmem>>, vector<16xf32>,
        %exp3A_126 = math.exp %get3A_125 : vector<16xf32>
        %get3A_127 = arith.constant 9 : i32
        %get3A_128 = arith.index_cast %get3A_127 : i32 to index
        %get3A_129 = arith.index_cast %mul3A_81 : i32 to index
        %get3A_130 = tpu.vector_load %arg7[%get3A_128, %get3A_129] {strides = array<i32>} : memref<19x1024xf32, #tpu.memory_space<vmem>>, vector<16xf32>,
        %exp3A_131 = math.exp %get3A_130 : vector<16xf32>
        %get3A_132 = arith.constant 10 : i32
        %get3A_133 = arith.index_cast %get3A_132 : i32 to index
        %get3A_134 = arith.index_cast %mul3A_81 : i32 to index
        %get3A_135 = tpu.vector_load %arg7[%get3A_133, %get3A_134] {strides = array<i32>} : memref<19x1024xf32, #tpu.memory_space<vmem>>, vector<16xf32>,
        %exp3A_136 = math.exp %get3A_135 : vector<16xf32>
        %get3A_137 = arith.constant 11 : i32
        %get3A_138 = arith.index_cast %get3A_137 : i32 to index
        %get3A_139 = arith.index_cast %mul3A_81 : i32 to index
        %get3A_140 = tpu.vector_load %arg7[%get3A_138, %get3A_139] {strides = array<i32>} : memref<19x1024xf32, #tpu.memory_space<vmem>>, vector<16xf32>,
        %exp3A_141 = math.exp %get3A_140 : vector<16xf32>
        %get3A_142 = arith.constant 12 : i32
        %get3A_143 = arith.index_cast %get3A_142 : i32 to index
        %get3A_144 = arith.index_cast %mul3A_81 : i32 to index
        %get3A_145 = tpu.vector_load %arg7[%get3A_143, %get3A_144] {strides = array<i32>} : memref<19x1024xf32, #tpu.memory_space<vmem>>, vector<16xf32>,
        %exp3A_146 = math.exp %get3A_145 : vector<16xf32>
        %get3A_147 = arith.constant 13 : i32
        %get3A_148 = arith.index_cast %get3A_147 : i32 to index
        %get3A_149 = arith.index_cast %mul3A_81 : i32 to index
        %get3A_150 = tpu.vector_load %arg7[%get3A_148, %get3A_149] {strides = array<i32>} : memref<19x1024xf32, #tpu.memory_space<vmem>>, vector<16xf32>,
        %exp3A_151 = math.exp %get3A_150 : vector<16xf32>
        %get3A_152 = arith.constant 14 : i32
        %get3A_153 = arith.index_cast %get3A_152 : i32 to index
        %get3A_154 = arith.index_cast %mul3A_81 : i32 to index
        %get3A_155 = tpu.vector_load %arg7[%get3A_153, %get3A_154] {strides = array<i32>} : memref<19x1024xf32, #tpu.memory_space<vmem>>, vector<16xf32>,
        %exp3A_156 = math.exp %get3A_155 : vector<16xf32>
        %get3A_157 = arith.constant 15 : i32
        %get3A_158 = arith.index_cast %get3A_157 : i32 to index
        %get3A_159 = arith.index_cast %mul3A_81 : i32 to index
        %get3A_160 = tpu.vector_load %arg7[%get3A_158, %get3A_159] {strides = array<i32>} : memref<19x1024xf32, #tpu.memory_space<vmem>>, vector<16xf32>,
        %exp3A_161 = math.exp %get3A_160 : vector<16xf32>
        %get3A_162 = arith.constant 16 : i32
        %get3A_163 = arith.index_cast %get3A_162 : i32 to index
        %get3A_164 = arith.index_cast %mul3A_81 : i32 to index
        %get3A_165 = tpu.vector_load %arg7[%get3A_163, %get3A_164] {strides = array<i32>} : memref<19x1024xf32, #tpu.memory_space<vmem>>, vector<16xf32>,
        %exp3A_166 = math.exp %get3A_165 : vector<16xf32>
        %get3A_167 = arith.constant 17 : i32
        %get3A_168 = arith.index_cast %get3A_167 : i32 to index
        %get3A_169 = arith.index_cast %mul3A_81 : i32 to index
        %get3A_170 = tpu.vector_load %arg7[%get3A_168, %get3A_169] {strides = array<i32>} : memref<19x1024xf32, #tpu.memory_space<vmem>>, vector<16xf32>,
        %exp3A_171 = math.exp %get3A_170 : vector<16xf32>
        %get3A_172 = arith.constant 18 : i32
        %get3A_173 = arith.index_cast %get3A_172 : i32 to index
        %get3A_174 = arith.index_cast %mul3A_81 : i32 to index
        %get3A_175 = tpu.vector_load %arg7[%get3A_173, %get3A_174] {strides = array<i32>} : memref<19x1024xf32, #tpu.memory_space<vmem>>, vector<16xf32>,
        %exp3A_176 = math.exp %get3A_175 : vector<16xf32>
        %add3A_177 = arith.addf %exp3A, %exp3A_91 : vector<16xf32>
        %add3A_178 = arith.addf %exp3A_96, %exp3A_101 : vector<16xf32>
        %add3A_179 = arith.addf %exp3A_106, %exp3A_111 : vector<16xf32>
        %add3A_180 = arith.addf %exp3A_116, %exp3A_121 : vector<16xf32>
        %add3A_181 = arith.addf %exp3A_126, %exp3A_131 : vector<16xf32>
        %add3A_182 = arith.addf %exp3A_136, %exp3A_141 : vector<16xf32>
        %add3A_183 = arith.addf %exp3A_146, %exp3A_151 : vector<16xf32>
        %add3A_184 = arith.addf %exp3A_156, %exp3A_161 : vector<16xf32>
        %add3A_185 = arith.addf %exp3A_166, %exp3A_171 : vector<16xf32>
        %add3A_186 = arith.addf %add3A_177, %add3A_178 : vector<16xf32>
        %add3A_187 = arith.addf %add3A_179, %add3A_180 : vector<16xf32>
        %add3A_188 = arith.addf %add3A_181, %add3A_182 : vector<16xf32>
        %add3A_189 = arith.addf %add3A_183, %add3A_184 : vector<16xf32>
        %add3A_190 = arith.addf %add3A_185, %exp3A_176 : vector<16xf32>
        %add3A_191 = arith.addf %add3A_186, %add3A_187 : vector<16xf32>
        %add3A_192 = arith.addf %add3A_188, %add3A_189 : vector<16xf32>
        %add3A_193 = arith.addf %add3A_191, %add3A_192 : vector<16xf32>
        %add3A_194 = arith.addf %add3A_193, %add3A_190 : vector<16xf32>
        %div3A = arith.constant 1.024000e+03 : f32
        %div3A_195 = vector.broadcast %div3A : f32 to vector<16xf32>
        %div3A_196 = arith.divf %div3A_195, %add3A_194 : vector<16xf32>
        %mul3A_197 = arith.mulf %exp3A, %div3A_196 : vector<16xf32>
        %convert_element_type3A_198 = arith.fptosi %mul3A_197 : vector<16xf32> to vector<16xi32>
        %min3A = arith.constant 1023 : i32
        %min3A_199 = vector.broadcast %min3A : i32 to vector<16xi32>
        %min3A_200 = arith.minsi %convert_element_type3A_198, %min3A_199 : vector<16xi32>
        %eq3A = arith.constant 0 : i32
        %eq3A_201 = vector.broadcast %eq3A : i32 to vector<16xi32>
        %eq3A_202 = arith.cmpi eq, %get3A_82, %eq3A_201 : vector<16xi32>
        %xor3A = arith.constant 1023 : i32
        %xor3A_203 = vector.broadcast %xor3A : i32 to vector<16xi32>
        %xor3A_204 = arith.xori %min3A_200, %xor3A_203 : vector<16xi32>
        %add3A_205 = arith.constant 1024 : i32
        %add3A_206 = vector.broadcast %add3A_205 : i32 to vector<16xi32>
        %add3A_207 = arith.addi %xor3A_204, %add3A_206 : vector<16xi32>
        %add3A_208 = arith.constant 0 : i32
        %add3A_209 = vector.broadcast %add3A_208 : i32 to vector<16xi32>
        %add3A_210 = arith.addi %min3A_200, %add3A_209 : vector<16xi32>
        %select_n3A = arith.select %eq3A_202, %add3A_207, %add3A_210 : vector<16xi1>, vector<16xi32>
        tpu.vector_store_idx %arg5[%select_n3A], %broadcast_in_dim3A_3 {add = true} : memref<38912xf32, #tpu.memory_space<vmem>>[vector<16xi32>], vector<16xf32>,
        %mul3A_211 = arith.mulf %exp3A_91, %div3A_196 : vector<16xf32>
        %convert_element_type3A_212 = arith.fptosi %mul3A_211 : vector<16xf32> to vector<16xi32>
        %min3A_213 = arith.constant 1023 : i32
        %min3A_214 = vector.broadcast %min3A_213 : i32 to vector<16xi32>
        %min3A_215 = arith.minsi %convert_element_type3A_212, %min3A_214 : vector<16xi32>
        %eq3A_216 = arith.constant 1 : i32
        %eq3A_217 = vector.broadcast %eq3A_216 : i32 to vector<16xi32>
        %eq3A_218 = arith.cmpi eq, %get3A_82, %eq3A_217 : vector<16xi32>
        %xor3A_219 = arith.constant 1023 : i32
        %xor3A_220 = vector.broadcast %xor3A_219 : i32 to vector<16xi32>
        %xor3A_221 = arith.xori %min3A_215, %xor3A_220 : vector<16xi32>
        %add3A_222 = arith.constant 3072 : i32
        %add3A_223 = vector.broadcast %add3A_222 : i32 to vector<16xi32>
        %add3A_224 = arith.addi %xor3A_221, %add3A_223 : vector<16xi32>
        %add3A_225 = arith.constant 2048 : i32
        %add3A_226 = vector.broadcast %add3A_225 : i32 to vector<16xi32>
        %add3A_227 = arith.addi %min3A_215, %add3A_226 : vector<16xi32>
        %select_n3A_228 = arith.select %eq3A_218, %add3A_224, %add3A_227 : vector<16xi1>, vector<16xi32>
        tpu.vector_store_idx %arg5[%select_n3A_228], %broadcast_in_dim3A_3 {add = true} : memref<38912xf32, #tpu.memory_space<vmem>>[vector<16xi32>], vector<16xf32>,
        %mul3A_229 = arith.mulf %exp3A_96, %div3A_196 : vector<16xf32>
        %convert_element_type3A_230 = arith.fptosi %mul3A_229 : vector<16xf32> to vector<16xi32>
        %min3A_231 = arith.constant 1023 : i32
        %min3A_232 = vector.broadcast %min3A_231 : i32 to vector<16xi32>
        %min3A_233 = arith.minsi %convert_element_type3A_230, %min3A_232 : vector<16xi32>
        %eq3A_234 = arith.constant 2 : i32
        %eq3A_235 = vector.broadcast %eq3A_234 : i32 to vector<16xi32>
        %eq3A_236 = arith.cmpi eq, %get3A_82, %eq3A_235 : vector<16xi32>
        %xor3A_237 = arith.constant 1023 : i32
        %xor3A_238 = vector.broadcast %xor3A_237 : i32 to vector<16xi32>
        %xor3A_239 = arith.xori %min3A_233, %xor3A_238 : vector<16xi32>
        %add3A_240 = arith.constant 5120 : i32
        %add3A_241 = vector.broadcast %add3A_240 : i32 to vector<16xi32>
        %add3A_242 = arith.addi %xor3A_239, %add3A_241 : vector<16xi32>
        %add3A_243 = arith.constant 4096 : i32
        %add3A_244 = vector.broadcast %add3A_243 : i32 to vector<16xi32>
        %add3A_245 = arith.addi %min3A_233, %add3A_244 : vector<16xi32>
        %select_n3A_246 = arith.select %eq3A_236, %add3A_242, %add3A_245 : vector<16xi1>, vector<16xi32>
        tpu.vector_store_idx %arg5[%select_n3A_246], %broadcast_in_dim3A_3 {add = true} : memref<38912xf32, #tpu.memory_space<vmem>>[vector<16xi32>], vector<16xf32>,
        %mul3A_247 = arith.mulf %exp3A_101, %div3A_196 : vector<16xf32>
        %convert_element_type3A_248 = arith.fptosi %mul3A_247 : vector<16xf32> to vector<16xi32>
        %min3A_249 = arith.constant 1023 : i32
        %min3A_250 = vector.broadcast %min3A_249 : i32 to vector<16xi32>
        %min3A_251 = arith.minsi %convert_element_type3A_248, %min3A_250 : vector<16xi32>
        %eq3A_252 = arith.constant 3 : i32
        %eq3A_253 = vector.broadcast %eq3A_252 : i32 to vector<16xi32>
        %eq3A_254 = arith.cmpi eq, %get3A_82, %eq3A_253 : vector<16xi32>
        %xor3A_255 = arith.constant 1023 : i32
        %xor3A_256 = vector.broadcast %xor3A_255 : i32 to vector<16xi32>
        %xor3A_257 = arith.xori %min3A_251, %xor3A_256 : vector<16xi32>
        %add3A_258 = arith.constant 7168 : i32
        %add3A_259 = vector.broadcast %add3A_258 : i32 to vector<16xi32>
        %add3A_260 = arith.addi %xor3A_257, %add3A_259 : vector<16xi32>
        %add3A_261 = arith.constant 6144 : i32
        %add3A_262 = vector.broadcast %add3A_261 : i32 to vector<16xi32>
        %add3A_263 = arith.addi %min3A_251, %add3A_262 : vector<16xi32>
        %select_n3A_264 = arith.select %eq3A_254, %add3A_260, %add3A_263 : vector<16xi1>, vector<16xi32>
        tpu.vector_store_idx %arg5[%select_n3A_264], %broadcast_in_dim3A_3 {add = true} : memref<38912xf32, #tpu.memory_space<vmem>>[vector<16xi32>], vector<16xf32>,
        %mul3A_265 = arith.mulf %exp3A_106, %div3A_196 : vector<16xf32>
        %convert_element_type3A_266 = arith.fptosi %mul3A_265 : vector<16xf32> to vector<16xi32>
        %min3A_267 = arith.constant 1023 : i32
        %min3A_268 = vector.broadcast %min3A_267 : i32 to vector<16xi32>
        %min3A_269 = arith.minsi %convert_element_type3A_266, %min3A_268 : vector<16xi32>
        %eq3A_270 = arith.constant 4 : i32
        %eq3A_271 = vector.broadcast %eq3A_270 : i32 to vector<16xi32>
        %eq3A_272 = arith.cmpi eq, %get3A_82, %eq3A_271 : vector<16xi32>
        %xor3A_273 = arith.constant 1023 : i32
        %xor3A_274 = vector.broadcast %xor3A_273 : i32 to vector<16xi32>
        %xor3A_275 = arith.xori %min3A_269, %xor3A_274 : vector<16xi32>
        %add3A_276 = arith.constant 9216 : i32
        %add3A_277 = vector.broadcast %add3A_276 : i32 to vector<16xi32>
        %add3A_278 = arith.addi %xor3A_275, %add3A_277 : vector<16xi32>
        %add3A_279 = arith.constant 8192 : i32
        %add3A_280 = vector.broadcast %add3A_279 : i32 to vector<16xi32>
        %add3A_281 = arith.addi %min3A_269, %add3A_280 : vector<16xi32>
        %select_n3A_282 = arith.select %eq3A_272, %add3A_278, %add3A_281 : vector<16xi1>, vector<16xi32>
        tpu.vector_store_idx %arg5[%select_n3A_282], %broadcast_in_dim3A_3 {add = true} : memref<38912xf32, #tpu.memory_space<vmem>>[vector<16xi32>], vector<16xf32>,
        %mul3A_283 = arith.mulf %exp3A_111, %div3A_196 : vector<16xf32>
        %convert_element_type3A_284 = arith.fptosi %mul3A_283 : vector<16xf32> to vector<16xi32>
        %min3A_285 = arith.constant 1023 : i32
        %min3A_286 = vector.broadcast %min3A_285 : i32 to vector<16xi32>
        %min3A_287 = arith.minsi %convert_element_type3A_284, %min3A_286 : vector<16xi32>
        %eq3A_288 = arith.constant 5 : i32
        %eq3A_289 = vector.broadcast %eq3A_288 : i32 to vector<16xi32>
        %eq3A_290 = arith.cmpi eq, %get3A_82, %eq3A_289 : vector<16xi32>
        %xor3A_291 = arith.constant 1023 : i32
        %xor3A_292 = vector.broadcast %xor3A_291 : i32 to vector<16xi32>
        %xor3A_293 = arith.xori %min3A_287, %xor3A_292 : vector<16xi32>
        %add3A_294 = arith.constant 11264 : i32
        %add3A_295 = vector.broadcast %add3A_294 : i32 to vector<16xi32>
        %add3A_296 = arith.addi %xor3A_293, %add3A_295 : vector<16xi32>
        %add3A_297 = arith.constant 10240 : i32
        %add3A_298 = vector.broadcast %add3A_297 : i32 to vector<16xi32>
        %add3A_299 = arith.addi %min3A_287, %add3A_298 : vector<16xi32>
        %select_n3A_300 = arith.select %eq3A_290, %add3A_296, %add3A_299 : vector<16xi1>, vector<16xi32>
        tpu.vector_store_idx %arg5[%select_n3A_300], %broadcast_in_dim3A_3 {add = true} : memref<38912xf32, #tpu.memory_space<vmem>>[vector<16xi32>], vector<16xf32>,
        %mul3A_301 = arith.mulf %exp3A_116, %div3A_196 : vector<16xf32>
        %convert_element_type3A_302 = arith.fptosi %mul3A_301 : vector<16xf32> to vector<16xi32>
        %min3A_303 = arith.constant 1023 : i32
        %min3A_304 = vector.broadcast %min3A_303 : i32 to vector<16xi32>
        %min3A_305 = arith.minsi %convert_element_type3A_302, %min3A_304 : vector<16xi32>
        %eq3A_306 = arith.constant 6 : i32
        %eq3A_307 = vector.broadcast %eq3A_306 : i32 to vector<16xi32>
        %eq3A_308 = arith.cmpi eq, %get3A_82, %eq3A_307 : vector<16xi32>
        %xor3A_309 = arith.constant 1023 : i32
        %xor3A_310 = vector.broadcast %xor3A_309 : i32 to vector<16xi32>
        %xor3A_311 = arith.xori %min3A_305, %xor3A_310 : vector<16xi32>
        %add3A_312 = arith.constant 13312 : i32
        %add3A_313 = vector.broadcast %add3A_312 : i32 to vector<16xi32>
        %add3A_314 = arith.addi %xor3A_311, %add3A_313 : vector<16xi32>
        %add3A_315 = arith.constant 12288 : i32
        %add3A_316 = vector.broadcast %add3A_315 : i32 to vector<16xi32>
        %add3A_317 = arith.addi %min3A_305, %add3A_316 : vector<16xi32>
        %select_n3A_318 = arith.select %eq3A_308, %add3A_314, %add3A_317 : vector<16xi1>, vector<16xi32>
        tpu.vector_store_idx %arg5[%select_n3A_318], %broadcast_in_dim3A_3 {add = true} : memref<38912xf32, #tpu.memory_space<vmem>>[vector<16xi32>], vector<16xf32>,
        %mul3A_319 = arith.mulf %exp3A_121, %div3A_196 : vector<16xf32>
        %convert_element_type3A_320 = arith.fptosi %mul3A_319 : vector<16xf32> to vector<16xi32>
        %min3A_321 = arith.constant 1023 : i32
        %min3A_322 = vector.broadcast %min3A_321 : i32 to vector<16xi32>
        %min3A_323 = arith.minsi %convert_element_type3A_320, %min3A_322 : vector<16xi32>
        %eq3A_324 = arith.constant 7 : i32
        %eq3A_325 = vector.broadcast %eq3A_324 : i32 to vector<16xi32>
        %eq3A_326 = arith.cmpi eq, %get3A_82, %eq3A_325 : vector<16xi32>
        %xor3A_327 = arith.constant 1023 : i32
        %xor3A_328 = vector.broadcast %xor3A_327 : i32 to vector<16xi32>
        %xor3A_329 = arith.xori %min3A_323, %xor3A_328 : vector<16xi32>
        %add3A_330 = arith.constant 15360 : i32
        %add3A_331 = vector.broadcast %add3A_330 : i32 to vector<16xi32>
        %add3A_332 = arith.addi %xor3A_329, %add3A_331 : vector<16xi32>
        %add3A_333 = arith.constant 14336 : i32
        %add3A_334 = vector.broadcast %add3A_333 : i32 to vector<16xi32>
        %add3A_335 = arith.addi %min3A_323, %add3A_334 : vector<16xi32>
        %select_n3A_336 = arith.select %eq3A_326, %add3A_332, %add3A_335 : vector<16xi1>, vector<16xi32>
        tpu.vector_store_idx %arg5[%select_n3A_336], %broadcast_in_dim3A_3 {add = true} : memref<38912xf32, #tpu.memory_space<vmem>>[vector<16xi32>], vector<16xf32>,
        %mul3A_337 = arith.mulf %exp3A_126, %div3A_196 : vector<16xf32>
        %convert_element_type3A_338 = arith.fptosi %mul3A_337 : vector<16xf32> to vector<16xi32>
        %min3A_339 = arith.constant 1023 : i32
        %min3A_340 = vector.broadcast %min3A_339 : i32 to vector<16xi32>
        %min3A_341 = arith.minsi %convert_element_type3A_338, %min3A_340 : vector<16xi32>
        %eq3A_342 = arith.constant 8 : i32
        %eq3A_343 = vector.broadcast %eq3A_342 : i32 to vector<16xi32>
        %eq3A_344 = arith.cmpi eq, %get3A_82, %eq3A_343 : vector<16xi32>
        %xor3A_345 = arith.constant 1023 : i32
        %xor3A_346 = vector.broadcast %xor3A_345 : i32 to vector<16xi32>
        %xor3A_347 = arith.xori %min3A_341, %xor3A_346 : vector<16xi32>
        %add3A_348 = arith.constant 17408 : i32
        %add3A_349 = vector.broadcast %add3A_348 : i32 to vector<16xi32>
        %add3A_350 = arith.addi %xor3A_347, %add3A_349 : vector<16xi32>
        %add3A_351 = arith.constant 16384 : i32
        %add3A_352 = vector.broadcast %add3A_351 : i32 to vector<16xi32>
        %add3A_353 = arith.addi %min3A_341, %add3A_352 : vector<16xi32>
        %select_n3A_354 = arith.select %eq3A_344, %add3A_350, %add3A_353 : vector<16xi1>, vector<16xi32>
        tpu.vector_store_idx %arg5[%select_n3A_354], %broadcast_in_dim3A_3 {add = true} : memref<38912xf32, #tpu.memory_space<vmem>>[vector<16xi32>], vector<16xf32>,
        %mul3A_355 = arith.mulf %exp3A_131, %div3A_196 : vector<16xf32>
        %convert_element_type3A_356 = arith.fptosi %mul3A_355 : vector<16xf32> to vector<16xi32>
        %min3A_357 = arith.constant 1023 : i32
        %min3A_358 = vector.broadcast %min3A_357 : i32 to vector<16xi32>
        %min3A_359 = arith.minsi %convert_element_type3A_356, %min3A_358 : vector<16xi32>
        %eq3A_360 = arith.constant 9 : i32
        %eq3A_361 = vector.broadcast %eq3A_360 : i32 to vector<16xi32>
        %eq3A_362 = arith.cmpi eq, %get3A_82, %eq3A_361 : vector<16xi32>
        %xor3A_363 = arith.constant 1023 : i32
        %xor3A_364 = vector.broadcast %xor3A_363 : i32 to vector<16xi32>
        %xor3A_365 = arith.xori %min3A_359, %xor3A_364 : vector<16xi32>
        %add3A_366 = arith.constant 19456 : i32
        %add3A_367 = vector.broadcast %add3A_366 : i32 to vector<16xi32>
        %add3A_368 = arith.addi %xor3A_365, %add3A_367 : vector<16xi32>
        %add3A_369 = arith.constant 18432 : i32
        %add3A_370 = vector.broadcast %add3A_369 : i32 to vector<16xi32>
        %add3A_371 = arith.addi %min3A_359, %add3A_370 : vector<16xi32>
        %select_n3A_372 = arith.select %eq3A_362, %add3A_368, %add3A_371 : vector<16xi1>, vector<16xi32>
        tpu.vector_store_idx %arg5[%select_n3A_372], %broadcast_in_dim3A_3 {add = true} : memref<38912xf32, #tpu.memory_space<vmem>>[vector<16xi32>], vector<16xf32>,
        %mul3A_373 = arith.mulf %exp3A_136, %div3A_196 : vector<16xf32>
        %convert_element_type3A_374 = arith.fptosi %mul3A_373 : vector<16xf32> to vector<16xi32>
        %min3A_375 = arith.constant 1023 : i32
        %min3A_376 = vector.broadcast %min3A_375 : i32 to vector<16xi32>
        %min3A_377 = arith.minsi %convert_element_type3A_374, %min3A_376 : vector<16xi32>
        %eq3A_378 = arith.constant 10 : i32
        %eq3A_379 = vector.broadcast %eq3A_378 : i32 to vector<16xi32>
        %eq3A_380 = arith.cmpi eq, %get3A_82, %eq3A_379 : vector<16xi32>
        %xor3A_381 = arith.constant 1023 : i32
        %xor3A_382 = vector.broadcast %xor3A_381 : i32 to vector<16xi32>
        %xor3A_383 = arith.xori %min3A_377, %xor3A_382 : vector<16xi32>
        %add3A_384 = arith.constant 21504 : i32
        %add3A_385 = vector.broadcast %add3A_384 : i32 to vector<16xi32>
        %add3A_386 = arith.addi %xor3A_383, %add3A_385 : vector<16xi32>
        %add3A_387 = arith.constant 20480 : i32
        %add3A_388 = vector.broadcast %add3A_387 : i32 to vector<16xi32>
        %add3A_389 = arith.addi %min3A_377, %add3A_388 : vector<16xi32>
        %select_n3A_390 = arith.select %eq3A_380, %add3A_386, %add3A_389 : vector<16xi1>, vector<16xi32>
        tpu.vector_store_idx %arg5[%select_n3A_390], %broadcast_in_dim3A_3 {add = true} : memref<38912xf32, #tpu.memory_space<vmem>>[vector<16xi32>], vector<16xf32>,
        %mul3A_391 = arith.mulf %exp3A_141, %div3A_196 : vector<16xf32>
        %convert_element_type3A_392 = arith.fptosi %mul3A_391 : vector<16xf32> to vector<16xi32>
        %min3A_393 = arith.constant 1023 : i32
        %min3A_394 = vector.broadcast %min3A_393 : i32 to vector<16xi32>
        %min3A_395 = arith.minsi %convert_element_type3A_392, %min3A_394 : vector<16xi32>
        %eq3A_396 = arith.constant 11 : i32
        %eq3A_397 = vector.broadcast %eq3A_396 : i32 to vector<16xi32>
        %eq3A_398 = arith.cmpi eq, %get3A_82, %eq3A_397 : vector<16xi32>
        %xor3A_399 = arith.constant 1023 : i32
        %xor3A_400 = vector.broadcast %xor3A_399 : i32 to vector<16xi32>
        %xor3A_401 = arith.xori %min3A_395, %xor3A_400 : vector<16xi32>
        %add3A_402 = arith.constant 23552 : i32
        %add3A_403 = vector.broadcast %add3A_402 : i32 to vector<16xi32>
        %add3A_404 = arith.addi %xor3A_401, %add3A_403 : vector<16xi32>
        %add3A_405 = arith.constant 22528 : i32
        %add3A_406 = vector.broadcast %add3A_405 : i32 to vector<16xi32>
        %add3A_407 = arith.addi %min3A_395, %add3A_406 : vector<16xi32>
        %select_n3A_408 = arith.select %eq3A_398, %add3A_404, %add3A_407 : vector<16xi1>, vector<16xi32>
        tpu.vector_store_idx %arg5[%select_n3A_408], %broadcast_in_dim3A_3 {add = true} : memref<38912xf32, #tpu.memory_space<vmem>>[vector<16xi32>], vector<16xf32>,
        %mul3A_409 = arith.mulf %exp3A_146, %div3A_196 : vector<16xf32>
        %convert_element_type3A_410 = arith.fptosi %mul3A_409 : vector<16xf32> to vector<16xi32>
        %min3A_411 = arith.constant 1023 : i32
        %min3A_412 = vector.broadcast %min3A_411 : i32 to vector<16xi32>
        %min3A_413 = arith.minsi %convert_element_type3A_410, %min3A_412 : vector<16xi32>
        %eq3A_414 = arith.constant 12 : i32
        %eq3A_415 = vector.broadcast %eq3A_414 : i32 to vector<16xi32>
        %eq3A_416 = arith.cmpi eq, %get3A_82, %eq3A_415 : vector<16xi32>
        %xor3A_417 = arith.constant 1023 : i32
        %xor3A_418 = vector.broadcast %xor3A_417 : i32 to vector<16xi32>
        %xor3A_419 = arith.xori %min3A_413, %xor3A_418 : vector<16xi32>
        %add3A_420 = arith.constant 25600 : i32
        %add3A_421 = vector.broadcast %add3A_420 : i32 to vector<16xi32>
        %add3A_422 = arith.addi %xor3A_419, %add3A_421 : vector<16xi32>
        %add3A_423 = arith.constant 24576 : i32
        %add3A_424 = vector.broadcast %add3A_423 : i32 to vector<16xi32>
        %add3A_425 = arith.addi %min3A_413, %add3A_424 : vector<16xi32>
        %select_n3A_426 = arith.select %eq3A_416, %add3A_422, %add3A_425 : vector<16xi1>, vector<16xi32>
        tpu.vector_store_idx %arg5[%select_n3A_426], %broadcast_in_dim3A_3 {add = true} : memref<38912xf32, #tpu.memory_space<vmem>>[vector<16xi32>], vector<16xf32>,
        %mul3A_427 = arith.mulf %exp3A_151, %div3A_196 : vector<16xf32>
        %convert_element_type3A_428 = arith.fptosi %mul3A_427 : vector<16xf32> to vector<16xi32>
        %min3A_429 = arith.constant 1023 : i32
        %min3A_430 = vector.broadcast %min3A_429 : i32 to vector<16xi32>
        %min3A_431 = arith.minsi %convert_element_type3A_428, %min3A_430 : vector<16xi32>
        %eq3A_432 = arith.constant 13 : i32
        %eq3A_433 = vector.broadcast %eq3A_432 : i32 to vector<16xi32>
        %eq3A_434 = arith.cmpi eq, %get3A_82, %eq3A_433 : vector<16xi32>
        %xor3A_435 = arith.constant 1023 : i32
        %xor3A_436 = vector.broadcast %xor3A_435 : i32 to vector<16xi32>
        %xor3A_437 = arith.xori %min3A_431, %xor3A_436 : vector<16xi32>
        %add3A_438 = arith.constant 27648 : i32
        %add3A_439 = vector.broadcast %add3A_438 : i32 to vector<16xi32>
        %add3A_440 = arith.addi %xor3A_437, %add3A_439 : vector<16xi32>
        %add3A_441 = arith.constant 26624 : i32
        %add3A_442 = vector.broadcast %add3A_441 : i32 to vector<16xi32>
        %add3A_443 = arith.addi %min3A_431, %add3A_442 : vector<16xi32>
        %select_n3A_444 = arith.select %eq3A_434, %add3A_440, %add3A_443 : vector<16xi1>, vector<16xi32>
        tpu.vector_store_idx %arg5[%select_n3A_444], %broadcast_in_dim3A_3 {add = true} : memref<38912xf32, #tpu.memory_space<vmem>>[vector<16xi32>], vector<16xf32>,
        %mul3A_445 = arith.mulf %exp3A_156, %div3A_196 : vector<16xf32>
        %convert_element_type3A_446 = arith.fptosi %mul3A_445 : vector<16xf32> to vector<16xi32>
        %min3A_447 = arith.constant 1023 : i32
        %min3A_448 = vector.broadcast %min3A_447 : i32 to vector<16xi32>
        %min3A_449 = arith.minsi %convert_element_type3A_446, %min3A_448 : vector<16xi32>
        %eq3A_450 = arith.constant 14 : i32
        %eq3A_451 = vector.broadcast %eq3A_450 : i32 to vector<16xi32>
        %eq3A_452 = arith.cmpi eq, %get3A_82, %eq3A_451 : vector<16xi32>
        %xor3A_453 = arith.constant 1023 : i32
        %xor3A_454 = vector.broadcast %xor3A_453 : i32 to vector<16xi32>
        %xor3A_455 = arith.xori %min3A_449, %xor3A_454 : vector<16xi32>
        %add3A_456 = arith.constant 29696 : i32
        %add3A_457 = vector.broadcast %add3A_456 : i32 to vector<16xi32>
        %add3A_458 = arith.addi %xor3A_455, %add3A_457 : vector<16xi32>
        %add3A_459 = arith.constant 28672 : i32
        %add3A_460 = vector.broadcast %add3A_459 : i32 to vector<16xi32>
        %add3A_461 = arith.addi %min3A_449, %add3A_460 : vector<16xi32>
        %select_n3A_462 = arith.select %eq3A_452, %add3A_458, %add3A_461 : vector<16xi1>, vector<16xi32>
        tpu.vector_store_idx %arg5[%select_n3A_462], %broadcast_in_dim3A_3 {add = true} : memref<38912xf32, #tpu.memory_space<vmem>>[vector<16xi32>], vector<16xf32>,
        %mul3A_463 = arith.mulf %exp3A_161, %div3A_196 : vector<16xf32>
        %convert_element_type3A_464 = arith.fptosi %mul3A_463 : vector<16xf32> to vector<16xi32>
        %min3A_465 = arith.constant 1023 : i32
        %min3A_466 = vector.broadcast %min3A_465 : i32 to vector<16xi32>
        %min3A_467 = arith.minsi %convert_element_type3A_464, %min3A_466 : vector<16xi32>
        %eq3A_468 = arith.constant 15 : i32
        %eq3A_469 = vector.broadcast %eq3A_468 : i32 to vector<16xi32>
        %eq3A_470 = arith.cmpi eq, %get3A_82, %eq3A_469 : vector<16xi32>
        %xor3A_471 = arith.constant 1023 : i32
        %xor3A_472 = vector.broadcast %xor3A_471 : i32 to vector<16xi32>
        %xor3A_473 = arith.xori %min3A_467, %xor3A_472 : vector<16xi32>
        %add3A_474 = arith.constant 31744 : i32
        %add3A_475 = vector.broadcast %add3A_474 : i32 to vector<16xi32>
        %add3A_476 = arith.addi %xor3A_473, %add3A_475 : vector<16xi32>
        %add3A_477 = arith.constant 30720 : i32
        %add3A_478 = vector.broadcast %add3A_477 : i32 to vector<16xi32>
        %add3A_479 = arith.addi %min3A_467, %add3A_478 : vector<16xi32>
        %select_n3A_480 = arith.select %eq3A_470, %add3A_476, %add3A_479 : vector<16xi1>, vector<16xi32>
        tpu.vector_store_idx %arg5[%select_n3A_480], %broadcast_in_dim3A_3 {add = true} : memref<38912xf32, #tpu.memory_space<vmem>>[vector<16xi32>], vector<16xf32>,
        %mul3A_481 = arith.mulf %exp3A_166, %div3A_196 : vector<16xf32>
        %convert_element_type3A_482 = arith.fptosi %mul3A_481 : vector<16xf32> to vector<16xi32>
        %min3A_483 = arith.constant 1023 : i32
        %min3A_484 = vector.broadcast %min3A_483 : i32 to vector<16xi32>
        %min3A_485 = arith.minsi %convert_element_type3A_482, %min3A_484 : vector<16xi32>
        %eq3A_486 = arith.constant 16 : i32
        %eq3A_487 = vector.broadcast %eq3A_486 : i32 to vector<16xi32>
        %eq3A_488 = arith.cmpi eq, %get3A_82, %eq3A_487 : vector<16xi32>
        %xor3A_489 = arith.constant 1023 : i32
        %xor3A_490 = vector.broadcast %xor3A_489 : i32 to vector<16xi32>
        %xor3A_491 = arith.xori %min3A_485, %xor3A_490 : vector<16xi32>
        %add3A_492 = arith.constant 33792 : i32
        %add3A_493 = vector.broadcast %add3A_492 : i32 to vector<16xi32>
        %add3A_494 = arith.addi %xor3A_491, %add3A_493 : vector<16xi32>
        %add3A_495 = arith.constant 32768 : i32
        %add3A_496 = vector.broadcast %add3A_495 : i32 to vector<16xi32>
        %add3A_497 = arith.addi %min3A_485, %add3A_496 : vector<16xi32>
        %select_n3A_498 = arith.select %eq3A_488, %add3A_494, %add3A_497 : vector<16xi1>, vector<16xi32>
        tpu.vector_store_idx %arg5[%select_n3A_498], %broadcast_in_dim3A_3 {add = true} : memref<38912xf32, #tpu.memory_space<vmem>>[vector<16xi32>], vector<16xf32>,
        %mul3A_499 = arith.mulf %exp3A_171, %div3A_196 : vector<16xf32>
        %convert_element_type3A_500 = arith.fptosi %mul3A_499 : vector<16xf32> to vector<16xi32>
        %min3A_501 = arith.constant 1023 : i32
        %min3A_502 = vector.broadcast %min3A_501 : i32 to vector<16xi32>
        %min3A_503 = arith.minsi %convert_element_type3A_500, %min3A_502 : vector<16xi32>
        %eq3A_504 = arith.constant 17 : i32
        %eq3A_505 = vector.broadcast %eq3A_504 : i32 to vector<16xi32>
        %eq3A_506 = arith.cmpi eq, %get3A_82, %eq3A_505 : vector<16xi32>
        %xor3A_507 = arith.constant 1023 : i32
        %xor3A_508 = vector.broadcast %xor3A_507 : i32 to vector<16xi32>
        %xor3A_509 = arith.xori %min3A_503, %xor3A_508 : vector<16xi32>
        %add3A_510 = arith.constant 35840 : i32
        %add3A_511 = vector.broadcast %add3A_510 : i32 to vector<16xi32>
        %add3A_512 = arith.addi %xor3A_509, %add3A_511 : vector<16xi32>
        %add3A_513 = arith.constant 34816 : i32
        %add3A_514 = vector.broadcast %add3A_513 : i32 to vector<16xi32>
        %add3A_515 = arith.addi %min3A_503, %add3A_514 : vector<16xi32>
        %select_n3A_516 = arith.select %eq3A_506, %add3A_512, %add3A_515 : vector<16xi1>, vector<16xi32>
        tpu.vector_store_idx %arg5[%select_n3A_516], %broadcast_in_dim3A_3 {add = true} : memref<38912xf32, #tpu.memory_space<vmem>>[vector<16xi32>], vector<16xf32>,
        %mul3A_517 = arith.mulf %exp3A_176, %div3A_196 : vector<16xf32>
        %convert_element_type3A_518 = arith.fptosi %mul3A_517 : vector<16xf32> to vector<16xi32>
        %min3A_519 = arith.constant 1023 : i32
        %min3A_520 = vector.broadcast %min3A_519 : i32 to vector<16xi32>
        %min3A_521 = arith.minsi %convert_element_type3A_518, %min3A_520 : vector<16xi32>
        %eq3A_522 = arith.constant 18 : i32
        %eq3A_523 = vector.broadcast %eq3A_522 : i32 to vector<16xi32>
        %eq3A_524 = arith.cmpi eq, %get3A_82, %eq3A_523 : vector<16xi32>
        %xor3A_525 = arith.constant 1023 : i32
        %xor3A_526 = vector.broadcast %xor3A_525 : i32 to vector<16xi32>
        %xor3A_527 = arith.xori %min3A_521, %xor3A_526 : vector<16xi32>
        %add3A_528 = arith.constant 37888 : i32
        %add3A_529 = vector.broadcast %add3A_528 : i32 to vector<16xi32>
        %add3A_530 = arith.addi %xor3A_527, %add3A_529 : vector<16xi32>
        %add3A_531 = arith.constant 36864 : i32
        %add3A_532 = vector.broadcast %add3A_531 : i32 to vector<16xi32>
        %add3A_533 = arith.addi %min3A_521, %add3A_532 : vector<16xi32>
        %select_n3A_534 = arith.select %eq3A_524, %add3A_530, %add3A_533 : vector<16xi1>, vector<16xi32>
        tpu.vector_store_idx %arg5[%select_n3A_534], %broadcast_in_dim3A_3 {add = true} : memref<38912xf32, #tpu.memory_space<vmem>>[vector<16xi32>], vector<16xf32>,
        %scan3A_535 = arith.constant 1 : i32
        %scan3A_536 = arith.addi %scan3A_79, %scan3A_535 : i32
        %mul3A_537 = arith.constant 16 : i32
        %mul3A_538 = arith.muli %scan3A_536, %mul3A_537 : i32
        %get3A_539 = arith.index_cast %mul3A_538 : i32 to index
        %get3A_540 = tpu.vector_load %arg9[%get3A_539] {strides = array<i32>} : memref<1024xi32, #tpu.memory_space<vmem>>, vector<16xi32>,
        %get3A_541 = arith.constant 0 : i32
        %get3A_542 = arith.index_cast %get3A_541 : i32 to index
        %get3A_543 = arith.index_cast %mul3A_538 : i32 to index
        %get3A_544 = tpu.vector_load %arg7[%get3A_542, %get3A_543] {strides = array<i32>} : memref<19x1024xf32, #tpu.memory_space<vmem>>, vector<16xf32>,
        %exp3A_545 = math.exp %get3A_544 : vector<16xf32>
        %get3A_546 = arith.constant 1 : i32
        %get3A_547 = arith.index_cast %get3A_546 : i32 to index
        %get3A_548 = arith.index_cast %mul3A_538 : i32 to index
        %get3A_549 = tpu.vector_load %arg7[%get3A_547, %get3A_548] {strides = array<i32>} : memref<19x1024xf32, #tpu.memory_space<vmem>>, vector<16xf32>,
        %exp3A_550 = math.exp %get3A_549 : vector<16xf32>
        %get3A_551 = arith.constant 2 : i32
        %get3A_552 = arith.index_cast %get3A_551 : i32 to index
        %get3A_553 = arith.index_cast %mul3A_538 : i32 to index
        %get3A_554 = tpu.vector_load %arg7[%get3A_552, %get3A_553] {strides = array<i32>} : memref<19x1024xf32, #tpu.memory_space<vmem>>, vector<16xf32>,
        %exp3A_555 = math.exp %get3A_554 : vector<16xf32>
        %get3A_556 = arith.constant 3 : i32
        %get3A_557 = arith.index_cast %get3A_556 : i32 to index
        %get3A_558 = arith.index_cast %mul3A_538 : i32 to index
        %get3A_559 = tpu.vector_load %arg7[%get3A_557, %get3A_558] {strides = array<i32>} : memref<19x1024xf32, #tpu.memory_space<vmem>>, vector<16xf32>,
        %exp3A_560 = math.exp %get3A_559 : vector<16xf32>
        %get3A_561 = arith.constant 4 : i32
        %get3A_562 = arith.index_cast %get3A_561 : i32 to index
        %get3A_563 = arith.index_cast %mul3A_538 : i32 to index
        %get3A_564 = tpu.vector_load %arg7[%get3A_562, %get3A_563] {strides = array<i32>} : memref<19x1024xf32, #tpu.memory_space<vmem>>, vector<16xf32>,
        %exp3A_565 = math.exp %get3A_564 : vector<16xf32>
        %get3A_566 = arith.constant 5 : i32
        %get3A_567 = arith.index_cast %get3A_566 : i32 to index
        %get3A_568 = arith.index_cast %mul3A_538 : i32 to index
        %get3A_569 = tpu.vector_load %arg7[%get3A_567, %get3A_568] {strides = array<i32>} : memref<19x1024xf32, #tpu.memory_space<vmem>>, vector<16xf32>,
        %exp3A_570 = math.exp %get3A_569 : vector<16xf32>
        %get3A_571 = arith.constant 6 : i32
        %get3A_572 = arith.index_cast %get3A_571 : i32 to index
        %get3A_573 = arith.index_cast %mul3A_538 : i32 to index
        %get3A_574 = tpu.vector_load %arg7[%get3A_572, %get3A_573] {strides = array<i32>} : memref<19x1024xf32, #tpu.memory_space<vmem>>, vector<16xf32>,
        %exp3A_575 = math.exp %get3A_574 : vector<16xf32>
        %get3A_576 = arith.constant 7 : i32
        %get3A_577 = arith.index_cast %get3A_576 : i32 to index
        %get3A_578 = arith.index_cast %mul3A_538 : i32 to index
        %get3A_579 = tpu.vector_load %arg7[%get3A_577, %get3A_578] {strides = array<i32>} : memref<19x1024xf32, #tpu.memory_space<vmem>>, vector<16xf32>,
        %exp3A_580 = math.exp %get3A_579 : vector<16xf32>
        %get3A_581 = arith.constant 8 : i32
        %get3A_582 = arith.index_cast %get3A_581 : i32 to index
        %get3A_583 = arith.index_cast %mul3A_538 : i32 to index
        %get3A_584 = tpu.vector_load %arg7[%get3A_582, %get3A_583] {strides = array<i32>} : memref<19x1024xf32, #tpu.memory_space<vmem>>, vector<16xf32>,
        %exp3A_585 = math.exp %get3A_584 : vector<16xf32>
        %get3A_586 = arith.constant 9 : i32
        %get3A_587 = arith.index_cast %get3A_586 : i32 to index
        %get3A_588 = arith.index_cast %mul3A_538 : i32 to index
        %get3A_589 = tpu.vector_load %arg7[%get3A_587, %get3A_588] {strides = array<i32>} : memref<19x1024xf32, #tpu.memory_space<vmem>>, vector<16xf32>,
        %exp3A_590 = math.exp %get3A_589 : vector<16xf32>
        %get3A_591 = arith.constant 10 : i32
        %get3A_592 = arith.index_cast %get3A_591 : i32 to index
        %get3A_593 = arith.index_cast %mul3A_538 : i32 to index
        %get3A_594 = tpu.vector_load %arg7[%get3A_592, %get3A_593] {strides = array<i32>} : memref<19x1024xf32, #tpu.memory_space<vmem>>, vector<16xf32>,
        %exp3A_595 = math.exp %get3A_594 : vector<16xf32>
        %get3A_596 = arith.constant 11 : i32
        %get3A_597 = arith.index_cast %get3A_596 : i32 to index
        %get3A_598 = arith.index_cast %mul3A_538 : i32 to index
        %get3A_599 = tpu.vector_load %arg7[%get3A_597, %get3A_598] {strides = array<i32>} : memref<19x1024xf32, #tpu.memory_space<vmem>>, vector<16xf32>,
        %exp3A_600 = math.exp %get3A_599 : vector<16xf32>
        %get3A_601 = arith.constant 12 : i32
        %get3A_602 = arith.index_cast %get3A_601 : i32 to index
        %get3A_603 = arith.index_cast %mul3A_538 : i32 to index
        %get3A_604 = tpu.vector_load %arg7[%get3A_602, %get3A_603] {strides = array<i32>} : memref<19x1024xf32, #tpu.memory_space<vmem>>, vector<16xf32>,
        %exp3A_605 = math.exp %get3A_604 : vector<16xf32>
        %get3A_606 = arith.constant 13 : i32
        %get3A_607 = arith.index_cast %get3A_606 : i32 to index
        %get3A_608 = arith.index_cast %mul3A_538 : i32 to index
        %get3A_609 = tpu.vector_load %arg7[%get3A_607, %get3A_608] {strides = array<i32>} : memref<19x1024xf32, #tpu.memory_space<vmem>>, vector<16xf32>,
        %exp3A_610 = math.exp %get3A_609 : vector<16xf32>
        %get3A_611 = arith.constant 14 : i32
        %get3A_612 = arith.index_cast %get3A_611 : i32 to index
        %get3A_613 = arith.index_cast %mul3A_538 : i32 to index
        %get3A_614 = tpu.vector_load %arg7[%get3A_612, %get3A_613] {strides = array<i32>} : memref<19x1024xf32, #tpu.memory_space<vmem>>, vector<16xf32>,
        %exp3A_615 = math.exp %get3A_614 : vector<16xf32>
        %get3A_616 = arith.constant 15 : i32
        %get3A_617 = arith.index_cast %get3A_616 : i32 to index
        %get3A_618 = arith.index_cast %mul3A_538 : i32 to index
        %get3A_619 = tpu.vector_load %arg7[%get3A_617, %get3A_618] {strides = array<i32>} : memref<19x1024xf32, #tpu.memory_space<vmem>>, vector<16xf32>,
        %exp3A_620 = math.exp %get3A_619 : vector<16xf32>
        %get3A_621 = arith.constant 16 : i32
        %get3A_622 = arith.index_cast %get3A_621 : i32 to index
        %get3A_623 = arith.index_cast %mul3A_538 : i32 to index
        %get3A_624 = tpu.vector_load %arg7[%get3A_622, %get3A_623] {strides = array<i32>} : memref<19x1024xf32, #tpu.memory_space<vmem>>, vector<16xf32>,
        %exp3A_625 = math.exp %get3A_624 : vector<16xf32>
        %get3A_626 = arith.constant 17 : i32
        %get3A_627 = arith.index_cast %get3A_626 : i32 to index
        %get3A_628 = arith.index_cast %mul3A_538 : i32 to index
        %get3A_629 = tpu.vector_load %arg7[%get3A_627, %get3A_628] {strides = array<i32>} : memref<19x1024xf32, #tpu.memory_space<vmem>>, vector<16xf32>,
        %exp3A_630 = math.exp %get3A_629 : vector<16xf32>
        %get3A_631 = arith.constant 18 : i32
        %get3A_632 = arith.index_cast %get3A_631 : i32 to index
        %get3A_633 = arith.index_cast %mul3A_538 : i32 to index
        %get3A_634 = tpu.vector_load %arg7[%get3A_632, %get3A_633] {strides = array<i32>} : memref<19x1024xf32, #tpu.memory_space<vmem>>, vector<16xf32>,
        %exp3A_635 = math.exp %get3A_634 : vector<16xf32>
        %add3A_636 = arith.addf %exp3A_545, %exp3A_550 : vector<16xf32>
        %add3A_637 = arith.addf %exp3A_555, %exp3A_560 : vector<16xf32>
        %add3A_638 = arith.addf %exp3A_565, %exp3A_570 : vector<16xf32>
        %add3A_639 = arith.addf %exp3A_575, %exp3A_580 : vector<16xf32>
        %add3A_640 = arith.addf %exp3A_585, %exp3A_590 : vector<16xf32>
        %add3A_641 = arith.addf %exp3A_595, %exp3A_600 : vector<16xf32>
        %add3A_642 = arith.addf %exp3A_605, %exp3A_610 : vector<16xf32>
        %add3A_643 = arith.addf %exp3A_615, %exp3A_620 : vector<16xf32>
        %add3A_644 = arith.addf %exp3A_625, %exp3A_630 : vector<16xf32>
        %add3A_645 = arith.addf %add3A_636, %add3A_637 : vector<16xf32>
        %add3A_646 = arith.addf %add3A_638, %add3A_639 : vector<16xf32>
        %add3A_647 = arith.addf %add3A_640, %add3A_641 : vector<16xf32>
        %add3A_648 = arith.addf %add3A_642, %add3A_643 : vector<16xf32>
        %add3A_649 = arith.addf %add3A_644, %exp3A_635 : vector<16xf32>
        %add3A_650 = arith.addf %add3A_645, %add3A_646 : vector<16xf32>
        %add3A_651 = arith.addf %add3A_647, %add3A_648 : vector<16xf32>
        %add3A_652 = arith.addf %add3A_650, %add3A_651 : vector<16xf32>
        %add3A_653 = arith.addf %add3A_652, %add3A_649 : vector<16xf32>
        %div3A_654 = arith.constant 1.024000e+03 : f32
        %div3A_655 = vector.broadcast %div3A_654 : f32 to vector<16xf32>
        %div3A_656 = arith.divf %div3A_655, %add3A_653 : vector<16xf32>
        %mul3A_657 = arith.mulf %exp3A_545, %div3A_656 : vector<16xf32>
        %convert_element_type3A_658 = arith.fptosi %mul3A_657 : vector<16xf32> to vector<16xi32>
        %min3A_659 = arith.constant 1023 : i32
        %min3A_660 = vector.broadcast %min3A_659 : i32 to vector<16xi32>
        %min3A_661 = arith.minsi %convert_element_type3A_658, %min3A_660 : vector<16xi32>
        %eq3A_662 = arith.constant 0 : i32
        %eq3A_663 = vector.broadcast %eq3A_662 : i32 to vector<16xi32>
        %eq3A_664 = arith.cmpi eq, %get3A_540, %eq3A_663 : vector<16xi32>
        %xor3A_665 = arith.constant 1023 : i32
        %xor3A_666 = vector.broadcast %xor3A_665 : i32 to vector<16xi32>
        %xor3A_667 = arith.xori %min3A_661, %xor3A_666 : vector<16xi32>
        %add3A_668 = arith.constant 1024 : i32
        %add3A_669 = vector.broadcast %add3A_668 : i32 to vector<16xi32>
        %add3A_670 = arith.addi %xor3A_667, %add3A_669 : vector<16xi32>
        %add3A_671 = arith.constant 0 : i32
        %add3A_672 = vector.broadcast %add3A_671 : i32 to vector<16xi32>
        %add3A_673 = arith.addi %min3A_661, %add3A_672 : vector<16xi32>
        %select_n3A_674 = arith.select %eq3A_664, %add3A_670, %add3A_673 : vector<16xi1>, vector<16xi32>
        tpu.vector_store_idx %arg5[%select_n3A_674], %broadcast_in_dim3A_3 {add = true} : memref<38912xf32, #tpu.memory_space<vmem>>[vector<16xi32>], vector<16xf32>,
        %mul3A_675 = arith.mulf %exp3A_550, %div3A_656 : vector<16xf32>
        %convert_element_type3A_676 = arith.fptosi %mul3A_675 : vector<16xf32> to vector<16xi32>
        %min3A_677 = arith.constant 1023 : i32
        %min3A_678 = vector.broadcast %min3A_677 : i32 to vector<16xi32>
        %min3A_679 = arith.minsi %convert_element_type3A_676, %min3A_678 : vector<16xi32>
        %eq3A_680 = arith.constant 1 : i32
        %eq3A_681 = vector.broadcast %eq3A_680 : i32 to vector<16xi32>
        %eq3A_682 = arith.cmpi eq, %get3A_540, %eq3A_681 : vector<16xi32>
        %xor3A_683 = arith.constant 1023 : i32
        %xor3A_684 = vector.broadcast %xor3A_683 : i32 to vector<16xi32>
        %xor3A_685 = arith.xori %min3A_679, %xor3A_684 : vector<16xi32>
        %add3A_686 = arith.constant 3072 : i32
        %add3A_687 = vector.broadcast %add3A_686 : i32 to vector<16xi32>
        %add3A_688 = arith.addi %xor3A_685, %add3A_687 : vector<16xi32>
        %add3A_689 = arith.constant 2048 : i32
        %add3A_690 = vector.broadcast %add3A_689 : i32 to vector<16xi32>
        %add3A_691 = arith.addi %min3A_679, %add3A_690 : vector<16xi32>
        %select_n3A_692 = arith.select %eq3A_682, %add3A_688, %add3A_691 : vector<16xi1>, vector<16xi32>
        tpu.vector_store_idx %arg5[%select_n3A_692], %broadcast_in_dim3A_3 {add = true} : memref<38912xf32, #tpu.memory_space<vmem>>[vector<16xi32>], vector<16xf32>,
        %mul3A_693 = arith.mulf %exp3A_555, %div3A_656 : vector<16xf32>
        %convert_element_type3A_694 = arith.fptosi %mul3A_693 : vector<16xf32> to vector<16xi32>
        %min3A_695 = arith.constant 1023 : i32
        %min3A_696 = vector.broadcast %min3A_695 : i32 to vector<16xi32>
        %min3A_697 = arith.minsi %convert_element_type3A_694, %min3A_696 : vector<16xi32>
        %eq3A_698 = arith.constant 2 : i32
        %eq3A_699 = vector.broadcast %eq3A_698 : i32 to vector<16xi32>
        %eq3A_700 = arith.cmpi eq, %get3A_540, %eq3A_699 : vector<16xi32>
        %xor3A_701 = arith.constant 1023 : i32
        %xor3A_702 = vector.broadcast %xor3A_701 : i32 to vector<16xi32>
        %xor3A_703 = arith.xori %min3A_697, %xor3A_702 : vector<16xi32>
        %add3A_704 = arith.constant 5120 : i32
        %add3A_705 = vector.broadcast %add3A_704 : i32 to vector<16xi32>
        %add3A_706 = arith.addi %xor3A_703, %add3A_705 : vector<16xi32>
        %add3A_707 = arith.constant 4096 : i32
        %add3A_708 = vector.broadcast %add3A_707 : i32 to vector<16xi32>
        %add3A_709 = arith.addi %min3A_697, %add3A_708 : vector<16xi32>
        %select_n3A_710 = arith.select %eq3A_700, %add3A_706, %add3A_709 : vector<16xi1>, vector<16xi32>
        tpu.vector_store_idx %arg5[%select_n3A_710], %broadcast_in_dim3A_3 {add = true} : memref<38912xf32, #tpu.memory_space<vmem>>[vector<16xi32>], vector<16xf32>,
        %mul3A_711 = arith.mulf %exp3A_560, %div3A_656 : vector<16xf32>
        %convert_element_type3A_712 = arith.fptosi %mul3A_711 : vector<16xf32> to vector<16xi32>
        %min3A_713 = arith.constant 1023 : i32
        %min3A_714 = vector.broadcast %min3A_713 : i32 to vector<16xi32>
        %min3A_715 = arith.minsi %convert_element_type3A_712, %min3A_714 : vector<16xi32>
        %eq3A_716 = arith.constant 3 : i32
        %eq3A_717 = vector.broadcast %eq3A_716 : i32 to vector<16xi32>
        %eq3A_718 = arith.cmpi eq, %get3A_540, %eq3A_717 : vector<16xi32>
        %xor3A_719 = arith.constant 1023 : i32
        %xor3A_720 = vector.broadcast %xor3A_719 : i32 to vector<16xi32>
        %xor3A_721 = arith.xori %min3A_715, %xor3A_720 : vector<16xi32>
        %add3A_722 = arith.constant 7168 : i32
        %add3A_723 = vector.broadcast %add3A_722 : i32 to vector<16xi32>
        %add3A_724 = arith.addi %xor3A_721, %add3A_723 : vector<16xi32>
        %add3A_725 = arith.constant 6144 : i32
        %add3A_726 = vector.broadcast %add3A_725 : i32 to vector<16xi32>
        %add3A_727 = arith.addi %min3A_715, %add3A_726 : vector<16xi32>
        %select_n3A_728 = arith.select %eq3A_718, %add3A_724, %add3A_727 : vector<16xi1>, vector<16xi32>
        tpu.vector_store_idx %arg5[%select_n3A_728], %broadcast_in_dim3A_3 {add = true} : memref<38912xf32, #tpu.memory_space<vmem>>[vector<16xi32>], vector<16xf32>,
        %mul3A_729 = arith.mulf %exp3A_565, %div3A_656 : vector<16xf32>
        %convert_element_type3A_730 = arith.fptosi %mul3A_729 : vector<16xf32> to vector<16xi32>
        %min3A_731 = arith.constant 1023 : i32
        %min3A_732 = vector.broadcast %min3A_731 : i32 to vector<16xi32>
        %min3A_733 = arith.minsi %convert_element_type3A_730, %min3A_732 : vector<16xi32>
        %eq3A_734 = arith.constant 4 : i32
        %eq3A_735 = vector.broadcast %eq3A_734 : i32 to vector<16xi32>
        %eq3A_736 = arith.cmpi eq, %get3A_540, %eq3A_735 : vector<16xi32>
        %xor3A_737 = arith.constant 1023 : i32
        %xor3A_738 = vector.broadcast %xor3A_737 : i32 to vector<16xi32>
        %xor3A_739 = arith.xori %min3A_733, %xor3A_738 : vector<16xi32>
        %add3A_740 = arith.constant 9216 : i32
        %add3A_741 = vector.broadcast %add3A_740 : i32 to vector<16xi32>
        %add3A_742 = arith.addi %xor3A_739, %add3A_741 : vector<16xi32>
        %add3A_743 = arith.constant 8192 : i32
        %add3A_744 = vector.broadcast %add3A_743 : i32 to vector<16xi32>
        %add3A_745 = arith.addi %min3A_733, %add3A_744 : vector<16xi32>
        %select_n3A_746 = arith.select %eq3A_736, %add3A_742, %add3A_745 : vector<16xi1>, vector<16xi32>
        tpu.vector_store_idx %arg5[%select_n3A_746], %broadcast_in_dim3A_3 {add = true} : memref<38912xf32, #tpu.memory_space<vmem>>[vector<16xi32>], vector<16xf32>,
        %mul3A_747 = arith.mulf %exp3A_570, %div3A_656 : vector<16xf32>
        %convert_element_type3A_748 = arith.fptosi %mul3A_747 : vector<16xf32> to vector<16xi32>
        %min3A_749 = arith.constant 1023 : i32
        %min3A_750 = vector.broadcast %min3A_749 : i32 to vector<16xi32>
        %min3A_751 = arith.minsi %convert_element_type3A_748, %min3A_750 : vector<16xi32>
        %eq3A_752 = arith.constant 5 : i32
        %eq3A_753 = vector.broadcast %eq3A_752 : i32 to vector<16xi32>
        %eq3A_754 = arith.cmpi eq, %get3A_540, %eq3A_753 : vector<16xi32>
        %xor3A_755 = arith.constant 1023 : i32
        %xor3A_756 = vector.broadcast %xor3A_755 : i32 to vector<16xi32>
        %xor3A_757 = arith.xori %min3A_751, %xor3A_756 : vector<16xi32>
        %add3A_758 = arith.constant 11264 : i32
        %add3A_759 = vector.broadcast %add3A_758 : i32 to vector<16xi32>
        %add3A_760 = arith.addi %xor3A_757, %add3A_759 : vector<16xi32>
        %add3A_761 = arith.constant 10240 : i32
        %add3A_762 = vector.broadcast %add3A_761 : i32 to vector<16xi32>
        %add3A_763 = arith.addi %min3A_751, %add3A_762 : vector<16xi32>
        %select_n3A_764 = arith.select %eq3A_754, %add3A_760, %add3A_763 : vector<16xi1>, vector<16xi32>
        tpu.vector_store_idx %arg5[%select_n3A_764], %broadcast_in_dim3A_3 {add = true} : memref<38912xf32, #tpu.memory_space<vmem>>[vector<16xi32>], vector<16xf32>,
        %mul3A_765 = arith.mulf %exp3A_575, %div3A_656 : vector<16xf32>
        %convert_element_type3A_766 = arith.fptosi %mul3A_765 : vector<16xf32> to vector<16xi32>
        %min3A_767 = arith.constant 1023 : i32
        %min3A_768 = vector.broadcast %min3A_767 : i32 to vector<16xi32>
        %min3A_769 = arith.minsi %convert_element_type3A_766, %min3A_768 : vector<16xi32>
        %eq3A_770 = arith.constant 6 : i32
        %eq3A_771 = vector.broadcast %eq3A_770 : i32 to vector<16xi32>
        %eq3A_772 = arith.cmpi eq, %get3A_540, %eq3A_771 : vector<16xi32>
        %xor3A_773 = arith.constant 1023 : i32
        %xor3A_774 = vector.broadcast %xor3A_773 : i32 to vector<16xi32>
        %xor3A_775 = arith.xori %min3A_769, %xor3A_774 : vector<16xi32>
        %add3A_776 = arith.constant 13312 : i32
        %add3A_777 = vector.broadcast %add3A_776 : i32 to vector<16xi32>
        %add3A_778 = arith.addi %xor3A_775, %add3A_777 : vector<16xi32>
        %add3A_779 = arith.constant 12288 : i32
        %add3A_780 = vector.broadcast %add3A_779 : i32 to vector<16xi32>
        %add3A_781 = arith.addi %min3A_769, %add3A_780 : vector<16xi32>
        %select_n3A_782 = arith.select %eq3A_772, %add3A_778, %add3A_781 : vector<16xi1>, vector<16xi32>
        tpu.vector_store_idx %arg5[%select_n3A_782], %broadcast_in_dim3A_3 {add = true} : memref<38912xf32, #tpu.memory_space<vmem>>[vector<16xi32>], vector<16xf32>,
        %mul3A_783 = arith.mulf %exp3A_580, %div3A_656 : vector<16xf32>
        %convert_element_type3A_784 = arith.fptosi %mul3A_783 : vector<16xf32> to vector<16xi32>
        %min3A_785 = arith.constant 1023 : i32
        %min3A_786 = vector.broadcast %min3A_785 : i32 to vector<16xi32>
        %min3A_787 = arith.minsi %convert_element_type3A_784, %min3A_786 : vector<16xi32>
        %eq3A_788 = arith.constant 7 : i32
        %eq3A_789 = vector.broadcast %eq3A_788 : i32 to vector<16xi32>
        %eq3A_790 = arith.cmpi eq, %get3A_540, %eq3A_789 : vector<16xi32>
        %xor3A_791 = arith.constant 1023 : i32
        %xor3A_792 = vector.broadcast %xor3A_791 : i32 to vector<16xi32>
        %xor3A_793 = arith.xori %min3A_787, %xor3A_792 : vector<16xi32>
        %add3A_794 = arith.constant 15360 : i32
        %add3A_795 = vector.broadcast %add3A_794 : i32 to vector<16xi32>
        %add3A_796 = arith.addi %xor3A_793, %add3A_795 : vector<16xi32>
        %add3A_797 = arith.constant 14336 : i32
        %add3A_798 = vector.broadcast %add3A_797 : i32 to vector<16xi32>
        %add3A_799 = arith.addi %min3A_787, %add3A_798 : vector<16xi32>
        %select_n3A_800 = arith.select %eq3A_790, %add3A_796, %add3A_799 : vector<16xi1>, vector<16xi32>
        tpu.vector_store_idx %arg5[%select_n3A_800], %broadcast_in_dim3A_3 {add = true} : memref<38912xf32, #tpu.memory_space<vmem>>[vector<16xi32>], vector<16xf32>,
        %mul3A_801 = arith.mulf %exp3A_585, %div3A_656 : vector<16xf32>
        %convert_element_type3A_802 = arith.fptosi %mul3A_801 : vector<16xf32> to vector<16xi32>
        %min3A_803 = arith.constant 1023 : i32
        %min3A_804 = vector.broadcast %min3A_803 : i32 to vector<16xi32>
        %min3A_805 = arith.minsi %convert_element_type3A_802, %min3A_804 : vector<16xi32>
        %eq3A_806 = arith.constant 8 : i32
        %eq3A_807 = vector.broadcast %eq3A_806 : i32 to vector<16xi32>
        %eq3A_808 = arith.cmpi eq, %get3A_540, %eq3A_807 : vector<16xi32>
        %xor3A_809 = arith.constant 1023 : i32
        %xor3A_810 = vector.broadcast %xor3A_809 : i32 to vector<16xi32>
        %xor3A_811 = arith.xori %min3A_805, %xor3A_810 : vector<16xi32>
        %add3A_812 = arith.constant 17408 : i32
        %add3A_813 = vector.broadcast %add3A_812 : i32 to vector<16xi32>
        %add3A_814 = arith.addi %xor3A_811, %add3A_813 : vector<16xi32>
        %add3A_815 = arith.constant 16384 : i32
        %add3A_816 = vector.broadcast %add3A_815 : i32 to vector<16xi32>
        %add3A_817 = arith.addi %min3A_805, %add3A_816 : vector<16xi32>
        %select_n3A_818 = arith.select %eq3A_808, %add3A_814, %add3A_817 : vector<16xi1>, vector<16xi32>
        tpu.vector_store_idx %arg5[%select_n3A_818], %broadcast_in_dim3A_3 {add = true} : memref<38912xf32, #tpu.memory_space<vmem>>[vector<16xi32>], vector<16xf32>,
        %mul3A_819 = arith.mulf %exp3A_590, %div3A_656 : vector<16xf32>
        %convert_element_type3A_820 = arith.fptosi %mul3A_819 : vector<16xf32> to vector<16xi32>
        %min3A_821 = arith.constant 1023 : i32
        %min3A_822 = vector.broadcast %min3A_821 : i32 to vector<16xi32>
        %min3A_823 = arith.minsi %convert_element_type3A_820, %min3A_822 : vector<16xi32>
        %eq3A_824 = arith.constant 9 : i32
        %eq3A_825 = vector.broadcast %eq3A_824 : i32 to vector<16xi32>
        %eq3A_826 = arith.cmpi eq, %get3A_540, %eq3A_825 : vector<16xi32>
        %xor3A_827 = arith.constant 1023 : i32
        %xor3A_828 = vector.broadcast %xor3A_827 : i32 to vector<16xi32>
        %xor3A_829 = arith.xori %min3A_823, %xor3A_828 : vector<16xi32>
        %add3A_830 = arith.constant 19456 : i32
        %add3A_831 = vector.broadcast %add3A_830 : i32 to vector<16xi32>
        %add3A_832 = arith.addi %xor3A_829, %add3A_831 : vector<16xi32>
        %add3A_833 = arith.constant 18432 : i32
        %add3A_834 = vector.broadcast %add3A_833 : i32 to vector<16xi32>
        %add3A_835 = arith.addi %min3A_823, %add3A_834 : vector<16xi32>
        %select_n3A_836 = arith.select %eq3A_826, %add3A_832, %add3A_835 : vector<16xi1>, vector<16xi32>
        tpu.vector_store_idx %arg5[%select_n3A_836], %broadcast_in_dim3A_3 {add = true} : memref<38912xf32, #tpu.memory_space<vmem>>[vector<16xi32>], vector<16xf32>,
        %mul3A_837 = arith.mulf %exp3A_595, %div3A_656 : vector<16xf32>
        %convert_element_type3A_838 = arith.fptosi %mul3A_837 : vector<16xf32> to vector<16xi32>
        %min3A_839 = arith.constant 1023 : i32
        %min3A_840 = vector.broadcast %min3A_839 : i32 to vector<16xi32>
        %min3A_841 = arith.minsi %convert_element_type3A_838, %min3A_840 : vector<16xi32>
        %eq3A_842 = arith.constant 10 : i32
        %eq3A_843 = vector.broadcast %eq3A_842 : i32 to vector<16xi32>
        %eq3A_844 = arith.cmpi eq, %get3A_540, %eq3A_843 : vector<16xi32>
        %xor3A_845 = arith.constant 1023 : i32
        %xor3A_846 = vector.broadcast %xor3A_845 : i32 to vector<16xi32>
        %xor3A_847 = arith.xori %min3A_841, %xor3A_846 : vector<16xi32>
        %add3A_848 = arith.constant 21504 : i32
        %add3A_849 = vector.broadcast %add3A_848 : i32 to vector<16xi32>
        %add3A_850 = arith.addi %xor3A_847, %add3A_849 : vector<16xi32>
        %add3A_851 = arith.constant 20480 : i32
        %add3A_852 = vector.broadcast %add3A_851 : i32 to vector<16xi32>
        %add3A_853 = arith.addi %min3A_841, %add3A_852 : vector<16xi32>
        %select_n3A_854 = arith.select %eq3A_844, %add3A_850, %add3A_853 : vector<16xi1>, vector<16xi32>
        tpu.vector_store_idx %arg5[%select_n3A_854], %broadcast_in_dim3A_3 {add = true} : memref<38912xf32, #tpu.memory_space<vmem>>[vector<16xi32>], vector<16xf32>,
        %mul3A_855 = arith.mulf %exp3A_600, %div3A_656 : vector<16xf32>
        %convert_element_type3A_856 = arith.fptosi %mul3A_855 : vector<16xf32> to vector<16xi32>
        %min3A_857 = arith.constant 1023 : i32
        %min3A_858 = vector.broadcast %min3A_857 : i32 to vector<16xi32>
        %min3A_859 = arith.minsi %convert_element_type3A_856, %min3A_858 : vector<16xi32>
        %eq3A_860 = arith.constant 11 : i32
        %eq3A_861 = vector.broadcast %eq3A_860 : i32 to vector<16xi32>
        %eq3A_862 = arith.cmpi eq, %get3A_540, %eq3A_861 : vector<16xi32>
        %xor3A_863 = arith.constant 1023 : i32
        %xor3A_864 = vector.broadcast %xor3A_863 : i32 to vector<16xi32>
        %xor3A_865 = arith.xori %min3A_859, %xor3A_864 : vector<16xi32>
        %add3A_866 = arith.constant 23552 : i32
        %add3A_867 = vector.broadcast %add3A_866 : i32 to vector<16xi32>
        %add3A_868 = arith.addi %xor3A_865, %add3A_867 : vector<16xi32>
        %add3A_869 = arith.constant 22528 : i32
        %add3A_870 = vector.broadcast %add3A_869 : i32 to vector<16xi32>
        %add3A_871 = arith.addi %min3A_859, %add3A_870 : vector<16xi32>
        %select_n3A_872 = arith.select %eq3A_862, %add3A_868, %add3A_871 : vector<16xi1>, vector<16xi32>
        tpu.vector_store_idx %arg5[%select_n3A_872], %broadcast_in_dim3A_3 {add = true} : memref<38912xf32, #tpu.memory_space<vmem>>[vector<16xi32>], vector<16xf32>,
        %mul3A_873 = arith.mulf %exp3A_605, %div3A_656 : vector<16xf32>
        %convert_element_type3A_874 = arith.fptosi %mul3A_873 : vector<16xf32> to vector<16xi32>
        %min3A_875 = arith.constant 1023 : i32
        %min3A_876 = vector.broadcast %min3A_875 : i32 to vector<16xi32>
        %min3A_877 = arith.minsi %convert_element_type3A_874, %min3A_876 : vector<16xi32>
        %eq3A_878 = arith.constant 12 : i32
        %eq3A_879 = vector.broadcast %eq3A_878 : i32 to vector<16xi32>
        %eq3A_880 = arith.cmpi eq, %get3A_540, %eq3A_879 : vector<16xi32>
        %xor3A_881 = arith.constant 1023 : i32
        %xor3A_882 = vector.broadcast %xor3A_881 : i32 to vector<16xi32>
        %xor3A_883 = arith.xori %min3A_877, %xor3A_882 : vector<16xi32>
        %add3A_884 = arith.constant 25600 : i32
        %add3A_885 = vector.broadcast %add3A_884 : i32 to vector<16xi32>
        %add3A_886 = arith.addi %xor3A_883, %add3A_885 : vector<16xi32>
        %add3A_887 = arith.constant 24576 : i32
        %add3A_888 = vector.broadcast %add3A_887 : i32 to vector<16xi32>
        %add3A_889 = arith.addi %min3A_877, %add3A_888 : vector<16xi32>
        %select_n3A_890 = arith.select %eq3A_880, %add3A_886, %add3A_889 : vector<16xi1>, vector<16xi32>
        tpu.vector_store_idx %arg5[%select_n3A_890], %broadcast_in_dim3A_3 {add = true} : memref<38912xf32, #tpu.memory_space<vmem>>[vector<16xi32>], vector<16xf32>,
        %mul3A_891 = arith.mulf %exp3A_610, %div3A_656 : vector<16xf32>
        %convert_element_type3A_892 = arith.fptosi %mul3A_891 : vector<16xf32> to vector<16xi32>
        %min3A_893 = arith.constant 1023 : i32
        %min3A_894 = vector.broadcast %min3A_893 : i32 to vector<16xi32>
        %min3A_895 = arith.minsi %convert_element_type3A_892, %min3A_894 : vector<16xi32>
        %eq3A_896 = arith.constant 13 : i32
        %eq3A_897 = vector.broadcast %eq3A_896 : i32 to vector<16xi32>
        %eq3A_898 = arith.cmpi eq, %get3A_540, %eq3A_897 : vector<16xi32>
        %xor3A_899 = arith.constant 1023 : i32
        %xor3A_900 = vector.broadcast %xor3A_899 : i32 to vector<16xi32>
        %xor3A_901 = arith.xori %min3A_895, %xor3A_900 : vector<16xi32>
        %add3A_902 = arith.constant 27648 : i32
        %add3A_903 = vector.broadcast %add3A_902 : i32 to vector<16xi32>
        %add3A_904 = arith.addi %xor3A_901, %add3A_903 : vector<16xi32>
        %add3A_905 = arith.constant 26624 : i32
        %add3A_906 = vector.broadcast %add3A_905 : i32 to vector<16xi32>
        %add3A_907 = arith.addi %min3A_895, %add3A_906 : vector<16xi32>
        %select_n3A_908 = arith.select %eq3A_898, %add3A_904, %add3A_907 : vector<16xi1>, vector<16xi32>
        tpu.vector_store_idx %arg5[%select_n3A_908], %broadcast_in_dim3A_3 {add = true} : memref<38912xf32, #tpu.memory_space<vmem>>[vector<16xi32>], vector<16xf32>,
        %mul3A_909 = arith.mulf %exp3A_615, %div3A_656 : vector<16xf32>
        %convert_element_type3A_910 = arith.fptosi %mul3A_909 : vector<16xf32> to vector<16xi32>
        %min3A_911 = arith.constant 1023 : i32
        %min3A_912 = vector.broadcast %min3A_911 : i32 to vector<16xi32>
        %min3A_913 = arith.minsi %convert_element_type3A_910, %min3A_912 : vector<16xi32>
        %eq3A_914 = arith.constant 14 : i32
        %eq3A_915 = vector.broadcast %eq3A_914 : i32 to vector<16xi32>
        %eq3A_916 = arith.cmpi eq, %get3A_540, %eq3A_915 : vector<16xi32>
        %xor3A_917 = arith.constant 1023 : i32
        %xor3A_918 = vector.broadcast %xor3A_917 : i32 to vector<16xi32>
        %xor3A_919 = arith.xori %min3A_913, %xor3A_918 : vector<16xi32>
        %add3A_920 = arith.constant 29696 : i32
        %add3A_921 = vector.broadcast %add3A_920 : i32 to vector<16xi32>
        %add3A_922 = arith.addi %xor3A_919, %add3A_921 : vector<16xi32>
        %add3A_923 = arith.constant 28672 : i32
        %add3A_924 = vector.broadcast %add3A_923 : i32 to vector<16xi32>
        %add3A_925 = arith.addi %min3A_913, %add3A_924 : vector<16xi32>
        %select_n3A_926 = arith.select %eq3A_916, %add3A_922, %add3A_925 : vector<16xi1>, vector<16xi32>
        tpu.vector_store_idx %arg5[%select_n3A_926], %broadcast_in_dim3A_3 {add = true} : memref<38912xf32, #tpu.memory_space<vmem>>[vector<16xi32>], vector<16xf32>,
        %mul3A_927 = arith.mulf %exp3A_620, %div3A_656 : vector<16xf32>
        %convert_element_type3A_928 = arith.fptosi %mul3A_927 : vector<16xf32> to vector<16xi32>
        %min3A_929 = arith.constant 1023 : i32
        %min3A_930 = vector.broadcast %min3A_929 : i32 to vector<16xi32>
        %min3A_931 = arith.minsi %convert_element_type3A_928, %min3A_930 : vector<16xi32>
        %eq3A_932 = arith.constant 15 : i32
        %eq3A_933 = vector.broadcast %eq3A_932 : i32 to vector<16xi32>
        %eq3A_934 = arith.cmpi eq, %get3A_540, %eq3A_933 : vector<16xi32>
        %xor3A_935 = arith.constant 1023 : i32
        %xor3A_936 = vector.broadcast %xor3A_935 : i32 to vector<16xi32>
        %xor3A_937 = arith.xori %min3A_931, %xor3A_936 : vector<16xi32>
        %add3A_938 = arith.constant 31744 : i32
        %add3A_939 = vector.broadcast %add3A_938 : i32 to vector<16xi32>
        %add3A_940 = arith.addi %xor3A_937, %add3A_939 : vector<16xi32>
        %add3A_941 = arith.constant 30720 : i32
        %add3A_942 = vector.broadcast %add3A_941 : i32 to vector<16xi32>
        %add3A_943 = arith.addi %min3A_931, %add3A_942 : vector<16xi32>
        %select_n3A_944 = arith.select %eq3A_934, %add3A_940, %add3A_943 : vector<16xi1>, vector<16xi32>
        tpu.vector_store_idx %arg5[%select_n3A_944], %broadcast_in_dim3A_3 {add = true} : memref<38912xf32, #tpu.memory_space<vmem>>[vector<16xi32>], vector<16xf32>,
        %mul3A_945 = arith.mulf %exp3A_625, %div3A_656 : vector<16xf32>
        %convert_element_type3A_946 = arith.fptosi %mul3A_945 : vector<16xf32> to vector<16xi32>
        %min3A_947 = arith.constant 1023 : i32
        %min3A_948 = vector.broadcast %min3A_947 : i32 to vector<16xi32>
        %min3A_949 = arith.minsi %convert_element_type3A_946, %min3A_948 : vector<16xi32>
        %eq3A_950 = arith.constant 16 : i32
        %eq3A_951 = vector.broadcast %eq3A_950 : i32 to vector<16xi32>
        %eq3A_952 = arith.cmpi eq, %get3A_540, %eq3A_951 : vector<16xi32>
        %xor3A_953 = arith.constant 1023 : i32
        %xor3A_954 = vector.broadcast %xor3A_953 : i32 to vector<16xi32>
        %xor3A_955 = arith.xori %min3A_949, %xor3A_954 : vector<16xi32>
        %add3A_956 = arith.constant 33792 : i32
        %add3A_957 = vector.broadcast %add3A_956 : i32 to vector<16xi32>
        %add3A_958 = arith.addi %xor3A_955, %add3A_957 : vector<16xi32>
        %add3A_959 = arith.constant 32768 : i32
        %add3A_960 = vector.broadcast %add3A_959 : i32 to vector<16xi32>
        %add3A_961 = arith.addi %min3A_949, %add3A_960 : vector<16xi32>
        %select_n3A_962 = arith.select %eq3A_952, %add3A_958, %add3A_961 : vector<16xi1>, vector<16xi32>
        tpu.vector_store_idx %arg5[%select_n3A_962], %broadcast_in_dim3A_3 {add = true} : memref<38912xf32, #tpu.memory_space<vmem>>[vector<16xi32>], vector<16xf32>,
        %mul3A_963 = arith.mulf %exp3A_630, %div3A_656 : vector<16xf32>
        %convert_element_type3A_964 = arith.fptosi %mul3A_963 : vector<16xf32> to vector<16xi32>
        %min3A_965 = arith.constant 1023 : i32
        %min3A_966 = vector.broadcast %min3A_965 : i32 to vector<16xi32>
        %min3A_967 = arith.minsi %convert_element_type3A_964, %min3A_966 : vector<16xi32>
        %eq3A_968 = arith.constant 17 : i32
        %eq3A_969 = vector.broadcast %eq3A_968 : i32 to vector<16xi32>
        %eq3A_970 = arith.cmpi eq, %get3A_540, %eq3A_969 : vector<16xi32>
        %xor3A_971 = arith.constant 1023 : i32
        %xor3A_972 = vector.broadcast %xor3A_971 : i32 to vector<16xi32>
        %xor3A_973 = arith.xori %min3A_967, %xor3A_972 : vector<16xi32>
        %add3A_974 = arith.constant 35840 : i32
        %add3A_975 = vector.broadcast %add3A_974 : i32 to vector<16xi32>
        %add3A_976 = arith.addi %xor3A_973, %add3A_975 : vector<16xi32>
        %add3A_977 = arith.constant 34816 : i32
        %add3A_978 = vector.broadcast %add3A_977 : i32 to vector<16xi32>
        %add3A_979 = arith.addi %min3A_967, %add3A_978 : vector<16xi32>
        %select_n3A_980 = arith.select %eq3A_970, %add3A_976, %add3A_979 : vector<16xi1>, vector<16xi32>
        tpu.vector_store_idx %arg5[%select_n3A_980], %broadcast_in_dim3A_3 {add = true} : memref<38912xf32, #tpu.memory_space<vmem>>[vector<16xi32>], vector<16xf32>,
        %mul3A_981 = arith.mulf %exp3A_635, %div3A_656 : vector<16xf32>
        %convert_element_type3A_982 = arith.fptosi %mul3A_981 : vector<16xf32> to vector<16xi32>
        %min3A_983 = arith.constant 1023 : i32
        %min3A_984 = vector.broadcast %min3A_983 : i32 to vector<16xi32>
        %min3A_985 = arith.minsi %convert_element_type3A_982, %min3A_984 : vector<16xi32>
        %eq3A_986 = arith.constant 18 : i32
        %eq3A_987 = vector.broadcast %eq3A_986 : i32 to vector<16xi32>
        %eq3A_988 = arith.cmpi eq, %get3A_540, %eq3A_987 : vector<16xi32>
        %xor3A_989 = arith.constant 1023 : i32
        %xor3A_990 = vector.broadcast %xor3A_989 : i32 to vector<16xi32>
        %xor3A_991 = arith.xori %min3A_985, %xor3A_990 : vector<16xi32>
        %add3A_992 = arith.constant 37888 : i32
        %add3A_993 = vector.broadcast %add3A_992 : i32 to vector<16xi32>
        %add3A_994 = arith.addi %xor3A_991, %add3A_993 : vector<16xi32>
        %add3A_995 = arith.constant 36864 : i32
        %add3A_996 = vector.broadcast %add3A_995 : i32 to vector<16xi32>
        %add3A_997 = arith.addi %min3A_985, %add3A_996 : vector<16xi32>
        %select_n3A_998 = arith.select %eq3A_988, %add3A_994, %add3A_997 : vector<16xi1>, vector<16xi32>
        tpu.vector_store_idx %arg5[%select_n3A_998], %broadcast_in_dim3A_3 {add = true} : memref<38912xf32, #tpu.memory_space<vmem>>[vector<16xi32>], vector<16xf32>,
      }
      %scan3A_71 = arith.constant 64 : i32
      %add3A_72 = arith.constant 3 : i32
      %add3A_73 = arith.addi %mul3A_36, %add3A_72 : i32
      %lt3A_74 = arith.constant 16 : i32
      %lt3A_75 = arith.cmpi slt, %add3A_73, %lt3A_74 : i32
      %convert_element_type3A_76 = arith.extui %lt3A_75 : i1 to i32
      %cond3A_77 = arith.constant 0 : i32
      %cond3A_78 = arith.cmpi ne, %convert_element_type3A_76, %cond3A_77 : i32
      scf.if %cond3A_78 {
        %add3A_79 = arith.constant 3 : i32
        %add3A_80 = arith.addi %mul3A_36, %add3A_79 : i32
        %mul3A_81 = arith.constant 1024 : i32
        %mul3A_82 = arith.muli %add3A_80, %mul3A_81 : i32
        %add3A_83 = arith.addi %mul3A_10, %mul3A_82 : i32
        %dma_start3A_84 = arith.constant 0 : i32
        %dma_start3A_85 = tpu.memref_slice %arg2[%dma_start3A_84, %add3A_83] : memref<19x524288xf32, #tpu.memory_space<hbm>> -> memref<19x1024xf32, #tpu.memory_space<hbm>>
        %dma_start3A_86 = arith.constant 0 : i32
        %dma_start3A_87 = tpu.memref_slice %arg2[%dma_start3A_86, %add3A_83] : memref<19x524288xf32, #tpu.memory_space<hbm>> -> memref<19x1024xf32, #tpu.memory_space<hbm>>
        tpu.enqueue_dma source(%dma_start3A_87 : memref<19x1024xf32, #tpu.memory_space<hbm>>) target(%arg7 : memref<19x1024xf32, #tpu.memory_space<vmem>>) target_semaphore(%arg11 : memref<!tpu.dma_semaphore, #tpu.memory_space<semaphore_mem>>)
        %dma_start3A_88 = tpu.memref_slice %arg3[%add3A_83] : memref<524288xi32, #tpu.memory_space<hbm>> -> memref<1024xi32, #tpu.memory_space<hbm>>
        %dma_start3A_89 = tpu.memref_slice %arg3[%add3A_83] : memref<524288xi32, #tpu.memory_space<hbm>> -> memref<1024xi32, #tpu.memory_space<hbm>>
        tpu.enqueue_dma source(%dma_start3A_89 : memref<1024xi32, #tpu.memory_space<hbm>>) target(%arg9 : memref<1024xi32, #tpu.memory_space<vmem>>) target_semaphore(%arg13 : memref<!tpu.dma_semaphore, #tpu.memory_space<semaphore_mem>>)
      } else {
      }
    }
    %scan3A_31 = arith.constant 8 : i32
    %mul3A_32 = arith.constant 38912 : i32
    %mul3A_33 = arith.muli %add3A, %mul3A_32 : i32
    "tpu.region"() ({
      %run_scoped3A = tpu.sem_alloc : memref<!tpu.dma_semaphore, #tpu.memory_space<semaphore_mem>>
      %dma_start3A_34 = tpu.memref_slice %arg4[%mul3A_33] : memref<1245184xf32, #tpu.memory_space<hbm>> -> memref<38912xf32, #tpu.memory_space<hbm>>
      %dma_start3A_35 = tpu.memref_slice %arg4[%mul3A_33] : memref<1245184xf32, #tpu.memory_space<hbm>> -> memref<38912xf32, #tpu.memory_space<hbm>>
      tpu.enqueue_dma source(%arg5 : memref<38912xf32, #tpu.memory_space<vmem>>) target(%dma_start3A_35 : memref<38912xf32, #tpu.memory_space<hbm>>) target_semaphore(%run_scoped3A : memref<!tpu.dma_semaphore, #tpu.memory_space<semaphore_mem>>)
      %dma_wait3A = tpu.memref_slice %arg4[%mul3A_33] : memref<1245184xf32, #tpu.memory_space<hbm>> -> memref<38912xf32, #tpu.memory_space<hbm>>
      %dma_wait3A_36 = tpu.memref_slice %arg4[%mul3A_33] : memref<1245184xf32, #tpu.memory_space<hbm>> -> memref<38912xf32, #tpu.memory_space<hbm>>
      tpu.wait_dma2 semaphore(%run_scoped3A : memref<!tpu.dma_semaphore, #tpu.memory_space<semaphore_mem>>) src(%arg5 : memref<38912xf32, #tpu.memory_space<vmem>>) dst(%dma_wait3A_36 : memref<38912xf32, #tpu.memory_space<hbm>>)
      tpu.yield
    }) : () -> ()
    return
  }
}

module attributes {stable_mosaic.version = 14 : i64} {
  func.func @_fin_body(%arg0: memref<1245184xf32, #tpu.memory_space<vmem>>, %arg1: memref<1x1xf32, #tpu.memory_space<smem>>) attributes {dimension_semantics = [], scalar_prefetch = 0 : i64, scratch_operands = 0 : i64, tpu.core_type = #tpu.core_type<tc>} {
    %get3A = arith.constant 0 : index
    %get3A_0 = vector.load %arg0[%get3A] : memref<1245184xf32, #tpu.memory_space<vmem>>, vector<38912xf32>
    %get3A_1 = arith.constant 38912 : index
    %get3A_2 = vector.load %arg0[%get3A_1] : memref<1245184xf32, #tpu.memory_space<vmem>>, vector<38912xf32>
    %add3A = arith.addf %get3A_0, %get3A_2 : vector<38912xf32>
    %get3A_3 = arith.constant 77824 : index
    %get3A_4 = vector.load %arg0[%get3A_3] : memref<1245184xf32, #tpu.memory_space<vmem>>, vector<38912xf32>
    %add3A_5 = arith.addf %add3A, %get3A_4 : vector<38912xf32>
    %get3A_6 = arith.constant 116736 : index
    %get3A_7 = vector.load %arg0[%get3A_6] : memref<1245184xf32, #tpu.memory_space<vmem>>, vector<38912xf32>
    %add3A_8 = arith.addf %add3A_5, %get3A_7 : vector<38912xf32>
    %get3A_9 = arith.constant 155648 : index
    %get3A_10 = vector.load %arg0[%get3A_9] : memref<1245184xf32, #tpu.memory_space<vmem>>, vector<38912xf32>
    %add3A_11 = arith.addf %add3A_8, %get3A_10 : vector<38912xf32>
    %get3A_12 = arith.constant 194560 : index
    %get3A_13 = vector.load %arg0[%get3A_12] : memref<1245184xf32, #tpu.memory_space<vmem>>, vector<38912xf32>
    %add3A_14 = arith.addf %add3A_11, %get3A_13 : vector<38912xf32>
    %get3A_15 = arith.constant 233472 : index
    %get3A_16 = vector.load %arg0[%get3A_15] : memref<1245184xf32, #tpu.memory_space<vmem>>, vector<38912xf32>
    %add3A_17 = arith.addf %add3A_14, %get3A_16 : vector<38912xf32>
    %get3A_18 = arith.constant 272384 : index
    %get3A_19 = vector.load %arg0[%get3A_18] : memref<1245184xf32, #tpu.memory_space<vmem>>, vector<38912xf32>
    %add3A_20 = arith.addf %add3A_17, %get3A_19 : vector<38912xf32>
    %get3A_21 = arith.constant 311296 : index
    %get3A_22 = vector.load %arg0[%get3A_21] : memref<1245184xf32, #tpu.memory_space<vmem>>, vector<38912xf32>
    %add3A_23 = arith.addf %add3A_20, %get3A_22 : vector<38912xf32>
    %get3A_24 = arith.constant 350208 : index
    %get3A_25 = vector.load %arg0[%get3A_24] : memref<1245184xf32, #tpu.memory_space<vmem>>, vector<38912xf32>
    %add3A_26 = arith.addf %add3A_23, %get3A_25 : vector<38912xf32>
    %get3A_27 = arith.constant 389120 : index
    %get3A_28 = vector.load %arg0[%get3A_27] : memref<1245184xf32, #tpu.memory_space<vmem>>, vector<38912xf32>
    %add3A_29 = arith.addf %add3A_26, %get3A_28 : vector<38912xf32>
    %get3A_30 = arith.constant 428032 : index
    %get3A_31 = vector.load %arg0[%get3A_30] : memref<1245184xf32, #tpu.memory_space<vmem>>, vector<38912xf32>
    %add3A_32 = arith.addf %add3A_29, %get3A_31 : vector<38912xf32>
    %get3A_33 = arith.constant 466944 : index
    %get3A_34 = vector.load %arg0[%get3A_33] : memref<1245184xf32, #tpu.memory_space<vmem>>, vector<38912xf32>
    %add3A_35 = arith.addf %add3A_32, %get3A_34 : vector<38912xf32>
    %get3A_36 = arith.constant 505856 : index
    %get3A_37 = vector.load %arg0[%get3A_36] : memref<1245184xf32, #tpu.memory_space<vmem>>, vector<38912xf32>
    %add3A_38 = arith.addf %add3A_35, %get3A_37 : vector<38912xf32>
    %get3A_39 = arith.constant 544768 : index
    %get3A_40 = vector.load %arg0[%get3A_39] : memref<1245184xf32, #tpu.memory_space<vmem>>, vector<38912xf32>
    %add3A_41 = arith.addf %add3A_38, %get3A_40 : vector<38912xf32>
    %get3A_42 = arith.constant 583680 : index
    %get3A_43 = vector.load %arg0[%get3A_42] : memref<1245184xf32, #tpu.memory_space<vmem>>, vector<38912xf32>
    %add3A_44 = arith.addf %add3A_41, %get3A_43 : vector<38912xf32>
    %get3A_45 = arith.constant 622592 : index
    %get3A_46 = vector.load %arg0[%get3A_45] : memref<1245184xf32, #tpu.memory_space<vmem>>, vector<38912xf32>
    %add3A_47 = arith.addf %add3A_44, %get3A_46 : vector<38912xf32>
    %get3A_48 = arith.constant 661504 : index
    %get3A_49 = vector.load %arg0[%get3A_48] : memref<1245184xf32, #tpu.memory_space<vmem>>, vector<38912xf32>
    %add3A_50 = arith.addf %add3A_47, %get3A_49 : vector<38912xf32>
    %get3A_51 = arith.constant 700416 : index
    %get3A_52 = vector.load %arg0[%get3A_51] : memref<1245184xf32, #tpu.memory_space<vmem>>, vector<38912xf32>
    %add3A_53 = arith.addf %add3A_50, %get3A_52 : vector<38912xf32>
    %get3A_54 = arith.constant 739328 : index
    %get3A_55 = vector.load %arg0[%get3A_54] : memref<1245184xf32, #tpu.memory_space<vmem>>, vector<38912xf32>
    %add3A_56 = arith.addf %add3A_53, %get3A_55 : vector<38912xf32>
    %get3A_57 = arith.constant 778240 : index
    %get3A_58 = vector.load %arg0[%get3A_57] : memref<1245184xf32, #tpu.memory_space<vmem>>, vector<38912xf32>
    %add3A_59 = arith.addf %add3A_56, %get3A_58 : vector<38912xf32>
    %get3A_60 = arith.constant 817152 : index
    %get3A_61 = vector.load %arg0[%get3A_60] : memref<1245184xf32, #tpu.memory_space<vmem>>, vector<38912xf32>
    %add3A_62 = arith.addf %add3A_59, %get3A_61 : vector<38912xf32>
    %get3A_63 = arith.constant 856064 : index
    %get3A_64 = vector.load %arg0[%get3A_63] : memref<1245184xf32, #tpu.memory_space<vmem>>, vector<38912xf32>
    %add3A_65 = arith.addf %add3A_62, %get3A_64 : vector<38912xf32>
    %get3A_66 = arith.constant 894976 : index
    %get3A_67 = vector.load %arg0[%get3A_66] : memref<1245184xf32, #tpu.memory_space<vmem>>, vector<38912xf32>
    %add3A_68 = arith.addf %add3A_65, %get3A_67 : vector<38912xf32>
    %get3A_69 = arith.constant 933888 : index
    %get3A_70 = vector.load %arg0[%get3A_69] : memref<1245184xf32, #tpu.memory_space<vmem>>, vector<38912xf32>
    %add3A_71 = arith.addf %add3A_68, %get3A_70 : vector<38912xf32>
    %get3A_72 = arith.constant 972800 : index
    %get3A_73 = vector.load %arg0[%get3A_72] : memref<1245184xf32, #tpu.memory_space<vmem>>, vector<38912xf32>
    %add3A_74 = arith.addf %add3A_71, %get3A_73 : vector<38912xf32>
    %get3A_75 = arith.constant 1011712 : index
    %get3A_76 = vector.load %arg0[%get3A_75] : memref<1245184xf32, #tpu.memory_space<vmem>>, vector<38912xf32>
    %add3A_77 = arith.addf %add3A_74, %get3A_76 : vector<38912xf32>
    %get3A_78 = arith.constant 1050624 : index
    %get3A_79 = vector.load %arg0[%get3A_78] : memref<1245184xf32, #tpu.memory_space<vmem>>, vector<38912xf32>
    %add3A_80 = arith.addf %add3A_77, %get3A_79 : vector<38912xf32>
    %get3A_81 = arith.constant 1089536 : index
    %get3A_82 = vector.load %arg0[%get3A_81] : memref<1245184xf32, #tpu.memory_space<vmem>>, vector<38912xf32>
    %add3A_83 = arith.addf %add3A_80, %get3A_82 : vector<38912xf32>
    %get3A_84 = arith.constant 1128448 : index
    %get3A_85 = vector.load %arg0[%get3A_84] : memref<1245184xf32, #tpu.memory_space<vmem>>, vector<38912xf32>
    %add3A_86 = arith.addf %add3A_83, %get3A_85 : vector<38912xf32>
    %get3A_87 = arith.constant 1167360 : index
    %get3A_88 = vector.load %arg0[%get3A_87] : memref<1245184xf32, #tpu.memory_space<vmem>>, vector<38912xf32>
    %add3A_89 = arith.addf %add3A_86, %get3A_88 : vector<38912xf32>
    %get3A_90 = arith.constant 1206272 : index
    %get3A_91 = vector.load %arg0[%get3A_90] : memref<1245184xf32, #tpu.memory_space<vmem>>, vector<38912xf32>
    %add3A_92 = arith.addf %add3A_89, %get3A_91 : vector<38912xf32>
    %slice3A = vector.extract_strided_slice %add3A_92 {offsets = [0], sizes = [1024], strides = [1]} : vector<38912xf32> to vector<1024xf32>
    %slice3A_93 = vector.extract_strided_slice %add3A_92 {offsets = [2048], sizes = [1024], strides = [1]} : vector<38912xf32> to vector<1024xf32>
    %slice3A_94 = vector.extract_strided_slice %add3A_92 {offsets = [4096], sizes = [1024], strides = [1]} : vector<38912xf32> to vector<1024xf32>
    %slice3A_95 = vector.extract_strided_slice %add3A_92 {offsets = [6144], sizes = [1024], strides = [1]} : vector<38912xf32> to vector<1024xf32>
    %slice3A_96 = vector.extract_strided_slice %add3A_92 {offsets = [8192], sizes = [1024], strides = [1]} : vector<38912xf32> to vector<1024xf32>
    %slice3A_97 = vector.extract_strided_slice %add3A_92 {offsets = [10240], sizes = [1024], strides = [1]} : vector<38912xf32> to vector<1024xf32>
    %slice3A_98 = vector.extract_strided_slice %add3A_92 {offsets = [12288], sizes = [1024], strides = [1]} : vector<38912xf32> to vector<1024xf32>
    %slice3A_99 = vector.extract_strided_slice %add3A_92 {offsets = [14336], sizes = [1024], strides = [1]} : vector<38912xf32> to vector<1024xf32>
    %slice3A_100 = vector.extract_strided_slice %add3A_92 {offsets = [16384], sizes = [1024], strides = [1]} : vector<38912xf32> to vector<1024xf32>
    %slice3A_101 = vector.extract_strided_slice %add3A_92 {offsets = [18432], sizes = [1024], strides = [1]} : vector<38912xf32> to vector<1024xf32>
    %slice3A_102 = vector.extract_strided_slice %add3A_92 {offsets = [20480], sizes = [1024], strides = [1]} : vector<38912xf32> to vector<1024xf32>
    %slice3A_103 = vector.extract_strided_slice %add3A_92 {offsets = [22528], sizes = [1024], strides = [1]} : vector<38912xf32> to vector<1024xf32>
    %slice3A_104 = vector.extract_strided_slice %add3A_92 {offsets = [24576], sizes = [1024], strides = [1]} : vector<38912xf32> to vector<1024xf32>
    %slice3A_105 = vector.extract_strided_slice %add3A_92 {offsets = [26624], sizes = [1024], strides = [1]} : vector<38912xf32> to vector<1024xf32>
    %slice3A_106 = vector.extract_strided_slice %add3A_92 {offsets = [28672], sizes = [1024], strides = [1]} : vector<38912xf32> to vector<1024xf32>
    %slice3A_107 = vector.extract_strided_slice %add3A_92 {offsets = [30720], sizes = [1024], strides = [1]} : vector<38912xf32> to vector<1024xf32>
    %slice3A_108 = vector.extract_strided_slice %add3A_92 {offsets = [32768], sizes = [1024], strides = [1]} : vector<38912xf32> to vector<1024xf32>
    %slice3A_109 = vector.extract_strided_slice %add3A_92 {offsets = [34816], sizes = [1024], strides = [1]} : vector<38912xf32> to vector<1024xf32>
    %slice3A_110 = vector.extract_strided_slice %add3A_92 {offsets = [36864], sizes = [1024], strides = [1]} : vector<38912xf32> to vector<1024xf32>
    %stack3A = vector.shape_cast %slice3A : vector<1024xf32> to vector<1x1024xf32>
    %stack3A_111 = vector.shape_cast %slice3A_93 : vector<1024xf32> to vector<1x1024xf32>
    %stack3A_112 = vector.shape_cast %slice3A_94 : vector<1024xf32> to vector<1x1024xf32>
    %stack3A_113 = vector.shape_cast %slice3A_95 : vector<1024xf32> to vector<1x1024xf32>
    %stack3A_114 = vector.shape_cast %slice3A_96 : vector<1024xf32> to vector<1x1024xf32>
    %stack3A_115 = vector.shape_cast %slice3A_97 : vector<1024xf32> to vector<1x1024xf32>
    %stack3A_116 = vector.shape_cast %slice3A_98 : vector<1024xf32> to vector<1x1024xf32>
    %stack3A_117 = vector.shape_cast %slice3A_99 : vector<1024xf32> to vector<1x1024xf32>
    %stack3A_118 = vector.shape_cast %slice3A_100 : vector<1024xf32> to vector<1x1024xf32>
    %stack3A_119 = vector.shape_cast %slice3A_101 : vector<1024xf32> to vector<1x1024xf32>
    %stack3A_120 = vector.shape_cast %slice3A_102 : vector<1024xf32> to vector<1x1024xf32>
    %stack3A_121 = vector.shape_cast %slice3A_103 : vector<1024xf32> to vector<1x1024xf32>
    %stack3A_122 = vector.shape_cast %slice3A_104 : vector<1024xf32> to vector<1x1024xf32>
    %stack3A_123 = vector.shape_cast %slice3A_105 : vector<1024xf32> to vector<1x1024xf32>
    %stack3A_124 = vector.shape_cast %slice3A_106 : vector<1024xf32> to vector<1x1024xf32>
    %stack3A_125 = vector.shape_cast %slice3A_107 : vector<1024xf32> to vector<1x1024xf32>
    %stack3A_126 = vector.shape_cast %slice3A_108 : vector<1024xf32> to vector<1x1024xf32>
    %stack3A_127 = vector.shape_cast %slice3A_109 : vector<1024xf32> to vector<1x1024xf32>
    %stack3A_128 = vector.shape_cast %slice3A_110 : vector<1024xf32> to vector<1x1024xf32>
    %stack3A_129 = tpu.concatenate %stack3A, %stack3A_111, %stack3A_112, %stack3A_113, %stack3A_114, %stack3A_115, %stack3A_116, %stack3A_117, %stack3A_118, %stack3A_119, %stack3A_120, %stack3A_121, %stack3A_122, %stack3A_123, %stack3A_124, %stack3A_125, %stack3A_126, %stack3A_127, %stack3A_128 in 0 : vector<1x1024xf32>, vector<1x1024xf32>, vector<1x1024xf32>, vector<1x1024xf32>, vector<1x1024xf32>, vector<1x1024xf32>, vector<1x1024xf32>, vector<1x1024xf32>, vector<1x1024xf32>, vector<1x1024xf32>, vector<1x1024xf32>, vector<1x1024xf32>, vector<1x1024xf32>, vector<1x1024xf32>, vector<1x1024xf32>, vector<1x1024xf32>, vector<1x1024xf32>, vector<1x1024xf32>, vector<1x1024xf32> -> vector<19x1024xf32>
    %slice3A_130 = vector.extract_strided_slice %add3A_92 {offsets = [1024], sizes = [1024], strides = [1]} : vector<38912xf32> to vector<1024xf32>
    %slice3A_131 = vector.extract_strided_slice %add3A_92 {offsets = [3072], sizes = [1024], strides = [1]} : vector<38912xf32> to vector<1024xf32>
    %slice3A_132 = vector.extract_strided_slice %add3A_92 {offsets = [5120], sizes = [1024], strides = [1]} : vector<38912xf32> to vector<1024xf32>
    %slice3A_133 = vector.extract_strided_slice %add3A_92 {offsets = [7168], sizes = [1024], strides = [1]} : vector<38912xf32> to vector<1024xf32>
    %slice3A_134 = vector.extract_strided_slice %add3A_92 {offsets = [9216], sizes = [1024], strides = [1]} : vector<38912xf32> to vector<1024xf32>
    %slice3A_135 = vector.extract_strided_slice %add3A_92 {offsets = [11264], sizes = [1024], strides = [1]} : vector<38912xf32> to vector<1024xf32>
    %slice3A_136 = vector.extract_strided_slice %add3A_92 {offsets = [13312], sizes = [1024], strides = [1]} : vector<38912xf32> to vector<1024xf32>
    %slice3A_137 = vector.extract_strided_slice %add3A_92 {offsets = [15360], sizes = [1024], strides = [1]} : vector<38912xf32> to vector<1024xf32>
    %slice3A_138 = vector.extract_strided_slice %add3A_92 {offsets = [17408], sizes = [1024], strides = [1]} : vector<38912xf32> to vector<1024xf32>
    %slice3A_139 = vector.extract_strided_slice %add3A_92 {offsets = [19456], sizes = [1024], strides = [1]} : vector<38912xf32> to vector<1024xf32>
    %slice3A_140 = vector.extract_strided_slice %add3A_92 {offsets = [21504], sizes = [1024], strides = [1]} : vector<38912xf32> to vector<1024xf32>
    %slice3A_141 = vector.extract_strided_slice %add3A_92 {offsets = [23552], sizes = [1024], strides = [1]} : vector<38912xf32> to vector<1024xf32>
    %slice3A_142 = vector.extract_strided_slice %add3A_92 {offsets = [25600], sizes = [1024], strides = [1]} : vector<38912xf32> to vector<1024xf32>
    %slice3A_143 = vector.extract_strided_slice %add3A_92 {offsets = [27648], sizes = [1024], strides = [1]} : vector<38912xf32> to vector<1024xf32>
    %slice3A_144 = vector.extract_strided_slice %add3A_92 {offsets = [29696], sizes = [1024], strides = [1]} : vector<38912xf32> to vector<1024xf32>
    %slice3A_145 = vector.extract_strided_slice %add3A_92 {offsets = [31744], sizes = [1024], strides = [1]} : vector<38912xf32> to vector<1024xf32>
    %slice3A_146 = vector.extract_strided_slice %add3A_92 {offsets = [33792], sizes = [1024], strides = [1]} : vector<38912xf32> to vector<1024xf32>
    %slice3A_147 = vector.extract_strided_slice %add3A_92 {offsets = [35840], sizes = [1024], strides = [1]} : vector<38912xf32> to vector<1024xf32>
    %slice3A_148 = vector.extract_strided_slice %add3A_92 {offsets = [37888], sizes = [1024], strides = [1]} : vector<38912xf32> to vector<1024xf32>
    %stack3A_149 = vector.shape_cast %slice3A_130 : vector<1024xf32> to vector<1x1024xf32>
    %stack3A_150 = vector.shape_cast %slice3A_131 : vector<1024xf32> to vector<1x1024xf32>
    %stack3A_151 = vector.shape_cast %slice3A_132 : vector<1024xf32> to vector<1x1024xf32>
    %stack3A_152 = vector.shape_cast %slice3A_133 : vector<1024xf32> to vector<1x1024xf32>
    %stack3A_153 = vector.shape_cast %slice3A_134 : vector<1024xf32> to vector<1x1024xf32>
    %stack3A_154 = vector.shape_cast %slice3A_135 : vector<1024xf32> to vector<1x1024xf32>
    %stack3A_155 = vector.shape_cast %slice3A_136 : vector<1024xf32> to vector<1x1024xf32>
    %stack3A_156 = vector.shape_cast %slice3A_137 : vector<1024xf32> to vector<1x1024xf32>
    %stack3A_157 = vector.shape_cast %slice3A_138 : vector<1024xf32> to vector<1x1024xf32>
    %stack3A_158 = vector.shape_cast %slice3A_139 : vector<1024xf32> to vector<1x1024xf32>
    %stack3A_159 = vector.shape_cast %slice3A_140 : vector<1024xf32> to vector<1x1024xf32>
    %stack3A_160 = vector.shape_cast %slice3A_141 : vector<1024xf32> to vector<1x1024xf32>
    %stack3A_161 = vector.shape_cast %slice3A_142 : vector<1024xf32> to vector<1x1024xf32>
    %stack3A_162 = vector.shape_cast %slice3A_143 : vector<1024xf32> to vector<1x1024xf32>
    %stack3A_163 = vector.shape_cast %slice3A_144 : vector<1024xf32> to vector<1x1024xf32>
    %stack3A_164 = vector.shape_cast %slice3A_145 : vector<1024xf32> to vector<1x1024xf32>
    %stack3A_165 = vector.shape_cast %slice3A_146 : vector<1024xf32> to vector<1x1024xf32>
    %stack3A_166 = vector.shape_cast %slice3A_147 : vector<1024xf32> to vector<1x1024xf32>
    %stack3A_167 = vector.shape_cast %slice3A_148 : vector<1024xf32> to vector<1x1024xf32>
    %stack3A_168 = tpu.concatenate %stack3A_149, %stack3A_150, %stack3A_151, %stack3A_152, %stack3A_153, %stack3A_154, %stack3A_155, %stack3A_156, %stack3A_157, %stack3A_158, %stack3A_159, %stack3A_160, %stack3A_161, %stack3A_162, %stack3A_163, %stack3A_164, %stack3A_165, %stack3A_166, %stack3A_167 in 0 : vector<1x1024xf32>, vector<1x1024xf32>, vector<1x1024xf32>, vector<1x1024xf32>, vector<1x1024xf32>, vector<1x1024xf32>, vector<1x1024xf32>, vector<1x1024xf32>, vector<1x1024xf32>, vector<1x1024xf32>, vector<1x1024xf32>, vector<1x1024xf32>, vector<1x1024xf32>, vector<1x1024xf32>, vector<1x1024xf32>, vector<1x1024xf32>, vector<1x1024xf32>, vector<1x1024xf32>, vector<1x1024xf32> -> vector<19x1024xf32>
    %add3A_169 = arith.addf %stack3A_129, %stack3A_168 : vector<19x1024xf32>
    %iota3A = tpu.iota {dimensions = array<i32: 0>} : vector<1024x1024xi32>
    %iota3A_170 = tpu.iota {dimensions = array<i32: 1>} : vector<1024x1024xi32>
    %gt3A = arith.cmpi sgt, %iota3A, %iota3A_170 : vector<1024x1024xi32>
    %convert_element_type3A = arith.extui %gt3A : vector<1024x1024xi1> to vector<1024x1024xi32>
    %convert_element_type3A_171 = arith.sitofp %convert_element_type3A : vector<1024x1024xi32> to vector<1024x1024xf32>
    %dot_general3A = arith.constant dense<0.000000e+00> : vector<19x1024xf32>
    %dot_general3A_172 = tpu.matmul %add3A_169, %convert_element_type3A_171, %dot_general3A {dimension_numbers = #tpu.dot_dimension_numbers<[1], [0], [0], [1], [0, 0, 1, 1], [], []>, precision = #tpu.contract_precision<fp32>, transpose_lhs_hint = false} : vector<19x1024xf32>, vector<1024x1024xf32>, vector<19x1024xf32> -> vector<19x1024xf32>
    %dot_general3A_173 = arith.constant dense<0.000000e+00> : vector<19x1024xf32>
    %dot_general3A_174 = tpu.matmul %stack3A_168, %convert_element_type3A_171, %dot_general3A_173 {dimension_numbers = #tpu.dot_dimension_numbers<[1], [0], [0], [1], [0, 0, 1, 1], [], []>, precision = #tpu.contract_precision<fp32>, transpose_lhs_hint = false} : vector<19x1024xf32>, vector<1024x1024xf32>, vector<19x1024xf32> -> vector<19x1024xf32>
    %reduce_sum3A = arith.constant dense<0.000000e+00> : vector<19xf32>
    %reduce_sum3A_175 = vector.multi_reduction <add>, %stack3A_168, %reduce_sum3A [1] : vector<19x1024xf32> to vector<19xf32>
    %broadcast_in_dim3A = vector.shape_cast %reduce_sum3A_175 : vector<19xf32> to vector<19x1xf32>
    %mul3A = arith.constant 5.000000e-01 : f32
    %mul3A_176 = vector.broadcast %mul3A : f32 to vector<19x1024xf32>
    %mul3A_177 = arith.mulf %mul3A_176, %add3A_169 : vector<19x1024xf32>
    %add3A_178 = arith.addf %dot_general3A_172, %mul3A_177 : vector<19x1024xf32>
    %mul3A_179 = arith.constant 5.000000e-01 : f32
    %mul3A_180 = vector.broadcast %mul3A_179 : f32 to vector<19x1024xf32>
    %mul3A_181 = arith.mulf %mul3A_180, %stack3A_168 : vector<19x1024xf32>
    %add3A_182 = arith.addf %dot_general3A_174, %mul3A_181 : vector<19x1024xf32>
    %add3A_183 = vector.broadcast %broadcast_in_dim3A : vector<19x1xf32> to vector<19x1024xf32>
    %add3A_184 = arith.addf %add3A_183, %add3A_178 : vector<19x1024xf32>
    %sub3A = arith.subf %add3A_184, %add3A_182 : vector<19x1024xf32>
    %sub3A_185 = vector.broadcast %broadcast_in_dim3A : vector<19x1xf32> to vector<19x1024xf32>
    %sub3A_186 = arith.subf %sub3A_185, %add3A_182 : vector<19x1024xf32>
    %div3A = arith.divf %sub3A_186, %sub3A : vector<19x1024xf32>
    %sub3A_187 = arith.constant 1.000000e+00 : f32
    %sub3A_188 = vector.broadcast %sub3A_187 : f32 to vector<19x1024xf32>
    %sub3A_189 = arith.subf %sub3A_188, %div3A : vector<19x1024xf32>
    %add3A_190 = arith.addf %dot_general3A_172, %add3A_169 : vector<19x1024xf32>
    %gt3A_191 = arith.constant 0.000000e+00 : f32
    %gt3A_192 = vector.broadcast %gt3A_191 : f32 to vector<19x1024xf32>
    %gt3A_193 = arith.cmpf ogt, %add3A_190, %gt3A_192 : vector<19x1024xf32>
    %jit3A = arith.constant 0.000000e+00 : f32
    %broadcast_in_dim3A_194 = vector.broadcast %jit3A : f32 to vector<19x1024xf32>
    %select_n3A = arith.select %gt3A_193, %sub3A_189, %broadcast_in_dim3A_194 : vector<19x1024xi1>, vector<19x1024xf32>
    %reduce_sum3A_195 = vector.shape_cast %select_n3A : vector<19x1024xf32> to vector<1x19x1024xf32>
    %reduce_sum3A_196 = arith.constant dense<0.000000e+00> : vector<1xf32>
    %reduce_sum3A_197 = vector.multi_reduction <add>, %reduce_sum3A_195, %reduce_sum3A_196 [1, 2] : vector<1x19x1024xf32> to vector<1xf32>
    %reduce_sum3A_198 = vector.shape_cast %reduce_sum3A_197 : vector<1xf32> to vector<1x1x1xf32>
    %reduce_sum3A_199 = vector.extract %reduce_sum3A_198[0, 0, 0] : f32 from vector<1x1x1xf32>
    %mul3A_200 = arith.constant 5.13980267E-5 : f32
    %mul3A_201 = arith.mulf %reduce_sum3A_199, %mul3A_200 : f32
    %swap3A = arith.constant 0 : index
    %swap3A_202 = arith.constant 0 : index
    %swap3A_203 = memref.load %arg1[%swap3A, %swap3A_202] : memref<1x1xf32, #tpu.memory_space<smem>>
    memref.store %mul3A_201, %arg1[%swap3A, %swap3A_202] : memref<1x1xf32, #tpu.memory_space<smem>>
    return
  }
}

</mosaic_0001>

<sc_bundles>
// kernel: kernel.4.cloned.1.call-start
scs
__scs_entry_jumppad:
0x0: {  	(pc) =	sbr.rel $0x88, $3  }
0x1: {  	(tag) =	ssettag $0x0;
	lr =	simm.s32 $0x1  }
0x2: {  	[smem:$0x3F9F] =	sst lr;
	_ =	strace $0xD0000000  }
0x3: {  	_ = 	snop  }
0x4: {  	_ = 	snop  }
0x5: {  	_ = 	snop  }
0x6: {  	_ = 	snop  }
0x7: {  	_ = 	snop  }
__scs_overlays_trampoline_lowered:
0x8: {  	[smem:$0x3FAE] =	sst s0  }
0x9: {  	[smem:$0x3FAF] =	sst s1  }
0xa: {  	[smem:$0x3FB0] =	sst s2  }
0xb: {  	[smem:$0x3FB1] =	sst s3  }
0xc: {  	[smem:$0x3FB2] =	sst s4  }
0xd: {  	[smem:$0x3FB3] =	sst s5  }
0xe: {  	[smem:$0x3FB4] =	sst s6  }
0xf: {  	[smem:$0x3FB5] =	sst s7  }
0x10: {  	[smem:$0x3FB6] =	sst s8  }
0x11: {  	[smem:$0x3FB7] =	sst s9;
	s0 =	simm.s32 @!p0 $0x0  }
0x12: {  	s1 =	sld [smem:$0x3F9D];
	s0 =	simm.s32 @p0 $0x1  }
0x13: {  	[smem:$0x3FB8] =	sst s0;
	s0 =	simm.s32 @!p1 $0x0  }
0x14: {  	s2 =	sld [smem:$0x3F9C];
	s0 =	simm.s32 @p1 $0x1  }
0x15: {  	[smem:$0x3FB9] =	sst s0;
	s0 =	simm.s32 @!p2 $0x0  }
0x16: {  	s3 =	sld [smem:$0x3FDB];
	s0 =	simm.s32 @p2 $0x1  }
0x17: {  	s4 =	simm.s32 $0x1BF5;
	[smem:$0x3FBB] =	sst s0  }
0x18: {  	s0 =	sld [smem:$0x3F9E];
	_ =	swait.ge [sflag:s4], $0x0  }
0x19: {  	s7 =	sld [smem:$0x3F9F]  }
0x1a: {  	s8 =	sadd.s32 $0xFFFFE003, lr  }
0x1b: {  	s9 =	sadd.s32 $0xFFFFFEF7, lr;
	s5 =	simm.s32 $0xFFFFFFFF;
	p2 =	slt.u32 s8, $0xFFFFF086  }
0x1c: {  	p1 =	slt.u32 s9, $0xF7A;
	s5 =	simm.s32 @!p2 $0x0  }
0x1d: {  	s5 =	simm.s32 @p1 $0x1;
	p0 =	seq.s32 s7, s2  }
0x1e: {  	s7 =	smul.u32 @!p0 $0xF7A, s2;
	p2 =	seq.s32 @!p0 s5, $0x0  }
0x1f: {  	s9 =	smul.u32 $0xF7A, s1;
	s8 =	simm.s32 @!p0 $0x1BF5;
	p2 =	por !p2, p0  }
0x20: {  	[sflag:s8] =	ssyncset.s32 @!p0 $0xFFFFF086;
	s6 =	sadd.s32 @!p0 s3, s7;
	s7 =	simm.s32 @!p0 $0x108  }
0x21: {  	s3 =	sadd.s32 s3, s9;
	s6 =	sadd.s32 @!p0 $0x88, s6;
	s7 =	simm.s32 @p2 $0x1082  }
0x22: {  	[simem:s7], [sflag:s8] =	dma.local @!p0 [hbm:s6], $0xF7A  }
0x23: {  	s9 =	sor.u32 $0xD0000000, s2;
	s6 =	simm.s32 $0x108;
	_ =	swait.ge @!p0 [sflag:s8], $0x0  }
0x24: {  	s3 =	sadd.s32 $0x88, s3;
	s6 =	simm.s32 @!p1 $0x1082;
	[sflag:s4] =	ssyncset.s32 $0xFFFFF086  }
0x25: {  	[simem:s6], [sflag:s4] =	dma.local [hbm:s3], $0xF7A  }
0x26: {  	[smem:$0x3F9F] =	sst s1;
	(tag) =	ssettag s2;
	_ =	strace s9  }
0x27: {  	s1 =	sld [smem:$0x3FAF]  }
0x28: {  	s2 =	sld [smem:$0x3FB0]  }
0x29: {  	s4 =	sld [smem:$0x3FB2]  }
0x2a: {  	p0 =	seq.s32 s5, $0x0;
	s5 =	sld [smem:$0x3FB3]  }
0x2b: {  	s6 =	sld [smem:$0x3FB4]  }
0x2c: {  	s7 =	sld [smem:$0x3FB5]  }
0x2d: {  	s3 =	simm.s32 $0x108;
	s8 =	sld [smem:$0x3FB6]  }
0x2e: {  	s3 =	simm.s32 @!p0 $0x1082;
	s9 =	sld [smem:$0x3FB7]  }
0x2f: {  	lr =	sadd.s32 s0, s3;
	s0 =	sld [smem:$0x3FAE]  }
0x30: {  	s3 =	sld [smem:$0x3FB1]  }
0x31: {  	[smem:$0x3FBA] =	sst s10  }
0x32: {  	s10 =	sld [smem:$0x3FB8];
	_ =	sdelay $0x3  }
0x33: {  	p0 =	seq.s32 s10, $0x1;
	s10 =	sld [smem:$0x3FBA];
	_ =	sdelay $0x3  }
0x34: {  	[smem:$0x3FBA] =	sst s10  }
0x35: {  	s10 =	sld [smem:$0x3FB9];
	_ =	sdelay $0x3  }
0x36: {  	p1 =	seq.s32 s10, $0x1;
	s10 =	sld [smem:$0x3FBA];
	_ =	sdelay $0x3  }
0x37: {  	[smem:$0x3FBA] =	sst s10  }
0x38: {  	s10 =	sld [smem:$0x3FBB]  }
0x39: {  	_ = 	snop;
	(pc) =	sbr.ind lr, $3  }
0x3a: {  	_ = 	snop  }
0x3b: {  	_ = 	snop  }
0x3c: {  	p2 =	seq.s32 s10, $0x1;
	s10 =	sld [smem:$0x3FBA]  }
0x3d: {  	_ =	shalt  }
0x3e: {  	_ =	shalt  }
0x3f: {  	_ =	shalt  }
0x40: {  	_ =	shalt  }
0x41: {  	_ =	shalt  }
0x42: {  	_ =	shalt  }
0x43: {  	_ =	shalt  }
0x44: {  	_ =	shalt  }
0x45: {  	_ =	shalt  }
0x46: {  	_ =	shalt  }
0x47: {  	_ =	shalt  }
0x48: {  	_ =	shalt  }
0x49: {  	_ =	shalt  }
0x4a: {  	_ =	shalt  }
0x4b: {  	_ =	shalt  }
0x4c: {  	_ =	shalt  }
0x4d: {  	_ =	shalt  }
0x4e: {  	_ =	shalt  }
0x4f: {  	_ =	shalt  }
0x50: {  	_ =	shalt  }
0x51: {  	_ =	shalt  }
0x52: {  	_ =	shalt  }
0x53: {  	_ =	shalt  }
0x54: {  	_ =	shalt  }
0x55: {  	_ =	shalt  }
0x56: {  	_ =	shalt  }
0x57: {  	_ =	shalt  }
0x58: {  	_ =	shalt  }
0x59: {  	_ =	shalt  }
0x5a: {  	_ =	shalt  }
0x5b: {  	_ =	shalt  }
0x5c: {  	_ =	shalt  }
0x5d: {  	_ =	shalt  }
0x5e: {  	_ =	shalt  }
0x5f: {  	_ =	shalt  }
0x60: {  	_ =	shalt  }
0x61: {  	_ =	shalt  }
0x62: {  	_ =	shalt  }
0x63: {  	_ =	shalt  }
0x64: {  	_ =	shalt  }
0x65: {  	_ =	shalt  }
0x66: {  	_ =	shalt  }
0x67: {  	_ =	shalt  }
0x68: {  	_ =	shalt  }
0x69: {  	_ =	shalt  }
0x6a: {  	_ =	shalt  }
0x6b: {  	_ =	shalt  }
0x6c: {  	_ =	shalt  }
0x6d: {  	_ =	shalt  }
0x6e: {  	_ =	shalt  }
0x6f: {  	_ =	shalt  }
0x70: {  	_ =	shalt  }
0x71: {  	_ =	shalt  }
0x72: {  	_ =	shalt  }
0x73: {  	_ =	shalt  }
0x74: {  	_ =	shalt  }
0x75: {  	_ =	shalt  }
0x76: {  	_ =	shalt  }
0x77: {  	_ =	shalt  }
0x78: {  	_ =	shalt  }
0x79: {  	_ =	shalt  }
0x7a: {  	_ =	shalt  }
0x7b: {  	_ =	shalt  }
0x7c: {  	_ =	shalt  }
0x7d: {  	_ =	shalt  }
0x7e: {  	_ =	shalt  }
0x7f: {  	_ =	shalt  }
0x80: {  	_ =	shalt  }
0x81: {  	_ =	shalt  }
0x82: {  	_ =	shalt  }
0x83: {  	_ =	shalt  }
0x84: {  	_ =	shalt  }
0x85: {  	_ =	shalt  }
0x86: {  	_ =	shalt  }
0x87: {  	_ =	shalt  }
.Lfunc_end0:
.L_simem_size_0:
called_computation_lowered:
.L_overlay_start_0:
0x88: {  	s2 =	sld [smem:$0x3FD9]  }
0x89: {  	s3 =	sld [smem:$0x3FFE];
	_ =	sdelay $0x1  }
0x8a: {  	s1 =	srdreg.scid  }
0x8b: {  	s0 =	sand.u32 $0x1, s1  }
0x8c: {  	s17 =	sshll.u32 s0, $0xA;
	s2 =	sadd.s32 s3, s2  }
0x8d: {  	s2 =	sadd.s32 s2, s17  }
0x8e: {  	[smem:$0x3FC6] =	sst s2  }
0x8f: {  	_ = 	snop  }
0x90: {  	s2 =	sld [smem:$0x3FC9]  }
0x91: {  	s18 =	sld [smem:$0x3FC8];
	(tm) =	ssettm $0x1  }
0x92: {  	s4 =	sld [smem:$0x3FFB];
	_ =	sdelay $0x3  }
0x93: {  	_ =	strace s4  }
0x94: {  	s4 =	sld [smem:$0x3FFC];
	_ =	sdelay $0x3  }
0x95: {  	_ =	strace s4  }
0x96: {  	s4 =	sld [smem:$0x3FFD];
	_ =	sdelay $0x3  }
0x97: {  	_ =	strace s4  }
0x98: {  	_ =	strace $0x8FFFFFFF  }
0x99: {  	s19 =	sld [smem:$0x3FDB];
	_ =	sdelay $0x1  }
0x9a: {  	s5 =	simm.s32 $_scs_section_size  }
0x9b: {  	s6 =	simm.s32 $_size__tile_overlayer_lowered;
	s7 =	simm.s32 $_tile_overlayer_lowered  }
0x9c: {  	s22 =	simm.s32 $0x1BFF;
	s21 =	sshll.u32 s7, $0x1;
	s4 =	sadd.s32 s5, s19  }
0x9d: {  	s8 =	simm.s32 $0x0;
	s20 =	sshll.u32 s6, $0x1;
	s6 =	sadd.s32 s21, s4  }
0x9e: {  	[timem:s8], [sflag:s22] =	dma.local [hbm:s6], s20  }
0x9f: {  	_ =	swait.ge [sflag:s22], s20  }
0xa0: {  	s5 =	ssub.s32 $0x0, s20;
	[sflag:s22] =	ssyncset.done $0x0  }
0xa1: {  	[sflag:s22] =	ssyncadd.s32 s5;
	_ =	sdelay $0x1  }
0xa2: {  	s23 =	simm.s32 $0x1B8B  }
0xa3: {  	_ =	swait.ge [sflag:s23], $0x1  }
0xa4: {  	[sflag:s23] =	ssyncset.done $0x0  }
0xa5: {  	s25 =	simm.s32 $0x1B8E;
	s24 =	sld [smem:$0x3FFE];
	[sflag:s23] =	ssyncadd.s32 $0xFFFFFFFF  }
0xa6: {  	s26 =	simm.s32 $execute0_lowered;
	[smem:$0x3FD2] =	sst s25  }
0xa7: {  	s6 =	sshll.u32 s26, $0x1;
	_ =	strace $0x80000046;
	[dreg:$0x1] =	wrdreg $0xFFFFFFFF  }
0xa8: {  	s28 =	simm.s32 $_size_execute0_lowered;
	s4 =	sadd.s32 s4, s6;
	[dreg:$0x0] =	wrdreg $0x0  }
0xa9: {  	s6 =	sshll.u32 s28, $0x1;
	[dreg:$0x2] =	wrdreg s4  }
0xaa: {  	[dreg:$0x3] =	wrdreg s6  }
0xab: {  	[dreg:$0x4] =	wrdreg $0xC0  }
0xac: {  	_ =	task [dreg:s8], $0x5FFFF  }
0xad: {  	[dreg:$0x1] =	wrdreg $0xFFFFFFFF  }
0xae: {  	[dreg:$0x0] =	wrdreg $0x60  }
0xaf: {  	[dreg:$0x2] =	wrdreg s2  }
0xb0: {  	[dreg:$0x3] =	wrdreg s18  }
0xb1: {  	[dreg:$0x4] =	wrdreg s24  }
0xb2: {  	[dreg:$0x5] =	wrdreg $0x9  }
0xb3: {  	_ =	task.clear_ibuf [dreg:s8], $0x6FFFF;
	_ =	strace $0x90000046  }
0xb4: {  	s29 =	simm.s32 $0x9;
	_ =	strace $0x80000048  }
0xb5: {  	_ =	swait.ge [sflag:s29], $0x1  }
0xb6: {  	[sflag:s29] =	ssyncadd.s32 $0xFFFFFFFF  }
0xb7: {  	_ =	strace $0x90000048  }
0xb8: {  	_ =	sfence  }
0xb9: {  	s30 =	sld [smem:$0x0];
	_ =	sdelay $0x2  }
0xba: {  	s31 =	sshll.u32 s1, $0xD;
	s1 =	sshrl.u32 s1, $0x2  }
0xbb: {  	s3 =	sand.u32 $0x4000, s31;
	s1 =	sadd.s32 s1, s30  }
0xbc: {  	s0 =	sor.u32 s3, s0;
	s1 =	sshll.u32 s1, $0x11  }
0xbd: {  	s0 =	sor.u32 s1, s0  }
0xbe: {  	s0 =	sadd.s32 $0x8F2B, s0  }
0xbf: {  	[sflag:s0] =	ssyncadd.remote.s32 $0x1  }
0xc0: {  	_ =	sfence.sel $0xFFFF  }
0xc1: {  	[dreg:$0x0] =	wrdreg $0xFFFFFFFF;
	(pc) =	sbr.abs _section_cstart, $3  }
0xc2: {  	[dreg:$0x1] =	wrdreg $0xFFFFFFFF  }
0xc3: {  	_ =	task.clear_ibuf [dreg:s8], $0x2FFFF;
	_ =	strace $0x9FFFFFFF  }
0xc4: {  	(tm) =	ssettm $0x7FFFFFFF  }
0xc5: {  	_ =	shalt  }
tec
execute0_lowered:
.L_overlay_start_1:
0x0: {  	(tag) =	ssettag $0x1  }
0x1: {  	s1 =	rddreg [dreg:$0x0]  }
0x2: {  	s0 =	srdreg.scid;
	s3 =	rddreg [dreg:$0x1]  }
0x3: {  	s2 =	stileid.u32;
	s5 =	rddreg [dreg:$0x2];
	s4 =	simm.s32 $0x0  }
0x4: {  	s19 =	simm.s32 $0x1;
	s20 =	simm.s32 $0x3;
	s21 =	simm.s32 $0x2  }
0x5: {  	s22 =	simm.s32 $0x4;
	s0 =	sand.u32 $0x1, s0;
	s2 =	sshll.u32 s2, $0x1  }
0x6: {  	[smem:$0x7FF] =	sst s4;
	s2 =	sor.u32 s0, s2;
	s0 =	ssub.s32 $0x2, s0  }
0x7: {  	_ =	strace $0x80000047;
	s6 =	smul.u32 $0x1300, s2;
	s28 =	sshll.u32 s2, $0xE  }
0x8: {  	s7 =	sshll.u32 s2, $0x7;
	s2 =	sshll.u32 s2, $0xB;
	s8 =	sadd.s32 s1, s28  }
0x9: {  	s26 =	sshrl.u32 s0, $0x1;
	s2 =	sadd.s32 s3, s2;
	[dreg:$0x4] =	wrdreg s8  }
0xa: {  	s0 =	ssub.s32 s0, s26;
	s7 =	sor.u32 $0x8, s7;
	[dreg:$0x5] =	wrdreg s2  }
.Ltmp0:
0xb: {  	s29 =	sshll.u32 s7, $0x7;
	s0 =	smax.u32 s0, $0x1;
	(pc) =	sbr.rel .LBB2_1-.Ltmp0, $4  }
0xc: {  	s7 =	sshll.u32 s7, $0x4;
	s2 =	sadd.s32 s1, s29;
	[dreg:$0x9] =	wrdreg s0  }
0xd: {  	s5 =	sadd.s32 s6, s5;
	s30 =	sadd.s32 s3, s7;
	[dreg:$0x6] =	wrdreg s2  }
0xe: {  	s9 =	sor.u32 $0x800, s28;
	s31 =	sadd.s32 $0x600, s5;
	[dreg:$0x7] =	wrdreg s30  }
0xf: {  	v0 =	vimm.f32 $0.0e+00;
	v1 =	vimm.f32 $1.000000000e+00;
	s10 =	sor.u32 $0xC00, s28;
	s5 =	simm.s32 $0x0;
	[dreg:$0x8] =	wrdreg s31  }
.LBB2_10:
0x10: {  	s0 =	rddreg [dreg:$0x8];
	s2 =	simm.s32 $0x5  }
0x11: {  	[hbm4b:s0+s4] =	stream.linear.scatter [tilespmem:s4], [sflag:$0x5], $0x9800, $0x38;
	[tilespmem:$0x16000] =	vst v63  }
0x12: {  	_ =	swait.ge [sflag:s2], $0x9800  }
0x13: {  	s5 =	rddreg [dreg:$0xa]  }
0x14: {  	s31 =	rddreg [dreg:$0x9];
	s5 =	sadd.s32 $0x1, s5  }
0x15: {  	p0 =	sne.s32 s5, s31  }
.Ltmp1:
0x16: {  	_ = 	snop;
	(pc) =	sbr.rel @!p0 .LBB2_11-.Ltmp1, $3  }
0x17: {  	_ =	sdelay $0x1  }
0x18: {  	[sflag:s2] =	ssyncset.done $0x0  }
0x19: {  	[sflag:s2] =	ssyncadd.s32 $0xFFFF6800  }
.LBB2_1:
0x1a: {  	[dreg:$0xa] =	wrdreg s5;
	s0 =	simm.s32 $0x0;
	s2 =	simm.s32 $0x200  }
.LBB2_2:
0x1b: {  	p0 =	sne.s32 s2, $0x25E00;
	[tilespmem:s0+$0x70] =	vst v0  }
0x1c: {  	[tilespmem:s0+$0x0] =	vst v0  }
0x1d: {  	[tilespmem:s0+$0x10] =	vst v0  }
.Ltmp2:
0x1e: {  	[tilespmem:s0+$0x20] =	vst v0;
	(pc) =	sbr.rel @p0 .LBB2_2-.Ltmp2, $4  }
0x1f: {  	[tilespmem:s0+$0x30] =	vst v0  }
0x20: {  	[tilespmem:s0+$0x40] =	vst v0  }
0x21: {  	[tilespmem:s0+$0x50] =	vst v0  }
0x22: {  	[tilespmem:s0+$0x60] =	vst v0;
	s0 =	sshra.s32 s2, $0x2;
	s2 =	sadd.s32 $0x200, s2  }
0x23: {  	[tilespmem:s0+$0x70] =	vst v0  }
0x24: {  	[tilespmem:s0+$0x0] =	vst v0  }
0x25: {  	[tilespmem:s0+$0x10] =	vst v0  }
0x26: {  	[tilespmem:s0+$0x20] =	vst v0  }
0x27: {  	[tilespmem:s0+$0x30] =	vst v0  }
0x28: {  	[tilespmem:s0+$0x40] =	vst v0  }
0x29: {  	[tilespmem:s0+$0x50] =	vst v0;
	s23 =	rddreg [dreg:$0x4]  }
0x2a: {  	[tilespmem:s0+$0x60] =	vst v0;
	s2 =	simm.s32 $0x2000;
	s5 =	simm.s32 $0x400000;
	s6 =	simm.s32 $0x9800  }
0x2b: {  	[tilespmem:s6], [sflag:$0x1] =	stream.strided.gather [hbm4b:s23+s2], $0x6000, s5, s2, $0x38;
	[tilespmem:$0x16000] =	vst v63  }
0x2c: {  	s25 =	simm.s32 $0x0;
	s24 =	rddreg [dreg:$0x5];
	s26 =	simm.s32 $0x15800  }
0x2d: {  	[tilespmem:s26], [sflag:$0x3] =	stream.linear.gather [hbm4b:s24+s25], $0x400, $0x38;
	[tilespmem:$0x16000] =	vst v63  }
0x2e: {  	s28 =	rddreg [dreg:$0x6];
	s29 =	simm.s32 $0xF800  }
0x2f: {  	[tilespmem:s29], [sflag:$0x2] =	stream.strided.gather [hbm4b:s28+s2], $0x6000, s5, s2, $0x38;
	[tilespmem:$0x16000] =	vst v63  }
0x30: {  	s30 =	rddreg [dreg:$0x7];
	s31 =	simm.s32 $0x15C00  }
0x31: {  	[tilespmem:s31], [sflag:$0x4] =	stream.linear.gather [hbm4b:s30+s25], $0x400, $0x38;
	[tilespmem:$0x16000] =	vst v63  }
.LBB2_4:
0x32: {  	_ =	swait.ge [sflag:s19], $0x6000  }
0x33: {  	[sflag:s19] =	ssyncset.done $0x0  }
0x34: {  	[sflag:s19] =	ssyncadd.s32 $0xFFFFA000  }
0x35: {  	s26 =	simm.s32 $0xFFFFFFFE;
	_ =	swait.ge [sflag:s20], $0x400  }
0x36: {  	s28 =	simm.s32 $0x15800;
	s29 =	simm.s32 $0x0;
	[sflag:s20] =	ssyncset.done $0x0  }
0x37: {  	s30 =	simm.s32 $0x0;
	s31 =	simm.s32 $0x0;
	[sflag:s20] =	ssyncadd.s32 $0xFFFFFC00  }
.LBB2_5:
0x38: {  	s13 =	sand.u32 $0x1C00, s31  }
0x39: {  	s0 =	sand.u32 $0x60, s29;
	s2 =	sadd.s32 $0x9800, s13  }
0x3a: {  	s6 =	sor.u32 s0, s2  }
0x3b: {  	v2 =	vld [tilespmem:s6+$0x0]  }
0x3c: {  	v3 =	vld [tilespmem:s6+$0x80]  }
0x3d: {  	s5 =	sand.u32 $0x3, s30;
	v4 =	vld [tilespmem:s6+$0x100]  }
0x3e: {  	s5 =	sshll.u32 s5, $0x5;
	v5 =	vld [tilespmem:s6+$0x180]  }
0x3f: {  	s5 =	sadd.s32 s5, s31;
	v6 =	vld [tilespmem:s6+$0x200]  }
0x40: {  	s7 =	sor.u32 s31, s29;
	v7 =	vld [tilespmem:s6+$0x280];
	s11 =	sor.u32 $0x300, s5;
	v2 =	vmul.f32 $1.442695020e+00, v2  }
0x41: {  	s12 =	sor.u32 $0x380, s7;
	s15 =	sadd.s32 $0xB800, s13;
	v8 =	vld [tilespmem:s11+$0x9800];
	v3 =	vmul.f32 $1.442695020e+00, v3  }
0x42: {  	s16 =	sadd.s32 $0xB880, s13;
	v29 =	vld [tilespmem:s12+$0x9800];
	s14 =	sor.u32 s0, s15;
	(erf) = vpow2.f32 v2;
	v2 =	vmul.f32 $1.442695020e+00, v4  }
0x43: {  	s17 =	sor.u32 s0, s16;
	v30 =	vld [tilespmem:s14+$0x0];
	s6 =	sadd.s32 $0xB900, s13;
	(erf) = vpow2.f32 v3;
	v3 =	vmul.f32 $1.442695020e+00, v5  }
0x44: {  	s7 =	sadd.s32 $0xB980, s13;
	v31 =	vld [tilespmem:s17+$0x0];
	s8 =	sor.u32 s0, s6;
	(erf) = vpow2.f32 v2;
	v2 =	vmul.f32 $1.442695020e+00, v6  }
0x45: {  	s11 =	sor.u32 s0, s7;
	v32 =	vld [tilespmem:s8+$0x0];
	s8 =	sadd.s32 $0xBA00, s13;
	(erf) = vpow2.f32 v3;
	v3 =	vmul.f32 $1.442695020e+00, v7  }
0x46: {  	v33 =	vld [tilespmem:s11+$0x0];
	s11 =	sadd.s32 $0xBA80, s13;
	s12 =	sor.u32 s0, s8;
	(erf) = vpow2.f32 v2;
	v2 =	vmul.f32 $1.442695020e+00, v8  }
0x47: {  	s17 =	sor.u32 s0, s11;
	v34 =	vld [tilespmem:s12+$0x0];
	s12 =	sadd.s32 $0xBB00, s13;
	(erf) = vpow2.f32 v3;
	v3 =	vmul.f32 $1.442695020e+00, v29  }
0x48: {  	s23 =	sadd.s32 $0xBB80, s13;
	v35 =	vld [tilespmem:s17+$0x0];
	s18 =	sor.u32 s0, s12;
	(erf) = vpow2.f32 v2;
	v2 =	vmul.f32 $1.442695020e+00, v30  }
0x49: {  	s24 =	sor.u32 s0, s23;
	v36 =	vld [tilespmem:s18+$0x0];
	(erf) = vpow2.f32 v3;
	v3 =	vmul.f32 $1.442695020e+00, v31  }
0x4a: {  	v37 =	vld [tilespmem:s24+$0x0];
	(erf) = vpow2.f32 v2;
	v2 =	vmul.f32 $1.442695020e+00, v32  }
0x4b: {  	s24 =	sadd.s32 $0xD800, s13;
	v11 =	vpop (erf);
	(erf) = vpow2.f32 v3;
	v3 =	vmul.f32 $1.442695020e+00, v33  }
0x4c: {  	s17 =	sadd.s32 $0xD880, s13;
	s18 =	sor.u32 s0, s24;
	v12 =	vpop (erf);
	(erf) = vpow2.f32 v2;
	v2 =	vmul.f32 $1.442695020e+00, v34  }
0x4d: {  	s14 =	sor.u32 s0, s17;
	v38 =	vld [tilespmem:s18+$0x0];
	v13 =	vpop (erf);
	(erf) = vpow2.f32 v3;
	v3 =	vmul.f32 $1.442695020e+00, v35  }
0x4e: {  	v39 =	vld [tilespmem:s14+$0x0];
	s18 =	sadd.s32 $0xD900, s13;
	v14 =	vpop (erf);
	(erf) = vpow2.f32 v2;
	v2 =	vmul.f32 $1.442695020e+00, v36  }
0x4f: {  	s13 =	sor.u32 s0, s18;
	v15 =	vpop (erf);
	(erf) = vpow2.f32 v3;
	v3 =	vmul.f32 $1.442695020e+00, v37  }
0x50: {  	v16 =	vpop (erf);
	(erf) = vpow2.f32 v2;
	v2 =	vld [tilespmem:s13+$0x0]  }
0x51: {  	v17 =	vpop (erf);
	(erf) = vpow2.f32 v3  }
0x52: {  	v3 =	vmul.f32 $1.442695020e+00, v38;
	v18 =	vpop (erf)  }
0x53: {  	v40 =	vmul.f32 $1.442695020e+00, v39;
	v19 =	vpop (erf)  }
0x54: {  	(erf) = vpow2.f32 v3;
	v20 =	vpop (erf)  }
0x55: {  	(erf) = vpow2.f32 v40;
	v21 =	vpop (erf);
	v2 =	vmul.f32 $1.442695020e+00, v2  }
0x56: {  	v22 =	vpop (erf)  }
0x57: {  	v10 =	vpop (erf);
	(erf) = vpow2.f32 v2  }
0x58: {  	v42 =	vadd.f32 v16, v15;
	v3 =	vadd.f32 v14, v13;
	v41 =	vpop (erf)  }
0x59: {  	v43 =	vadd.f32 v18, v17;
	v23 =	vadd.f32 v20, v19;
	v9 =	vpop (erf)  }
0x5a: {  	v2 =	vadd.f32 v12, v11;
	v24 =	vadd.f32 v22, v21;
	v44 =	vpop (erf)  }
0x5b: {  	v25 =	vadd.f32 v41, v10;
	v26 =	vadd.f32 v44, v9  }
0x5c: {  	v2 =	vadd.f32 v3, v2;
	v3 =	vadd.f32 v43, v42  }
0x5d: {  	v47 =	vadd.f32 v24, v23;
	v45 =	vpop (erf);
	v48 =	vadd.f32 v26, v25  }
0x5e: {  	v2 =	vadd.f32 v3, v2;
	v46 =	vpop (erf)  }
0x5f: {  	v49 =	vadd.f32 v46, v45;
	v5 =	vadd.f32 v48, v47  }
0x60: {  	v3 =	vpop (erf)  }
0x61: {  	v50 =	vadd.f32 v3, v49;
	v2 =	vadd.f32 v5, v2;
	_ =	sdelay $0x1  }
0x62: {  	v2 =	vadd.f32 v50, v2;
	_ =	sdelay $0x1  }
0x63: {  	(erf) = vrcp.f32 v2;
	_ =	sdelay $0x8  }
0x64: {  	v2 =	vpop (erf)  }
0x65: {  	v51 =	vmul.f32 $1.024000000e+03, v2;
	_ =	sdelay $0x1  }
0x66: {  	v11 =	vmul.f32 v51, v11  }
0x67: {  	v12 =	vmul.f32 v51, v12;
	v13 =	vmul.f32 v51, v13  }
0x68: {  	v14 =	vmul.f32 v51, v14;
	v15 =	vmul.f32 v51, v15  }
0x69: {  	v16 =	vmul.f32 v51, v16;
	v17 =	vmul.f32 v51, v17  }
0x6a: {  	v18 =	vmul.f32 v51, v18;
	v19 =	vmul.f32 v51, v19  }
0x6b: {  	v20 =	vmul.f32 v51, v20;
	v21 =	vmul.f32 v51, v21  }
0x6c: {  	v22 =	vmul.f32 v51, v22;
	v10 =	vmul.f32 v51, v10  }
0x6d: {  	v8 =	vmul.f32 v51, v41;
	v9 =	vmul.f32 v51, v9  }
0x6e: {  	v7 =	vmul.f32 v51, v44;
	v6 =	vmul.f32 v51, v45  }
0x6f: {  	v4 =	vmul.f32 v51, v46;
	v3 =	vmul.f32 v51, v3  }
0x70: {  	v11 =	vtrunc.f32 v11;
	v12 =	vtrunc.f32 v12  }
0x71: {  	v13 =	vtrunc.f32 v13;
	v14 =	vtrunc.f32 v14  }
0x72: {  	v15 =	vtrunc.f32 v15;
	v16 =	vtrunc.f32 v16  }
0x73: {  	v17 =	vtrunc.f32 v17;
	v18 =	vtrunc.f32 v18  }
0x74: {  	v19 =	vtrunc.f32 v19;
	v20 =	vtrunc.f32 v20  }
0x75: {  	v21 =	vtrunc.f32 v21;
	v22 =	vtrunc.f32 v22  }
0x76: {  	v2 =	vld [tilespmem:s28+$0x0];
	v10 =	vtrunc.f32 v10;
	v8 =	vtrunc.f32 v8  }
0x77: {  	v9 =	vtrunc.f32 v9;
	v7 =	vtrunc.f32 v7  }
0x78: {  	v6 =	vtrunc.f32 v6;
	v4 =	vtrunc.f32 v4  }
0x79: {  	v3 =	vtrunc.f32 v3;
	v11 =	vcvt.f32.s32 v11  }
0x7a: {  	v12 =	vcvt.f32.s32 v12;
	v13 =	vcvt.f32.s32 v13  }
0x7b: {  	vm15 =	veq.s32 v2, $0x0;
	v14 =	vcvt.f32.s32 v14;
	v15 =	vcvt.f32.s32 v15  }
0x7c: {  	vm4 =	veq.s32 v2, $0x1;
	v16 =	vcvt.f32.s32 v16;
	v17 =	vcvt.f32.s32 v17  }
0x7d: {  	vm6 =	veq.s32 v2, $0x2;
	v18 =	vcvt.f32.s32 v18;
	v19 =	vcvt.f32.s32 v19  }
0x7e: {  	vm8 =	veq.s32 v2, $0x3;
	v20 =	vcvt.f32.s32 v20;
	v21 =	vcvt.f32.s32 v21  }
0x7f: {  	vm10 =	veq.s32 v2, $0x4;
	v22 =	vcvt.f32.s32 v22;
	v10 =	vcvt.f32.s32 v10  }
0x80: {  	vm12 =	veq.s32 v2, $0x5;
	v8 =	vcvt.f32.s32 v8;
	v9 =	vcvt.f32.s32 v9  }
0x81: {  	vm14 =	veq.s32 v2, $0x6;
	v7 =	vcvt.f32.s32 v7;
	v6 =	vcvt.f32.s32 v6  }
0x82: {  	v4 =	vcvt.f32.s32 v4;
	v3 =	vcvt.f32.s32 v3;
	vm0 =	vlt.s32 v11, $0x3FF  }
0x83: {  	vm1 =	vlt.s32 v12, $0x3FF;
	vm5 =	vlt.s32 v13, $0x3FF;
	vm7 =	vlt.s32 v14, $0x3FF  }
0x84: {  	vm9 =	vlt.s32 v15, $0x3FF;
	vm11 =	vlt.s32 v16, $0x3FF;
	vm13 =	vlt.s32 v17, $0x3FF  }
0x85: {  	vm2 =	vlt.s32 v7, $0x3FF;
	v11 =	vnsel vm0, $0x3FF, v11;
	v12 =	vnsel vm1, $0x3FF, v12  }
0x86: {  	v13 =	vnsel vm5, $0x3FF, v13;
	v14 =	vnsel vm7, $0x3FF, v14;
	v15 =	vnsel vm9, $0x3FF, v15  }
0x87: {  	v16 =	vnsel vm11, $0x3FF, v16;
	v17 =	vnsel vm13, $0x3FF, v17;
	vm5 =	vlt.s32 v19, $0x3FF  }
0x88: {  	vm7 =	vlt.s32 v20, $0x3FF;
	vm9 =	vlt.s32 v21, $0x3FF;
	vm11 =	vlt.s32 v22, $0x3FF  }
0x89: {  	vm13 =	vlt.s32 v10, $0x3FF;
	v7 =	vnsel vm2, $0x3FF, v7;
	v52 =	vxor.u32 $0x3FF, v11  }
0x8a: {  	v53 =	vxor.u32 $0x3FF, v12;
	v12 =	vadd.s32 $0x800, v12;
	v54 =	vxor.u32 $0x3FF, v13  }
0x8b: {  	v13 =	vadd.s32 $0x1000, v13;
	v55 =	vxor.u32 $0x3FF, v14;
	v14 =	vadd.s32 $0x1800, v14  }
0x8c: {  	v57 =	vxor.u32 $0x3FF, v15;
	v15 =	vadd.s32 $0x2000, v15;
	v58 =	vxor.u32 $0x3FF, v16  }
0x8d: {  	v16 =	vadd.s32 $0x2800, v16;
	v59 =	vxor.u32 $0x3FF, v17;
	v17 =	vadd.s32 $0x3000, v17  }
0x8e: {  	v19 =	vnsel vm5, $0x3FF, v19;
	v20 =	vnsel vm7, $0x3FF, v20;
	v21 =	vnsel vm9, $0x3FF, v21  }
0x8f: {  	v22 =	vnsel vm11, $0x3FF, v22;
	v10 =	vnsel vm13, $0x3FF, v10;
	vm5 =	vlt.s32 v9, $0x3FF  }
0x90: {  	v30 =	vxor.u32 $0x3FF, v7;
	vm7 =	veq.s32 v2, $0xF;
	v7 =	vadd.s32 $0x7800, v7  }
0x91: {  	vm9 =	veq.s32 v2, $0x10;
	vm11 =	veq.s32 v2, $0x11;
	vm13 =	veq.s32 v2, $0x12  }
0x92: {  	v23 =	vadd.s32 $0x400, v52;
	v56 =	vadd.s32 $0x1C00, v55;
	v60 =	vadd.s32 $0x3400, v59  }
0x93: {  	v62 =	vxor.u32 $0x3FF, v19;
	v19 =	vadd.s32 $0x4000, v19;
	v63 =	vxor.u32 $0x3FF, v20  }
0x94: {  	v20 =	vadd.s32 $0x4800, v20;
	v25 =	vxor.u32 $0x3FF, v21;
	v21 =	vadd.s32 $0x5000, v21  }
0x95: {  	v26 =	vxor.u32 $0x3FF, v22;
	v22 =	vadd.s32 $0x5800, v22;
	v27 =	vxor.u32 $0x3FF, v10  }
0x96: {  	v10 =	vadd.s32 $0x6000, v10;
	v9 =	vnsel vm5, $0x3FF, v9;
	v11 =	vsel vm15, v23, v11  }
0x97: {  	v23 =	vadd.s32 $0xC00, v53;
	v14 =	vsel vm8, v56, v14;
	vm15 =	vlt.s32 v18, $0x3FF  }
0x98: {  	v17 =	vsel vm14, v60, v17;
	vm8 =	veq.s32 v2, $0x9;
	v24 =	vadd.s32 $0x4C00, v63  }
0x99: {  	vm14 =	veq.s32 v2, $0xC;
	v29 =	vxor.u32 $0x3FF, v9;
	v9 =	vadd.s32 $0x7000, v9  }
0x9a: {  	v12 =	vsel vm4, v23, v12;
	v23 =	vadd.s32 $0x1400, v54;
	v18 =	vnsel vm15, $0x3FF, v18  }
0x9b: {  	vm4 =	veq.s32 v2, $0x7;
	v20 =	vsel vm8, v24, v20;
	vm15 =	vlt.s32 v8, $0x3FF  }
0x9c: {  	v24 =	vadd.s32 $0x7400, v29;
	vm8 =	vlt.s32 v6, $0x3FF;
	v13 =	vsel vm6, v23, v13  }
0x9d: {  	v23 =	vadd.s32 $0x2400, v57;
	v61 =	vxor.u32 $0x3FF, v18;
	v18 =	vadd.s32 $0x3800, v18  }
0x9e: {  	vm6 =	veq.s32 v2, $0x8;
	v15 =	vsel vm10, v23, v15;
	v23 =	vadd.s32 $0x2C00, v58  }
0x9f: {  	v8 =	vnsel vm15, $0x3FF, v8;
	v6 =	vnsel vm8, $0x3FF, v6;
	v16 =	vsel vm12, v23, v16;
	[tilespmem:v11+s4+$0x0] =	vst.idx.add.f32.msk $0xffff, v1  }
0xa0: {  	vm10 =	veq.s32 v2, $0xA;
	v28 =	vxor.u32 $0x3FF, v8;
	v23 =	vadd.s32 $0x3C00, v61;
	[tilespmem:v12+s4+$0x0] =	vst.idx.add.f32.msk $0xffff, v1  }
0xa1: {  	v8 =	vadd.s32 $0x6800, v8;
	v18 =	vsel vm4, v23, v18;
	v23 =	vadd.s32 $0x4400, v62;
	[tilespmem:v13+s4+$0x0] =	vst.idx.add.f32.msk $0xffff, v1  }
0xa2: {  	v32 =	vxor.u32 $0x3FF, v6;
	v6 =	vadd.s32 $0x8000, v6;
	v19 =	vsel vm6, v23, v19;
	[tilespmem:v14+s4+$0x0] =	vst.idx.add.f32.msk $0xffff, v1  }
0xa3: {  	vm12 =	veq.s32 v2, $0xB;
	vm4 =	veq.s32 v2, $0xD;
	v23 =	vadd.s32 $0x5400, v25;
	[tilespmem:v15+s4+$0x0] =	vst.idx.add.f32.msk $0xffff, v1  }
0xa4: {  	v11 =	vadd.s32 $0x7C00, v30;
	v21 =	vsel vm10, v23, v21;
	v23 =	vadd.s32 $0x5C00, v26;
	[tilespmem:v16+s4+$0x0] =	vst.idx.add.f32.msk $0xffff, v1  }
0xa5: {  	vm6 =	veq.s32 v2, $0xE;
	v22 =	vsel vm12, v23, v22;
	v23 =	vadd.s32 $0x6400, v27;
	[tilespmem:v17+s4+$0x0] =	vst.idx.add.f32.msk $0xffff, v1  }
0xa6: {  	v31 =	vsel vm7, v11, v7;
	v10 =	vsel vm14, v23, v10;
	v23 =	vadd.s32 $0x6C00, v28;
	[tilespmem:v18+s4+$0x0] =	vst.idx.add.f32.msk $0xffff, v1  }
0xa7: {  	v7 =	vadd.s32 $0x8400, v32;
	vm10 =	vlt.s32 v4, $0x3FF;
	v8 =	vsel vm4, v23, v8;
	[tilespmem:v19+s4+$0x0] =	vst.idx.add.f32.msk $0xffff, v1  }
0xa8: {  	v9 =	vsel vm6, v24, v9;
	v4 =	vnsel vm10, $0x3FF, v4;
	vm12 =	vlt.s32 v3, $0x3FF;
	[tilespmem:v20+s4+$0x0] =	vst.idx.add.f32.msk $0xffff, v1  }
0xa9: {  	v6 =	vsel vm9, v7, v6;
	v33 =	vxor.u32 $0x3FF, v4;
	v3 =	vnsel vm12, $0x3FF, v3;
	[tilespmem:v21+s4+$0x0] =	vst.idx.add.f32.msk $0xffff, v1  }
0xaa: {  	v4 =	vadd.s32 $0x8800, v4;
	v11 =	vadd.s32 $0x8C00, v33;
	v34 =	vxor.u32 $0x3FF, v3;
	[tilespmem:v22+s4+$0x0] =	vst.idx.add.f32.msk $0xffff, v1  }
0xab: {  	v3 =	vadd.s32 $0x9000, v3;
	v4 =	vsel vm11, v11, v4;
	v2 =	vadd.s32 $0x9400, v34;
	[tilespmem:v10+s4+$0x0] =	vst.idx.add.f32.msk $0xffff, v1  }
0xac: {  	v2 =	vsel vm13, v2, v3;
	[tilespmem:v8+s4+$0x0] =	vst.idx.add.f32.msk $0xffff, v1  }
0xad: {  	[tilespmem:v9+s4+$0x0] =	vst.idx.add.f32.msk $0xffff, v1  }
0xae: {  	[tilespmem:v31+s4+$0x0] =	vst.idx.add.f32.msk $0xffff, v1  }
0xaf: {  	[tilespmem:v6+s4+$0x0] =	vst.idx.add.f32.msk $0xffff, v1  }
0xb0: {  	s0 =	sor.u32 $0x10, s0;
	[tilespmem:v4+s4+$0x0] =	vst.idx.add.f32.msk $0xffff, v1  }
0xb1: {  	s2 =	sor.u32 s0, s2;
	[tilespmem:v2+s4+$0x0] =	vst.idx.add.f32.msk $0xffff, v1  }
0xb2: {  	v2 =	vld [tilespmem:s2+$0x0]  }
0xb3: {  	v3 =	vld [tilespmem:s2+$0x80]  }
0xb4: {  	v4 =	vld [tilespmem:s2+$0x100]  }
0xb5: {  	v5 =	vld [tilespmem:s2+$0x180]  }
0xb6: {  	s5 =	sadd.s32 $0x10, s5;
	v6 =	vld [tilespmem:s2+$0x200]  }
0xb7: {  	s13 =	sor.u32 $0x300, s5;
	v35 =	vld [tilespmem:s2+$0x280];
	v2 =	vmul.f32 $1.442695020e+00, v2  }
0xb8: {  	s14 =	sor.u32 $0x380, s5;
	v8 =	vld [tilespmem:s13+$0x9800];
	v3 =	vmul.f32 $1.442695020e+00, v3  }
0xb9: {  	s15 =	sor.u32 s0, s15;
	v36 =	vld [tilespmem:s14+$0x9800];
	(erf) = vpow2.f32 v2;
	v2 =	vmul.f32 $1.442695020e+00, v4  }
0xba: {  	s5 =	sor.u32 s0, s16;
	v37 =	vld [tilespmem:s15+$0x0];
	(erf) = vpow2.f32 v3;
	v3 =	vmul.f32 $1.442695020e+00, v5  }
0xbb: {  	s6 =	sor.u32 s0, s6;
	v38 =	vld [tilespmem:s5+$0x0];
	(erf) = vpow2.f32 v2;
	v2 =	vmul.f32 $1.442695020e+00, v6  }
0xbc: {  	s7 =	sor.u32 s0, s7;
	v39 =	vld [tilespmem:s6+$0x0];
	(erf) = vpow2.f32 v3;
	v3 =	vmul.f32 $1.442695020e+00, v35  }
0xbd: {  	s8 =	sor.u32 s0, s8;
	v40 =	vld [tilespmem:s7+$0x0];
	(erf) = vpow2.f32 v2;
	v2 =	vmul.f32 $1.442695020e+00, v8  }
0xbe: {  	v41 =	vld [tilespmem:s8+$0x0];
	s13 =	sor.u32 s0, s11;
	(erf) = vpow2.f32 v3;
	v3 =	vmul.f32 $1.442695020e+00, v36  }
0xbf: {  	s14 =	sor.u32 s0, s12;
	v42 =	vld [tilespmem:s13+$0x0];
	(erf) = vpow2.f32 v2;
	v2 =	vmul.f32 $1.442695020e+00, v37  }
0xc0: {  	s15 =	sor.u32 s0, s23;
	v43 =	vld [tilespmem:s14+$0x0];
	(erf) = vpow2.f32 v3;
	v3 =	vmul.f32 $1.442695020e+00, v38  }
0xc1: {  	v44 =	vld [tilespmem:s15+$0x0];
	(erf) = vpow2.f32 v2;
	v2 =	vmul.f32 $1.442695020e+00, v39  }
0xc2: {  	v45 =	vpop (erf);
	(erf) = vpow2.f32 v3;
	v3 =	vmul.f32 $1.442695020e+00, v40  }
0xc3: {  	s16 =	sor.u32 s0, s24;
	v46 =	vpop (erf);
	(erf) = vpow2.f32 v2;
	v2 =	vmul.f32 $1.442695020e+00, v41  }
0xc4: {  	s17 =	sor.u32 s0, s17;
	v47 =	vld [tilespmem:s16+$0x0];
	v48 =	vpop (erf);
	(erf) = vpow2.f32 v3;
	v3 =	vmul.f32 $1.442695020e+00, v42  }
0xc5: {  	v49 =	vld [tilespmem:s17+$0x0];
	v50 =	vpop (erf);
	(erf) = vpow2.f32 v2;
	v2 =	vmul.f32 $1.442695020e+00, v43  }
0xc6: {  	s23 =	sor.u32 s0, s18;
	v51 =	vpop (erf);
	(erf) = vpow2.f32 v3;
	v3 =	vmul.f32 $1.442695020e+00, v44  }
0xc7: {  	v52 =	vpop (erf);
	(erf) = vpow2.f32 v2;
	v2 =	vld [tilespmem:s23+$0x0]  }
0xc8: {  	v53 =	vpop (erf);
	(erf) = vpow2.f32 v3  }
0xc9: {  	v3 =	vmul.f32 $1.442695020e+00, v47;
	v54 =	vpop (erf)  }
0xca: {  	v55 =	vmul.f32 $1.442695020e+00, v49;
	v56 =	vpop (erf)  }
0xcb: {  	(erf) = vpow2.f32 v3;
	v57 =	vpop (erf)  }
0xcc: {  	(erf) = vpow2.f32 v55;
	v58 =	vpop (erf);
	v2 =	vmul.f32 $1.442695020e+00, v2  }
0xcd: {  	v59 =	vpop (erf)  }
0xce: {  	v60 =	vpop (erf);
	(erf) = vpow2.f32 v2  }
0xcf: {  	v63 =	vadd.f32 v52, v51;
	v3 =	vadd.f32 v50, v48;
	v61 =	vpop (erf)  }
0xd0: {  	v28 =	vadd.f32 v54, v53;
	v30 =	vadd.f32 v57, v56;
	v62 =	vpop (erf)  }
0xd1: {  	v2 =	vadd.f32 v46, v45;
	v31 =	vadd.f32 v59, v58;
	v29 =	vpop (erf)  }
0xd2: {  	v32 =	vadd.f32 v61, v60;
	v33 =	vadd.f32 v29, v62  }
0xd3: {  	v4 =	vadd.f32 v28, v63;
	v2 =	vadd.f32 v3, v2  }
0xd4: {  	v35 =	vadd.f32 v31, v30;
	v34 =	vpop (erf);
	v36 =	vadd.f32 v33, v32  }
0xd5: {  	v2 =	vadd.f32 v4, v2;
	v3 =	vpop (erf)  }
0xd6: {  	v37 =	vadd.f32 v3, v34;
	v6 =	vadd.f32 v36, v35  }
0xd7: {  	v38 =	vpop (erf)  }
0xd8: {  	v39 =	vadd.f32 v38, v37;
	v2 =	vadd.f32 v6, v2;
	_ =	sdelay $0x1  }
0xd9: {  	v2 =	vadd.f32 v39, v2;
	_ =	sdelay $0x1  }
0xda: {  	(erf) = vrcp.f32 v2;
	_ =	sdelay $0x8  }
0xdb: {  	v2 =	vpop (erf)  }
0xdc: {  	v40 =	vmul.f32 $1.024000000e+03, v2;
	_ =	sdelay $0x1  }
0xdd: {  	v11 =	vmul.f32 v40, v45;
	v13 =	vmul.f32 v40, v46  }
0xde: {  	v14 =	vmul.f32 v40, v48;
	v15 =	vmul.f32 v40, v50  }
0xdf: {  	v16 =	vmul.f32 v40, v51;
	v17 =	vmul.f32 v40, v52  }
0xe0: {  	v18 =	vmul.f32 v40, v53;
	v19 =	vmul.f32 v40, v54  }
0xe1: {  	v20 =	vmul.f32 v40, v56;
	v21 =	vmul.f32 v40, v57  }
0xe2: {  	v22 =	vmul.f32 v40, v58;
	v12 =	vmul.f32 v40, v59  }
0xe3: {  	v10 =	vmul.f32 v40, v60;
	v8 =	vmul.f32 v40, v61  }
0xe4: {  	v9 =	vmul.f32 v40, v62;
	v7 =	vmul.f32 v40, v29  }
0xe5: {  	v5 =	vmul.f32 v40, v34;
	v3 =	vmul.f32 v40, v3  }
0xe6: {  	v4 =	vmul.f32 v40, v38;
	v11 =	vtrunc.f32 v11  }
0xe7: {  	v13 =	vtrunc.f32 v13;
	v14 =	vtrunc.f32 v14  }
0xe8: {  	v15 =	vtrunc.f32 v15;
	v16 =	vtrunc.f32 v16  }
0xe9: {  	v17 =	vtrunc.f32 v17;
	v18 =	vtrunc.f32 v18  }
0xea: {  	v19 =	vtrunc.f32 v19;
	v20 =	vtrunc.f32 v20  }
0xeb: {  	v21 =	vtrunc.f32 v21;
	v22 =	vtrunc.f32 v22  }
0xec: {  	s24 =	sand.u32 $0x380, s29;
	v12 =	vtrunc.f32 v12;
	v10 =	vtrunc.f32 v10  }
0xed: {  	s0 =	sor.u32 s0, s24;
	v8 =	vtrunc.f32 v8;
	v9 =	vtrunc.f32 v9  }
0xee: {  	v2 =	vld [tilespmem:s0+$0x15800];
	v7 =	vtrunc.f32 v7;
	v5 =	vtrunc.f32 v5  }
0xef: {  	v3 =	vtrunc.f32 v3;
	v4 =	vtrunc.f32 v4  }
0xf0: {  	v11 =	vcvt.f32.s32 v11;
	v13 =	vcvt.f32.s32 v13  }
0xf1: {  	v14 =	vcvt.f32.s32 v14;
	v15 =	vcvt.f32.s32 v15  }
0xf2: {  	v16 =	vcvt.f32.s32 v16;
	v17 =	vcvt.f32.s32 v17  }
0xf3: {  	vm15 =	veq.s32 v2, $0x0;
	v18 =	vcvt.f32.s32 v18;
	v19 =	vcvt.f32.s32 v19  }
0xf4: {  	vm5 =	veq.s32 v2, $0x1;
	v20 =	vcvt.f32.s32 v20;
	v21 =	vcvt.f32.s32 v21  }
0xf5: {  	vm7 =	veq.s32 v2, $0x2;
	v22 =	vcvt.f32.s32 v22;
	v12 =	vcvt.f32.s32 v12  }
0xf6: {  	vm9 =	veq.s32 v2, $0x3;
	v10 =	vcvt.f32.s32 v10;
	v8 =	vcvt.f32.s32 v8  }
0xf7: {  	vm11 =	veq.s32 v2, $0x4;
	v9 =	vcvt.f32.s32 v9;
	v7 =	vcvt.f32.s32 v7  }
0xf8: {  	vm13 =	veq.s32 v2, $0x5;
	v5 =	vcvt.f32.s32 v5;
	v3 =	vcvt.f32.s32 v3  }
0xf9: {  	v4 =	vcvt.f32.s32 v4;
	vm14 =	vlt.s32 v11, $0x3FF;
	vm4 =	vlt.s32 v13, $0x3FF  }
0xfa: {  	vm6 =	vlt.s32 v14, $0x3FF;
	vm8 =	vlt.s32 v15, $0x3FF;
	vm10 =	vlt.s32 v16, $0x3FF  }
0xfb: {  	vm12 =	vlt.s32 v17, $0x3FF;
	v11 =	vnsel vm14, $0x3FF, v11;
	v13 =	vnsel vm4, $0x3FF, v13  }
0xfc: {  	v14 =	vnsel vm6, $0x3FF, v14;
	v15 =	vnsel vm8, $0x3FF, v15;
	v16 =	vnsel vm10, $0x3FF, v16  }
0xfd: {  	v17 =	vnsel vm12, $0x3FF, v17;
	vm14 =	vlt.s32 v18, $0x3FF;
	vm4 =	vlt.s32 v19, $0x3FF  }
0xfe: {  	vm6 =	vlt.s32 v20, $0x3FF;
	vm8 =	vlt.s32 v21, $0x3FF;
	vm10 =	vlt.s32 v22, $0x3FF  }
0xff: {  	vm12 =	vlt.s32 v12, $0x3FF;
	v41 =	vxor.u32 $0x3FF, v11;
	v42 =	vxor.u32 $0x3FF, v13  }
0x100: {  	v13 =	vadd.s32 $0x800, v13;
	v43 =	vxor.u32 $0x3FF, v14;
	v14 =	vadd.s32 $0x1000, v14  }
0x101: {  	v44 =	vxor.u32 $0x3FF, v15;
	v15 =	vadd.s32 $0x1800, v15;
	v46 =	vxor.u32 $0x3FF, v16  }
0x102: {  	v16 =	vadd.s32 $0x2000, v16;
	v47 =	vxor.u32 $0x3FF, v17;
	v17 =	vadd.s32 $0x2800, v17  }
0x103: {  	v18 =	vnsel vm14, $0x3FF, v18;
	v19 =	vnsel vm4, $0x3FF, v19;
	v20 =	vnsel vm6, $0x3FF, v20  }
0x104: {  	v21 =	vnsel vm8, $0x3FF, v21;
	v22 =	vnsel vm10, $0x3FF, v22;
	v12 =	vnsel vm12, $0x3FF, v12  }
0x105: {  	vm14 =	vlt.s32 v10, $0x3FF;
	vm4 =	vlt.s32 v8, $0x3FF;
	vm6 =	vlt.s32 v9, $0x3FF  }
0x106: {  	vm8 =	vlt.s32 v7, $0x3FF;
	vm10 =	vlt.s32 v5, $0x3FF;
	vm12 =	vlt.s32 v3, $0x3FF  }
0x107: {  	v23 =	vadd.s32 $0x400, v41;
	v45 =	vadd.s32 $0x1C00, v44;
	v48 =	vxor.u32 $0x3FF, v18  }
0x108: {  	v18 =	vadd.s32 $0x3000, v18;
	v50 =	vxor.u32 $0x3FF, v19;
	v19 =	vadd.s32 $0x3800, v19  }
0x109: {  	v51 =	vxor.u32 $0x3FF, v20;
	v20 =	vadd.s32 $0x4000, v20;
	v52 =	vxor.u32 $0x3FF, v21  }
0x10a: {  	v21 =	vadd.s32 $0x4800, v21;
	v54 =	vxor.u32 $0x3FF, v22;
	v22 =	vadd.s32 $0x5000, v22  }
0x10b: {  	v55 =	vxor.u32 $0x3FF, v12;
	v12 =	vadd.s32 $0x5800, v12;
	v10 =	vnsel vm14, $0x3FF, v10  }
0x10c: {  	v8 =	vnsel vm4, $0x3FF, v8;
	v9 =	vnsel vm6, $0x3FF, v9;
	v7 =	vnsel vm8, $0x3FF, v7  }
0x10d: {  	v5 =	vnsel vm10, $0x3FF, v5;
	v3 =	vnsel vm12, $0x3FF, v3;
	vm14 =	veq.s32 v2, $0x11  }
0x10e: {  	v11 =	vsel vm15, v23, v11;
	v23 =	vadd.s32 $0xC00, v42;
	v15 =	vsel vm9, v45, v15  }
0x10f: {  	vm15 =	veq.s32 v2, $0x6;
	v49 =	vadd.s32 $0x3400, v48;
	vm9 =	veq.s32 v2, $0x9  }
0x110: {  	v53 =	vadd.s32 $0x4C00, v52;
	v56 =	vxor.u32 $0x3FF, v10;
	v10 =	vadd.s32 $0x6000, v10  }
0x111: {  	v57 =	vxor.u32 $0x3FF, v8;
	v58 =	vxor.u32 $0x3FF, v9;
	v8 =	vadd.s32 $0x6800, v8  }
0x112: {  	v9 =	vadd.s32 $0x7000, v9;
	v13 =	vsel vm5, v23, v13;
	v23 =	vadd.s32 $0x1400, v43  }
0x113: {  	v59 =	vxor.u32 $0x3FF, v7;
	v7 =	vadd.s32 $0x7800, v7;
	v14 =	vsel vm7, v23, v14  }
0x114: {  	v61 =	vxor.u32 $0x3FF, v5;
	v5 =	vadd.s32 $0x8000, v5;
	v23 =	vadd.s32 $0x2400, v46  }
0x115: {  	v62 =	vxor.u32 $0x3FF, v3;
	v16 =	vsel vm11, v23, v16;
	v23 =	vadd.s32 $0x2C00, v47  }
0x116: {  	v3 =	vadd.s32 $0x8800, v3;
	v18 =	vsel vm15, v49, v18;
	v17 =	vsel vm13, v23, v17;
	[tilespmem:v11+s4+$0x0] =	vst.idx.add.f32.msk $0xffff, v1  }
0x117: {  	vm5 =	veq.s32 v2, $0x7;
	v21 =	vsel vm9, v53, v21;
	v23 =	vadd.s32 $0x3C00, v50;
	[tilespmem:v13+s4+$0x0] =	vst.idx.add.f32.msk $0xffff, v1  }
0x118: {  	vm7 =	veq.s32 v2, $0x8;
	v19 =	vsel vm5, v23, v19;
	v23 =	vadd.s32 $0x4400, v51;
	[tilespmem:v14+s4+$0x0] =	vst.idx.add.f32.msk $0xffff, v1  }
0x119: {  	vm15 =	veq.s32 v2, $0xC;
	v24 =	vadd.s32 $0x7400, v58;
	v20 =	vsel vm7, v23, v20;
	[tilespmem:v15+s4+$0x0] =	vst.idx.add.f32.msk $0xffff, v1  }
0x11a: {  	vm9 =	veq.s32 v2, $0xF;
	vm11 =	veq.s32 v2, $0xA;
	v23 =	vadd.s32 $0x5400, v54;
	[tilespmem:v16+s4+$0x0] =	vst.idx.add.f32.msk $0xffff, v1  }
0x11b: {  	vm13 =	veq.s32 v2, $0xB;
	v22 =	vsel vm11, v23, v22;
	v23 =	vadd.s32 $0x5C00, v55;
	[tilespmem:v17+s4+$0x0] =	vst.idx.add.f32.msk $0xffff, v1  }
0x11c: {  	v60 =	vadd.s32 $0x7C00, v59;
	v12 =	vsel vm13, v23, v12;
	v23 =	vadd.s32 $0x6400, v56;
	[tilespmem:v18+s4+$0x0] =	vst.idx.add.f32.msk $0xffff, v1  }
0x11d: {  	vm5 =	veq.s32 v2, $0xD;
	v10 =	vsel vm15, v23, v10;
	v23 =	vadd.s32 $0x6C00, v57;
	[tilespmem:v19+s4+$0x0] =	vst.idx.add.f32.msk $0xffff, v1  }
0x11e: {  	v6 =	vsel vm9, v60, v7;
	vm7 =	veq.s32 v2, $0xE;
	v8 =	vsel vm5, v23, v8;
	[tilespmem:v20+s4+$0x0] =	vst.idx.add.f32.msk $0xffff, v1  }
0x11f: {  	v7 =	vadd.s32 $0x8400, v61;
	v9 =	vsel vm7, v24, v9;
	vm13 =	vlt.s32 v4, $0x3FF;
	[tilespmem:v21+s4+$0x0] =	vst.idx.add.f32.msk $0xffff, v1  }
0x120: {  	v11 =	vadd.s32 $0x8C00, v62;
	vm11 =	veq.s32 v2, $0x10;
	v4 =	vnsel vm13, $0x3FF, v4;
	[tilespmem:v22+s4+$0x0] =	vst.idx.add.f32.msk $0xffff, v1  }
0x121: {  	v3 =	vsel vm14, v11, v3;
	v5 =	vsel vm11, v7, v5;
	v63 =	vxor.u32 $0x3FF, v4;
	[tilespmem:v12+s4+$0x0] =	vst.idx.add.f32.msk $0xffff, v1  }
0x122: {  	s26 =	sadd.s32 $0x2, s26;
	vm15 =	veq.s32 v2, $0x12;
	v4 =	vadd.s32 $0x9000, v4;
	v2 =	vadd.s32 $0x9400, v63;
	[tilespmem:v10+s4+$0x0] =	vst.idx.add.f32.msk $0xffff, v1  }
0x123: {  	p0 =	slt.u32 s26, $0x3E;
	v2 =	vsel vm15, v2, v4;
	[tilespmem:v8+s4+$0x0] =	vst.idx.add.f32.msk $0xffff, v1  }
.Ltmp3:
0x124: {  	[tilespmem:v9+s4+$0x0] =	vst.idx.add.f32.msk $0xffff, v1;
	(pc) =	sbr.rel @p0 .LBB2_5-.Ltmp3, $4  }
0x125: {  	[tilespmem:v6+s4+$0x0] =	vst.idx.add.f32.msk $0xffff, v1  }
0x126: {  	[tilespmem:v5+s4+$0x0] =	vst.idx.add.f32.msk $0xffff, v1  }
0x127: {  	s30 =	sadd.s32 $0x1, s30;
	[tilespmem:v3+s4+$0x0] =	vst.idx.add.f32.msk $0xffff, v1  }
0x128: {  	s31 =	sadd.s32 $0x100, s31;
	s29 =	sadd.s32 $0x20, s29;
	s28 =	sadd.s32 $0x20, s28;
	[tilespmem:v2+s4+$0x0] =	vst.idx.add.f32.msk $0xffff, v1  }
0x129: {  	s26 =	sshll.u32 s25, $0xB;
	p0 =	seq.s32 s25, $0x7  }
0x12a: {  	s0 =	sadd.s32 @!p0 s26, s9;
	s5 =	simm.s32 @!p0 $0x2000;
	s6 =	simm.s32 @!p0 $0x400000  }
0x12b: {  	s7 =	simm.s32 @!p0 $0x9800;
	s2 =	sadd.s32 @!p0 s1, s0;
	s0 =	sshrl.u32 @!p0 s0, $0x3  }
0x12c: {  	[tilespmem:s7], [sflag:$0x1] =	stream.strided.gather @!p0 [hbm4b:s2+s5], $0x6000, s6, s5, $0x38;
	[tilespmem:$0x16000] =	vst v63  }
0x12d: {  	s0 =	sadd.s32 @!p0 s3, s0;
	s2 =	simm.s32 @!p0 $0x0;
	s5 =	simm.s32 @!p0 $0x15800  }
0x12e: {  	[tilespmem:s5], [sflag:$0x3] =	stream.linear.gather @!p0 [hbm4b:s0+s2], $0x400, $0x38;
	[tilespmem:$0x16000] =	vst v63  }
0x12f: {  	_ =	swait.ge [sflag:s21], $0x6000  }
0x130: {  	[sflag:s21] =	ssyncset.done $0x0  }
0x131: {  	[sflag:s21] =	ssyncadd.s32 $0xFFFFA000  }
0x132: {  	s28 =	simm.s32 $0xFFFFFFFE;
	_ =	swait.ge [sflag:s22], $0x400  }
0x133: {  	s29 =	simm.s32 $0x0;
	s30 =	simm.s32 $0x15C00;
	[sflag:s22] =	ssyncset.done $0x0  }
0x134: {  	s31 =	simm.s32 $0x0;
	s2 =	simm.s32 $0x0;
	[sflag:s22] =	ssyncadd.s32 $0xFFFFFC00  }
.LBB2_7:
0x135: {  	s13 =	sand.u32 $0x1C00, s2  }
0x136: {  	s15 =	sand.u32 $0x60, s29;
	s0 =	sadd.s32 $0xF800, s13  }
0x137: {  	s5 =	sor.u32 s15, s0  }
0x138: {  	v2 =	vld [tilespmem:s5+$0x0]  }
0x139: {  	v3 =	vld [tilespmem:s5+$0x80]  }
0x13a: {  	s6 =	sand.u32 $0x3, s31;
	v4 =	vld [tilespmem:s5+$0x100]  }
0x13b: {  	s6 =	sshll.u32 s6, $0x5;
	v5 =	vld [tilespmem:s5+$0x180]  }
0x13c: {  	s6 =	sadd.s32 s6, s2;
	v6 =	vld [tilespmem:s5+$0x200]  }
0x13d: {  	s7 =	sor.u32 s2, s29;
	v7 =	vld [tilespmem:s5+$0x280];
	s17 =	sor.u32 $0x300, s6;
	v2 =	vmul.f32 $1.442695020e+00, v2  }
0x13e: {  	s18 =	sor.u32 $0x380, s7;
	s16 =	sadd.s32 $0x11800, s13;
	v8 =	vld [tilespmem:s17+$0xF800];
	v3 =	vmul.f32 $1.442695020e+00, v3  }
0x13f: {  	v29 =	vld [tilespmem:s18+$0xF800];
	s23 =	sor.u32 s15, s16;
	s5 =	sadd.s32 $0x11880, s13;
	(erf) = vpow2.f32 v2;
	v2 =	vmul.f32 $1.442695020e+00, v4  }
0x140: {  	s7 =	sadd.s32 $0x11900, s13;
	v30 =	vld [tilespmem:s23+$0x0];
	s8 =	sor.u32 s15, s5;
	(erf) = vpow2.f32 v3;
	v3 =	vmul.f32 $1.442695020e+00, v5  }
0x141: {  	s11 =	sor.u32 s15, s7;
	v31 =	vld [tilespmem:s8+$0x0];
	s8 =	sadd.s32 $0x11980, s13;
	(erf) = vpow2.f32 v2;
	v2 =	vmul.f32 $1.442695020e+00, v6  }
0x142: {  	v32 =	vld [tilespmem:s11+$0x0];
	s11 =	sadd.s32 $0x11A00, s13;
	s12 =	sor.u32 s15, s8;
	(erf) = vpow2.f32 v3;
	v3 =	vmul.f32 $1.442695020e+00, v7  }
0x143: {  	s17 =	sor.u32 s15, s11;
	v33 =	vld [tilespmem:s12+$0x0];
	s12 =	sadd.s32 $0x11A80, s13;
	(erf) = vpow2.f32 v2;
	v2 =	vmul.f32 $1.442695020e+00, v8  }
0x144: {  	s23 =	sadd.s32 $0x11B00, s13;
	v34 =	vld [tilespmem:s17+$0x0];
	s24 =	sor.u32 s15, s12;
	(erf) = vpow2.f32 v3;
	v3 =	vmul.f32 $1.442695020e+00, v29  }
0x145: {  	s14 =	sor.u32 s15, s23;
	v35 =	vld [tilespmem:s24+$0x0];
	s24 =	sadd.s32 $0x11B80, s13;
	(erf) = vpow2.f32 v2;
	v2 =	vmul.f32 $1.442695020e+00, v30  }
0x146: {  	v36 =	vld [tilespmem:s14+$0x0];
	s18 =	sor.u32 s15, s24;
	(erf) = vpow2.f32 v3;
	v3 =	vmul.f32 $1.442695020e+00, v31  }
0x147: {  	v37 =	vld [tilespmem:s18+$0x0];
	(erf) = vpow2.f32 v2;
	v2 =	vmul.f32 $1.442695020e+00, v32  }
0x148: {  	s17 =	sadd.s32 $0x13800, s13;
	v11 =	vpop (erf);
	(erf) = vpow2.f32 v3;
	v3 =	vmul.f32 $1.442695020e+00, v33  }
0x149: {  	s14 =	sor.u32 s15, s17;
	s18 =	sadd.s32 $0x13880, s13;
	v12 =	vpop (erf);
	(erf) = vpow2.f32 v2;
	v2 =	vmul.f32 $1.442695020e+00, v34  }
0x14a: {  	v38 =	vld [tilespmem:s14+$0x0];
	s14 =	sor.u32 s15, s18;
	v13 =	vpop (erf);
	(erf) = vpow2.f32 v3;
	v3 =	vmul.f32 $1.442695020e+00, v35  }
0x14b: {  	s13 =	sadd.s32 $0x13900, s13;
	v39 =	vld [tilespmem:s14+$0x0];
	v14 =	vpop (erf);
	(erf) = vpow2.f32 v2;
	v2 =	vmul.f32 $1.442695020e+00, v36  }
0x14c: {  	s14 =	sor.u32 s15, s13;
	v15 =	vpop (erf);
	(erf) = vpow2.f32 v3;
	v3 =	vmul.f32 $1.442695020e+00, v37  }
0x14d: {  	v16 =	vpop (erf);
	(erf) = vpow2.f32 v2;
	v2 =	vld [tilespmem:s14+$0x0]  }
0x14e: {  	v17 =	vpop (erf);
	(erf) = vpow2.f32 v3  }
0x14f: {  	v3 =	vmul.f32 $1.442695020e+00, v38;
	v18 =	vpop (erf)  }
0x150: {  	v40 =	vmul.f32 $1.442695020e+00, v39;
	v19 =	vpop (erf)  }
0x151: {  	(erf) = vpow2.f32 v3;
	v20 =	vpop (erf)  }
0x152: {  	(erf) = vpow2.f32 v40;
	v21 =	vpop (erf);
	v2 =	vmul.f32 $1.442695020e+00, v2  }
0x153: {  	v22 =	vpop (erf)  }
0x154: {  	v10 =	vpop (erf);
	(erf) = vpow2.f32 v2  }
0x155: {  	v42 =	vadd.f32 v16, v15;
	v3 =	vadd.f32 v14, v13;
	v41 =	vpop (erf)  }
0x156: {  	v43 =	vadd.f32 v18, v17;
	v23 =	vadd.f32 v20, v19;
	v9 =	vpop (erf)  }
0x157: {  	v2 =	vadd.f32 v12, v11;
	v24 =	vadd.f32 v22, v21;
	v44 =	vpop (erf)  }
0x158: {  	v25 =	vadd.f32 v41, v10;
	v26 =	vadd.f32 v44, v9  }
0x159: {  	v2 =	vadd.f32 v3, v2;
	v3 =	vadd.f32 v43, v42  }
0x15a: {  	v47 =	vadd.f32 v24, v23;
	v45 =	vpop (erf);
	v48 =	vadd.f32 v26, v25  }
0x15b: {  	v2 =	vadd.f32 v3, v2;
	v46 =	vpop (erf)  }
0x15c: {  	v49 =	vadd.f32 v46, v45;
	v5 =	vadd.f32 v48, v47  }
0x15d: {  	v3 =	vpop (erf)  }
0x15e: {  	v50 =	vadd.f32 v3, v49;
	v2 =	vadd.f32 v5, v2;
	_ =	sdelay $0x1  }
0x15f: {  	v2 =	vadd.f32 v50, v2;
	_ =	sdelay $0x1  }
0x160: {  	(erf) = vrcp.f32 v2;
	_ =	sdelay $0x8  }
0x161: {  	v2 =	vpop (erf)  }
0x162: {  	v51 =	vmul.f32 $1.024000000e+03, v2;
	_ =	sdelay $0x1  }
0x163: {  	v11 =	vmul.f32 v51, v11  }
0x164: {  	v12 =	vmul.f32 v51, v12;
	v13 =	vmul.f32 v51, v13  }
0x165: {  	v14 =	vmul.f32 v51, v14;
	v15 =	vmul.f32 v51, v15  }
0x166: {  	v16 =	vmul.f32 v51, v16;
	v17 =	vmul.f32 v51, v17  }
0x167: {  	v18 =	vmul.f32 v51, v18;
	v19 =	vmul.f32 v51, v19  }
0x168: {  	v20 =	vmul.f32 v51, v20;
	v21 =	vmul.f32 v51, v21  }
0x169: {  	v22 =	vmul.f32 v51, v22;
	v10 =	vmul.f32 v51, v10  }
0x16a: {  	v8 =	vmul.f32 v51, v41;
	v9 =	vmul.f32 v51, v9  }
0x16b: {  	v7 =	vmul.f32 v51, v44;
	v6 =	vmul.f32 v51, v45  }
0x16c: {  	v4 =	vmul.f32 v51, v46;
	v3 =	vmul.f32 v51, v3  }
0x16d: {  	v11 =	vtrunc.f32 v11;
	v12 =	vtrunc.f32 v12  }
0x16e: {  	v13 =	vtrunc.f32 v13;
	v14 =	vtrunc.f32 v14  }
0x16f: {  	v15 =	vtrunc.f32 v15;
	v16 =	vtrunc.f32 v16  }
0x170: {  	v17 =	vtrunc.f32 v17;
	v18 =	vtrunc.f32 v18  }
0x171: {  	v19 =	vtrunc.f32 v19;
	v20 =	vtrunc.f32 v20  }
0x172: {  	v21 =	vtrunc.f32 v21;
	v22 =	vtrunc.f32 v22  }
0x173: {  	v2 =	vld [tilespmem:s30+$0x0];
	v10 =	vtrunc.f32 v10;
	v8 =	vtrunc.f32 v8  }
0x174: {  	v9 =	vtrunc.f32 v9;
	v7 =	vtrunc.f32 v7  }
0x175: {  	v6 =	vtrunc.f32 v6;
	v4 =	vtrunc.f32 v4  }
0x176: {  	v3 =	vtrunc.f32 v3;
	v11 =	vcvt.f32.s32 v11  }
0x177: {  	v12 =	vcvt.f32.s32 v12;
	v13 =	vcvt.f32.s32 v13  }
0x178: {  	vm15 =	veq.s32 v2, $0x0;
	v14 =	vcvt.f32.s32 v14;
	v15 =	vcvt.f32.s32 v15  }
0x179: {  	vm4 =	veq.s32 v2, $0x1;
	v16 =	vcvt.f32.s32 v16;
	v17 =	vcvt.f32.s32 v17  }
0x17a: {  	vm6 =	veq.s32 v2, $0x2;
	v18 =	vcvt.f32.s32 v18;
	v19 =	vcvt.f32.s32 v19  }
0x17b: {  	vm8 =	veq.s32 v2, $0x3;
	v20 =	vcvt.f32.s32 v20;
	v21 =	vcvt.f32.s32 v21  }
0x17c: {  	vm10 =	veq.s32 v2, $0x4;
	v22 =	vcvt.f32.s32 v22;
	v10 =	vcvt.f32.s32 v10  }
0x17d: {  	vm12 =	veq.s32 v2, $0x5;
	v8 =	vcvt.f32.s32 v8;
	v9 =	vcvt.f32.s32 v9  }
0x17e: {  	vm14 =	veq.s32 v2, $0x6;
	v7 =	vcvt.f32.s32 v7;
	v6 =	vcvt.f32.s32 v6  }
0x17f: {  	v4 =	vcvt.f32.s32 v4;
	v3 =	vcvt.f32.s32 v3;
	vm0 =	vlt.s32 v11, $0x3FF  }
0x180: {  	vm1 =	vlt.s32 v12, $0x3FF;
	vm5 =	vlt.s32 v13, $0x3FF;
	vm7 =	vlt.s32 v14, $0x3FF  }
0x181: {  	vm9 =	vlt.s32 v15, $0x3FF;
	vm11 =	vlt.s32 v16, $0x3FF;
	vm13 =	vlt.s32 v17, $0x3FF  }
0x182: {  	vm2 =	vlt.s32 v7, $0x3FF;
	v11 =	vnsel vm0, $0x3FF, v11;
	v12 =	vnsel vm1, $0x3FF, v12  }
0x183: {  	v13 =	vnsel vm5, $0x3FF, v13;
	v14 =	vnsel vm7, $0x3FF, v14;
	v15 =	vnsel vm9, $0x3FF, v15  }
0x184: {  	v16 =	vnsel vm11, $0x3FF, v16;
	v17 =	vnsel vm13, $0x3FF, v17;
	vm5 =	vlt.s32 v19, $0x3FF  }
0x185: {  	vm7 =	vlt.s32 v20, $0x3FF;
	vm9 =	vlt.s32 v21, $0x3FF;
	vm11 =	vlt.s32 v22, $0x3FF  }
0x186: {  	vm13 =	vlt.s32 v10, $0x3FF;
	v7 =	vnsel vm2, $0x3FF, v7;
	v52 =	vxor.u32 $0x3FF, v11  }
0x187: {  	v53 =	vxor.u32 $0x3FF, v12;
	v12 =	vadd.s32 $0x800, v12;
	v54 =	vxor.u32 $0x3FF, v13  }
0x188: {  	v13 =	vadd.s32 $0x1000, v13;
	v55 =	vxor.u32 $0x3FF, v14;
	v14 =	vadd.s32 $0x1800, v14  }
0x189: {  	v57 =	vxor.u32 $0x3FF, v15;
	v15 =	vadd.s32 $0x2000, v15;
	v58 =	vxor.u32 $0x3FF, v16  }
0x18a: {  	v16 =	vadd.s32 $0x2800, v16;
	v59 =	vxor.u32 $0x3FF, v17;
	v17 =	vadd.s32 $0x3000, v17  }
0x18b: {  	v19 =	vnsel vm5, $0x3FF, v19;
	v20 =	vnsel vm7, $0x3FF, v20;
	v21 =	vnsel vm9, $0x3FF, v21  }
0x18c: {  	v22 =	vnsel vm11, $0x3FF, v22;
	v10 =	vnsel vm13, $0x3FF, v10;
	vm5 =	vlt.s32 v9, $0x3FF  }
0x18d: {  	v30 =	vxor.u32 $0x3FF, v7;
	vm7 =	veq.s32 v2, $0xF;
	v7 =	vadd.s32 $0x7800, v7  }
0x18e: {  	vm9 =	veq.s32 v2, $0x10;
	vm11 =	veq.s32 v2, $0x11;
	vm13 =	veq.s32 v2, $0x12  }
0x18f: {  	v23 =	vadd.s32 $0x400, v52;
	v56 =	vadd.s32 $0x1C00, v55;
	v60 =	vadd.s32 $0x3400, v59  }
0x190: {  	v62 =	vxor.u32 $0x3FF, v19;
	v19 =	vadd.s32 $0x4000, v19;
	v63 =	vxor.u32 $0x3FF, v20  }
0x191: {  	v20 =	vadd.s32 $0x4800, v20;
	v25 =	vxor.u32 $0x3FF, v21;
	v21 =	vadd.s32 $0x5000, v21  }
0x192: {  	v26 =	vxor.u32 $0x3FF, v22;
	v22 =	vadd.s32 $0x5800, v22;
	v27 =	vxor.u32 $0x3FF, v10  }
0x193: {  	v10 =	vadd.s32 $0x6000, v10;
	v9 =	vnsel vm5, $0x3FF, v9;
	v11 =	vsel vm15, v23, v11  }
0x194: {  	v23 =	vadd.s32 $0xC00, v53;
	v14 =	vsel vm8, v56, v14;
	vm15 =	vlt.s32 v18, $0x3FF  }
0x195: {  	v17 =	vsel vm14, v60, v17;
	vm8 =	veq.s32 v2, $0x9;
	v24 =	vadd.s32 $0x4C00, v63  }
0x196: {  	vm14 =	veq.s32 v2, $0xC;
	v29 =	vxor.u32 $0x3FF, v9;
	v9 =	vadd.s32 $0x7000, v9  }
0x197: {  	v12 =	vsel vm4, v23, v12;
	v23 =	vadd.s32 $0x1400, v54;
	v18 =	vnsel vm15, $0x3FF, v18  }
0x198: {  	vm4 =	veq.s32 v2, $0x7;
	v20 =	vsel vm8, v24, v20;
	vm15 =	vlt.s32 v8, $0x3FF  }
0x199: {  	v24 =	vadd.s32 $0x7400, v29;
	vm8 =	vlt.s32 v6, $0x3FF;
	v13 =	vsel vm6, v23, v13  }
0x19a: {  	v23 =	vadd.s32 $0x2400, v57;
	v61 =	vxor.u32 $0x3FF, v18;
	v18 =	vadd.s32 $0x3800, v18  }
0x19b: {  	vm6 =	veq.s32 v2, $0x8;
	v15 =	vsel vm10, v23, v15;
	v23 =	vadd.s32 $0x2C00, v58  }
0x19c: {  	v8 =	vnsel vm15, $0x3FF, v8;
	v6 =	vnsel vm8, $0x3FF, v6;
	v16 =	vsel vm12, v23, v16;
	[tilespmem:v11+s4+$0x0] =	vst.idx.add.f32.msk $0xffff, v1  }
0x19d: {  	vm10 =	veq.s32 v2, $0xA;
	v28 =	vxor.u32 $0x3FF, v8;
	v23 =	vadd.s32 $0x3C00, v61;
	[tilespmem:v12+s4+$0x0] =	vst.idx.add.f32.msk $0xffff, v1  }
0x19e: {  	v8 =	vadd.s32 $0x6800, v8;
	v18 =	vsel vm4, v23, v18;
	v23 =	vadd.s32 $0x4400, v62;
	[tilespmem:v13+s4+$0x0] =	vst.idx.add.f32.msk $0xffff, v1  }
0x19f: {  	v32 =	vxor.u32 $0x3FF, v6;
	v6 =	vadd.s32 $0x8000, v6;
	v19 =	vsel vm6, v23, v19;
	[tilespmem:v14+s4+$0x0] =	vst.idx.add.f32.msk $0xffff, v1  }
0x1a0: {  	vm12 =	veq.s32 v2, $0xB;
	vm4 =	veq.s32 v2, $0xD;
	v23 =	vadd.s32 $0x5400, v25;
	[tilespmem:v15+s4+$0x0] =	vst.idx.add.f32.msk $0xffff, v1  }
0x1a1: {  	v11 =	vadd.s32 $0x7C00, v30;
	v21 =	vsel vm10, v23, v21;
	v23 =	vadd.s32 $0x5C00, v26;
	[tilespmem:v16+s4+$0x0] =	vst.idx.add.f32.msk $0xffff, v1  }
0x1a2: {  	vm6 =	veq.s32 v2, $0xE;
	v22 =	vsel vm12, v23, v22;
	v23 =	vadd.s32 $0x6400, v27;
	[tilespmem:v17+s4+$0x0] =	vst.idx.add.f32.msk $0xffff, v1  }
0x1a3: {  	v31 =	vsel vm7, v11, v7;
	v10 =	vsel vm14, v23, v10;
	v23 =	vadd.s32 $0x6C00, v28;
	[tilespmem:v18+s4+$0x0] =	vst.idx.add.f32.msk $0xffff, v1  }
0x1a4: {  	v7 =	vadd.s32 $0x8400, v32;
	vm10 =	vlt.s32 v4, $0x3FF;
	v8 =	vsel vm4, v23, v8;
	[tilespmem:v19+s4+$0x0] =	vst.idx.add.f32.msk $0xffff, v1  }
0x1a5: {  	v9 =	vsel vm6, v24, v9;
	v4 =	vnsel vm10, $0x3FF, v4;
	vm12 =	vlt.s32 v3, $0x3FF;
	[tilespmem:v20+s4+$0x0] =	vst.idx.add.f32.msk $0xffff, v1  }
0x1a6: {  	v6 =	vsel vm9, v7, v6;
	v33 =	vxor.u32 $0x3FF, v4;
	v3 =	vnsel vm12, $0x3FF, v3;
	[tilespmem:v21+s4+$0x0] =	vst.idx.add.f32.msk $0xffff, v1  }
0x1a7: {  	v4 =	vadd.s32 $0x8800, v4;
	v11 =	vadd.s32 $0x8C00, v33;
	v34 =	vxor.u32 $0x3FF, v3;
	[tilespmem:v22+s4+$0x0] =	vst.idx.add.f32.msk $0xffff, v1  }
0x1a8: {  	v3 =	vadd.s32 $0x9000, v3;
	v4 =	vsel vm11, v11, v4;
	v2 =	vadd.s32 $0x9400, v34;
	[tilespmem:v10+s4+$0x0] =	vst.idx.add.f32.msk $0xffff, v1  }
0x1a9: {  	v2 =	vsel vm13, v2, v3;
	[tilespmem:v8+s4+$0x0] =	vst.idx.add.f32.msk $0xffff, v1  }
0x1aa: {  	[tilespmem:v9+s4+$0x0] =	vst.idx.add.f32.msk $0xffff, v1  }
0x1ab: {  	[tilespmem:v31+s4+$0x0] =	vst.idx.add.f32.msk $0xffff, v1  }
0x1ac: {  	[tilespmem:v6+s4+$0x0] =	vst.idx.add.f32.msk $0xffff, v1  }
0x1ad: {  	s15 =	sor.u32 $0x10, s15;
	[tilespmem:v4+s4+$0x0] =	vst.idx.add.f32.msk $0xffff, v1  }
0x1ae: {  	s0 =	sor.u32 s15, s0;
	[tilespmem:v2+s4+$0x0] =	vst.idx.add.f32.msk $0xffff, v1  }
0x1af: {  	v2 =	vld [tilespmem:s0+$0x0]  }
0x1b0: {  	v3 =	vld [tilespmem:s0+$0x80]  }
0x1b1: {  	v4 =	vld [tilespmem:s0+$0x100]  }
0x1b2: {  	v5 =	vld [tilespmem:s0+$0x180]  }
0x1b3: {  	s6 =	sadd.s32 $0x10, s6;
	v6 =	vld [tilespmem:s0+$0x200]  }
0x1b4: {  	s14 =	sor.u32 $0x300, s6;
	v35 =	vld [tilespmem:s0+$0x280];
	v2 =	vmul.f32 $1.442695020e+00, v2  }
0x1b5: {  	v8 =	vld [tilespmem:s14+$0xF800];
	s14 =	sor.u32 $0x380, s6;
	v3 =	vmul.f32 $1.442695020e+00, v3  }
0x1b6: {  	s16 =	sor.u32 s15, s16;
	v36 =	vld [tilespmem:s14+$0xF800];
	(erf) = vpow2.f32 v2;
	v2 =	vmul.f32 $1.442695020e+00, v4  }
0x1b7: {  	v37 =	vld [tilespmem:s16+$0x0];
	s6 =	sor.u32 s15, s5;
	(erf) = vpow2.f32 v3;
	v3 =	vmul.f32 $1.442695020e+00, v5  }
0x1b8: {  	s7 =	sor.u32 s15, s7;
	v38 =	vld [tilespmem:s6+$0x0];
	(erf) = vpow2.f32 v2;
	v2 =	vmul.f32 $1.442695020e+00, v6  }
0x1b9: {  	s8 =	sor.u32 s15, s8;
	v39 =	vld [tilespmem:s7+$0x0];
	(erf) = vpow2.f32 v3;
	v3 =	vmul.f32 $1.442695020e+00, v35  }
0x1ba: {  	s11 =	sor.u32 s15, s11;
	v40 =	vld [tilespmem:s8+$0x0];
	(erf) = vpow2.f32 v2;
	v2 =	vmul.f32 $1.442695020e+00, v8  }
0x1bb: {  	s12 =	sor.u32 s15, s12;
	v41 =	vld [tilespmem:s11+$0x0];
	(erf) = vpow2.f32 v3;
	v3 =	vmul.f32 $1.442695020e+00, v36  }
0x1bc: {  	v42 =	vld [tilespmem:s12+$0x0];
	s14 =	sor.u32 s15, s23;
	(erf) = vpow2.f32 v2;
	v2 =	vmul.f32 $1.442695020e+00, v37  }
0x1bd: {  	s16 =	sor.u32 s15, s24;
	v43 =	vld [tilespmem:s14+$0x0];
	(erf) = vpow2.f32 v3;
	v3 =	vmul.f32 $1.442695020e+00, v38  }
0x1be: {  	v44 =	vld [tilespmem:s16+$0x0];
	(erf) = vpow2.f32 v2;
	v2 =	vmul.f32 $1.442695020e+00, v39  }
0x1bf: {  	v45 =	vpop (erf);
	(erf) = vpow2.f32 v3;
	v3 =	vmul.f32 $1.442695020e+00, v40  }
0x1c0: {  	s17 =	sor.u32 s15, s17;
	v46 =	vpop (erf);
	(erf) = vpow2.f32 v2;
	v2 =	vmul.f32 $1.442695020e+00, v41  }
0x1c1: {  	s18 =	sor.u32 s15, s18;
	v47 =	vld [tilespmem:s17+$0x0];
	v48 =	vpop (erf);
	(erf) = vpow2.f32 v3;
	v3 =	vmul.f32 $1.442695020e+00, v42  }
0x1c2: {  	v49 =	vld [tilespmem:s18+$0x0];
	v50 =	vpop (erf);
	(erf) = vpow2.f32 v2;
	v2 =	vmul.f32 $1.442695020e+00, v43  }
0x1c3: {  	s23 =	sor.u32 s15, s13;
	v51 =	vpop (erf);
	(erf) = vpow2.f32 v3;
	v3 =	vmul.f32 $1.442695020e+00, v44  }
0x1c4: {  	v52 =	vpop (erf);
	(erf) = vpow2.f32 v2;
	v2 =	vld [tilespmem:s23+$0x0]  }
0x1c5: {  	v53 =	vpop (erf);
	(erf) = vpow2.f32 v3  }
0x1c6: {  	v3 =	vmul.f32 $1.442695020e+00, v47;
	v54 =	vpop (erf)  }
0x1c7: {  	v55 =	vmul.f32 $1.442695020e+00, v49;
	v56 =	vpop (erf)  }
0x1c8: {  	(erf) = vpow2.f32 v3;
	v57 =	vpop (erf)  }
0x1c9: {  	(erf) = vpow2.f32 v55;
	v58 =	vpop (erf);
	v2 =	vmul.f32 $1.442695020e+00, v2  }
0x1ca: {  	v59 =	vpop (erf)  }
0x1cb: {  	v60 =	vpop (erf);
	(erf) = vpow2.f32 v2  }
0x1cc: {  	v63 =	vadd.f32 v52, v51;
	v3 =	vadd.f32 v50, v48;
	v61 =	vpop (erf)  }
0x1cd: {  	v28 =	vadd.f32 v54, v53;
	v30 =	vadd.f32 v57, v56;
	v62 =	vpop (erf)  }
0x1ce: {  	v2 =	vadd.f32 v46, v45;
	v31 =	vadd.f32 v59, v58;
	v29 =	vpop (erf)  }
0x1cf: {  	v32 =	vadd.f32 v61, v60;
	v33 =	vadd.f32 v29, v62  }
0x1d0: {  	v4 =	vadd.f32 v28, v63;
	v2 =	vadd.f32 v3, v2  }
0x1d1: {  	v35 =	vadd.f32 v31, v30;
	v34 =	vpop (erf);
	v36 =	vadd.f32 v33, v32  }
0x1d2: {  	v2 =	vadd.f32 v4, v2;
	v3 =	vpop (erf)  }
0x1d3: {  	v37 =	vadd.f32 v3, v34;
	v6 =	vadd.f32 v36, v35  }
0x1d4: {  	v38 =	vpop (erf)  }
0x1d5: {  	v39 =	vadd.f32 v38, v37;
	v2 =	vadd.f32 v6, v2;
	_ =	sdelay $0x1  }
0x1d6: {  	v2 =	vadd.f32 v39, v2;
	_ =	sdelay $0x1  }
0x1d7: {  	(erf) = vrcp.f32 v2;
	_ =	sdelay $0x8  }
0x1d8: {  	v2 =	vpop (erf)  }
0x1d9: {  	v40 =	vmul.f32 $1.024000000e+03, v2;
	_ =	sdelay $0x1  }
0x1da: {  	v11 =	vmul.f32 v40, v45;
	v13 =	vmul.f32 v40, v46  }
0x1db: {  	v14 =	vmul.f32 v40, v48;
	v15 =	vmul.f32 v40, v50  }
0x1dc: {  	v16 =	vmul.f32 v40, v51;
	v17 =	vmul.f32 v40, v52  }
0x1dd: {  	v18 =	vmul.f32 v40, v53;
	v19 =	vmul.f32 v40, v54  }
0x1de: {  	v20 =	vmul.f32 v40, v56;
	v21 =	vmul.f32 v40, v57  }
0x1df: {  	v22 =	vmul.f32 v40, v58;
	v12 =	vmul.f32 v40, v59  }
0x1e0: {  	v10 =	vmul.f32 v40, v60;
	v8 =	vmul.f32 v40, v61  }
0x1e1: {  	v9 =	vmul.f32 v40, v62;
	v7 =	vmul.f32 v40, v29  }
0x1e2: {  	v5 =	vmul.f32 v40, v34;
	v3 =	vmul.f32 v40, v3  }
0x1e3: {  	v4 =	vmul.f32 v40, v38;
	v11 =	vtrunc.f32 v11  }
0x1e4: {  	v13 =	vtrunc.f32 v13;
	v14 =	vtrunc.f32 v14  }
0x1e5: {  	v15 =	vtrunc.f32 v15;
	v16 =	vtrunc.f32 v16  }
0x1e6: {  	v17 =	vtrunc.f32 v17;
	v18 =	vtrunc.f32 v18  }
0x1e7: {  	v19 =	vtrunc.f32 v19;
	v20 =	vtrunc.f32 v20  }
0x1e8: {  	v21 =	vtrunc.f32 v21;
	v22 =	vtrunc.f32 v22  }
0x1e9: {  	s24 =	sand.u32 $0x380, s29;
	v12 =	vtrunc.f32 v12;
	v10 =	vtrunc.f32 v10  }
0x1ea: {  	s0 =	sor.u32 s15, s24;
	v8 =	vtrunc.f32 v8;
	v9 =	vtrunc.f32 v9  }
0x1eb: {  	v2 =	vld [tilespmem:s0+$0x15C00];
	v7 =	vtrunc.f32 v7;
	v5 =	vtrunc.f32 v5  }
0x1ec: {  	v3 =	vtrunc.f32 v3;
	v4 =	vtrunc.f32 v4  }
0x1ed: {  	v11 =	vcvt.f32.s32 v11;
	v13 =	vcvt.f32.s32 v13  }
0x1ee: {  	v14 =	vcvt.f32.s32 v14;
	v15 =	vcvt.f32.s32 v15  }
0x1ef: {  	v16 =	vcvt.f32.s32 v16;
	v17 =	vcvt.f32.s32 v17  }
0x1f0: {  	vm15 =	veq.s32 v2, $0x0;
	v18 =	vcvt.f32.s32 v18;
	v19 =	vcvt.f32.s32 v19  }
0x1f1: {  	vm5 =	veq.s32 v2, $0x1;
	v20 =	vcvt.f32.s32 v20;
	v21 =	vcvt.f32.s32 v21  }
0x1f2: {  	vm7 =	veq.s32 v2, $0x2;
	v22 =	vcvt.f32.s32 v22;
	v12 =	vcvt.f32.s32 v12  }
0x1f3: {  	vm9 =	veq.s32 v2, $0x3;
	v10 =	vcvt.f32.s32 v10;
	v8 =	vcvt.f32.s32 v8  }
0x1f4: {  	vm11 =	veq.s32 v2, $0x4;
	v9 =	vcvt.f32.s32 v9;
	v7 =	vcvt.f32.s32 v7  }
0x1f5: {  	vm13 =	veq.s32 v2, $0x5;
	v5 =	vcvt.f32.s32 v5;
	v3 =	vcvt.f32.s32 v3  }
0x1f6: {  	v4 =	vcvt.f32.s32 v4;
	vm14 =	vlt.s32 v11, $0x3FF;
	vm4 =	vlt.s32 v13, $0x3FF  }
0x1f7: {  	vm6 =	vlt.s32 v14, $0x3FF;
	vm8 =	vlt.s32 v15, $0x3FF;
	vm10 =	vlt.s32 v16, $0x3FF  }
0x1f8: {  	vm12 =	vlt.s32 v17, $0x3FF;
	v11 =	vnsel vm14, $0x3FF, v11;
	v13 =	vnsel vm4, $0x3FF, v13  }
0x1f9: {  	v14 =	vnsel vm6, $0x3FF, v14;
	v15 =	vnsel vm8, $0x3FF, v15;
	v16 =	vnsel vm10, $0x3FF, v16  }
0x1fa: {  	v17 =	vnsel vm12, $0x3FF, v17;
	vm14 =	vlt.s32 v18, $0x3FF;
	vm4 =	vlt.s32 v19, $0x3FF  }
0x1fb: {  	vm6 =	vlt.s32 v20, $0x3FF;
	vm8 =	vlt.s32 v21, $0x3FF;
	vm10 =	vlt.s32 v22, $0x3FF  }
0x1fc: {  	vm12 =	vlt.s32 v12, $0x3FF;
	v41 =	vxor.u32 $0x3FF, v11;
	v42 =	vxor.u32 $0x3FF, v13  }
0x1fd: {  	v13 =	vadd.s32 $0x800, v13;
	v43 =	vxor.u32 $0x3FF, v14;
	v14 =	vadd.s32 $0x1000, v14  }
0x1fe: {  	v44 =	vxor.u32 $0x3FF, v15;
	v15 =	vadd.s32 $0x1800, v15;
	v46 =	vxor.u32 $0x3FF, v16  }
0x1ff: {  	v16 =	vadd.s32 $0x2000, v16;
	v47 =	vxor.u32 $0x3FF, v17;
	v17 =	vadd.s32 $0x2800, v17  }
0x200: {  	v18 =	vnsel vm14, $0x3FF, v18;
	v19 =	vnsel vm4, $0x3FF, v19;
	v20 =	vnsel vm6, $0x3FF, v20  }
0x201: {  	v21 =	vnsel vm8, $0x3FF, v21;
	v22 =	vnsel vm10, $0x3FF, v22;
	v12 =	vnsel vm12, $0x3FF, v12  }
0x202: {  	vm14 =	vlt.s32 v10, $0x3FF;
	vm4 =	vlt.s32 v8, $0x3FF;
	vm6 =	vlt.s32 v9, $0x3FF  }
0x203: {  	vm8 =	vlt.s32 v7, $0x3FF;
	vm10 =	vlt.s32 v5, $0x3FF;
	vm12 =	vlt.s32 v3, $0x3FF  }
0x204: {  	v23 =	vadd.s32 $0x400, v41;
	v45 =	vadd.s32 $0x1C00, v44;
	v48 =	vxor.u32 $0x3FF, v18  }
0x205: {  	v18 =	vadd.s32 $0x3000, v18;
	v50 =	vxor.u32 $0x3FF, v19;
	v19 =	vadd.s32 $0x3800, v19  }
0x206: {  	v51 =	vxor.u32 $0x3FF, v20;
	v20 =	vadd.s32 $0x4000, v20;
	v52 =	vxor.u32 $0x3FF, v21  }
0x207: {  	v21 =	vadd.s32 $0x4800, v21;
	v54 =	vxor.u32 $0x3FF, v22;
	v22 =	vadd.s32 $0x5000, v22  }
0x208: {  	v55 =	vxor.u32 $0x3FF, v12;
	v12 =	vadd.s32 $0x5800, v12;
	v10 =	vnsel vm14, $0x3FF, v10  }
0x209: {  	v8 =	vnsel vm4, $0x3FF, v8;
	v9 =	vnsel vm6, $0x3FF, v9;
	v7 =	vnsel vm8, $0x3FF, v7  }
0x20a: {  	v5 =	vnsel vm10, $0x3FF, v5;
	v3 =	vnsel vm12, $0x3FF, v3;
	vm14 =	veq.s32 v2, $0x11  }
0x20b: {  	v11 =	vsel vm15, v23, v11;
	v23 =	vadd.s32 $0xC00, v42;
	v15 =	vsel vm9, v45, v15  }
0x20c: {  	vm15 =	veq.s32 v2, $0x6;
	v49 =	vadd.s32 $0x3400, v48;
	vm9 =	veq.s32 v2, $0x9  }
0x20d: {  	v53 =	vadd.s32 $0x4C00, v52;
	v56 =	vxor.u32 $0x3FF, v10;
	v10 =	vadd.s32 $0x6000, v10  }
0x20e: {  	v57 =	vxor.u32 $0x3FF, v8;
	v58 =	vxor.u32 $0x3FF, v9;
	v8 =	vadd.s32 $0x6800, v8  }
0x20f: {  	v9 =	vadd.s32 $0x7000, v9;
	v13 =	vsel vm5, v23, v13;
	v23 =	vadd.s32 $0x1400, v43  }
0x210: {  	v59 =	vxor.u32 $0x3FF, v7;
	v7 =	vadd.s32 $0x7800, v7;
	v14 =	vsel vm7, v23, v14  }
0x211: {  	v61 =	vxor.u32 $0x3FF, v5;
	v5 =	vadd.s32 $0x8000, v5;
	v23 =	vadd.s32 $0x2400, v46  }
0x212: {  	v62 =	vxor.u32 $0x3FF, v3;
	v16 =	vsel vm11, v23, v16;
	v23 =	vadd.s32 $0x2C00, v47  }
0x213: {  	v3 =	vadd.s32 $0x8800, v3;
	v18 =	vsel vm15, v49, v18;
	v17 =	vsel vm13, v23, v17;
	[tilespmem:v11+s4+$0x0] =	vst.idx.add.f32.msk $0xffff, v1  }
0x214: {  	vm5 =	veq.s32 v2, $0x7;
	v21 =	vsel vm9, v53, v21;
	v23 =	vadd.s32 $0x3C00, v50;
	[tilespmem:v13+s4+$0x0] =	vst.idx.add.f32.msk $0xffff, v1  }
0x215: {  	vm7 =	veq.s32 v2, $0x8;
	v19 =	vsel vm5, v23, v19;
	v23 =	vadd.s32 $0x4400, v51;
	[tilespmem:v14+s4+$0x0] =	vst.idx.add.f32.msk $0xffff, v1  }
0x216: {  	vm15 =	veq.s32 v2, $0xC;
	v24 =	vadd.s32 $0x7400, v58;
	v20 =	vsel vm7, v23, v20;
	[tilespmem:v15+s4+$0x0] =	vst.idx.add.f32.msk $0xffff, v1  }
0x217: {  	vm9 =	veq.s32 v2, $0xF;
	vm11 =	veq.s32 v2, $0xA;
	v23 =	vadd.s32 $0x5400, v54;
	[tilespmem:v16+s4+$0x0] =	vst.idx.add.f32.msk $0xffff, v1  }
0x218: {  	vm13 =	veq.s32 v2, $0xB;
	v22 =	vsel vm11, v23, v22;
	v23 =	vadd.s32 $0x5C00, v55;
	[tilespmem:v17+s4+$0x0] =	vst.idx.add.f32.msk $0xffff, v1  }
0x219: {  	v60 =	vadd.s32 $0x7C00, v59;
	v12 =	vsel vm13, v23, v12;
	v23 =	vadd.s32 $0x6400, v56;
	[tilespmem:v18+s4+$0x0] =	vst.idx.add.f32.msk $0xffff, v1  }
0x21a: {  	vm5 =	veq.s32 v2, $0xD;
	v10 =	vsel vm15, v23, v10;
	v23 =	vadd.s32 $0x6C00, v57;
	[tilespmem:v19+s4+$0x0] =	vst.idx.add.f32.msk $0xffff, v1  }
0x21b: {  	v6 =	vsel vm9, v60, v7;
	vm7 =	veq.s32 v2, $0xE;
	v8 =	vsel vm5, v23, v8;
	[tilespmem:v20+s4+$0x0] =	vst.idx.add.f32.msk $0xffff, v1  }
0x21c: {  	v7 =	vadd.s32 $0x8400, v61;
	v9 =	vsel vm7, v24, v9;
	vm13 =	vlt.s32 v4, $0x3FF;
	[tilespmem:v21+s4+$0x0] =	vst.idx.add.f32.msk $0xffff, v1  }
0x21d: {  	v11 =	vadd.s32 $0x8C00, v62;
	vm11 =	veq.s32 v2, $0x10;
	v4 =	vnsel vm13, $0x3FF, v4;
	[tilespmem:v22+s4+$0x0] =	vst.idx.add.f32.msk $0xffff, v1  }
0x21e: {  	v3 =	vsel vm14, v11, v3;
	v5 =	vsel vm11, v7, v5;
	v63 =	vxor.u32 $0x3FF, v4;
	[tilespmem:v12+s4+$0x0] =	vst.idx.add.f32.msk $0xffff, v1  }
0x21f: {  	s28 =	sadd.s32 $0x2, s28;
	vm15 =	veq.s32 v2, $0x12;
	v4 =	vadd.s32 $0x9000, v4;
	v2 =	vadd.s32 $0x9400, v63;
	[tilespmem:v10+s4+$0x0] =	vst.idx.add.f32.msk $0xffff, v1  }
0x220: {  	p1 =	slt.u32 s28, $0x3E;
	v2 =	vsel vm15, v2, v4;
	[tilespmem:v8+s4+$0x0] =	vst.idx.add.f32.msk $0xffff, v1  }
.Ltmp4:
0x221: {  	[tilespmem:v9+s4+$0x0] =	vst.idx.add.f32.msk $0xffff, v1;
	(pc) =	sbr.rel @p1 .LBB2_7-.Ltmp4, $4  }
0x222: {  	[tilespmem:v6+s4+$0x0] =	vst.idx.add.f32.msk $0xffff, v1  }
0x223: {  	[tilespmem:v5+s4+$0x0] =	vst.idx.add.f32.msk $0xffff, v1  }
0x224: {  	s31 =	sadd.s32 $0x1, s31;
	[tilespmem:v3+s4+$0x0] =	vst.idx.add.f32.msk $0xffff, v1  }
0x225: {  	s2 =	sadd.s32 $0x100, s2;
	s30 =	sadd.s32 $0x20, s30;
	s29 =	sadd.s32 $0x20, s29;
	[tilespmem:v2+s4+$0x0] =	vst.idx.add.f32.msk $0xffff, v1  }
.Ltmp5:
0x226: {  	(pc) =	sbr.rel @p0 .LBB2_10-.Ltmp5, $1  }
0x227: {  	_ =	sdelay $0x3  }
0x228: {  	s0 =	sadd.s32 s26, s10  }
.Ltmp6:
0x229: {  	s5 =	simm.s32 $0x2000;
	s6 =	simm.s32 $0x400000;
	(pc) =	sbr.rel .LBB2_4-.Ltmp6, $4  }
0x22a: {  	s7 =	simm.s32 $0xF800;
	s2 =	sadd.s32 s1, s0;
	s0 =	sshrl.u32 s0, $0x3  }
0x22b: {  	[tilespmem:s7], [sflag:$0x2] =	stream.strided.gather [hbm4b:s2+s5], $0x6000, s6, s5, $0x38;
	[tilespmem:$0x16000] =	vst v63  }
0x22c: {  	s31 =	simm.s32 $0x15C00;
	s25 =	sadd.s32 $0x1, s25;
	s0 =	sadd.s32 s3, s0  }
0x22d: {  	[tilespmem:s31], [sflag:$0x4] =	stream.linear.gather [hbm4b:s0+s4], $0x400, $0x38;
	[tilespmem:$0x16000] =	vst v63  }
.LBB2_11:
0x22e: {  	_ =	sfence.sel $0x180000  }
0x22f: {  	[bflag:$0x0] =	sbarrier.arrive $0xFFFF  }
0x230: {  	_ =	strace $0x90000047  }
0x231: {  	s0 =	stileid.u32;
	[bflag:$0x2] =	sbarrier.arrive $0xFFFF  }
0x232: {  	p0 =	sne.s32 s0, $0x0;
	s0 =	rddreg [dreg:$0x3]  }
0x233: {  	s0 =	sadd.s32 @!p0 $0x100000, s0  }
0x234: {  	[sflag:s0] =	ssyncadd.tile.s32 @!p0 $0x1;
	_ =	shalt  }
.Lfunc_end2:
_tile_overlayer_lowered:
.L_overlay_start_2:
0x235: {  	(tag) =	ssettag $0x2  }
0x236: {  	s0 =	rddreg [dreg:$0x0];
	s2 =	stileid.u32  }
0x237: {  	s1 =	rddreg [dreg:$0x1];
	p0 =	sne.s32 s2, $0x0  }
0x238: {  	s3 =	rddreg [dreg:$0x2];
	[bflag:$0x3] =	sbarrier.arrive $0xFFFF;
	s2 =	simm.s32 @!p0 $0x1C05  }
0x239: {  	[timem:s3], [sflag:s2] =	dma.local @!p0 [hbm:s0], s1  }
0x23a: {  	s0 =	simm.s32 @!p0 $0x5  }
0x23b: {  	_ =	swait.ge @!p0 [sflag:s0], s1  }
0x23c: {  	s1 =	ssub.s32 @!p0 $0x0, s1;
	[sflag:s0] =	ssyncset.done @!p0 $0x0  }
0x23d: {  	[sflag:s0] =	ssyncadd.s32 @!p0 s1  }
0x23e: {  	[bflag:$0x3] =	sbarrier.arrive $0xFFFF  }
0x23f: {  	_ =	shalt  }

</sc_bundles>
